<compile_context>
chip_gen: v7x
topology: tpu7x:2x2x1
jax: 0.10.2.dev20260603
libtpu: 0.0.44.dev20260713+nightly
codegen_flags: <defaults>
</compile_context>

<pallas_src>
import functools

import jax
import jax.numpy as jnp
from jax import lax
from jax.experimental import pallas as pl
from jax.experimental.pallas import tpu as pltpu
from jax.experimental.pallas import tpu_sc as plsc

B = 8
H = 256
W = 256
P = 2048
NUM_H = 256
IN_MASK_MULT = 3.0
NPIX = H * W
CHUNK = NPIX // 16
PAD = 256
BPC = B // 2


def _sc_extract_body(mask_hbm, uv_hbm, pos_hbm, u0_hbm, u1_hbm,
                     mvm, u0vm, u1vm, sp, s0, s1, gi, cpub, crd, csm,
                     g_pos, g_u0, g_u1, ld_sem, st_sem):
    cid = lax.axis_index("c")
    sid = lax.axis_index("s")
    lanes = jnp.arange(16, dtype=jnp.int32)
    b0 = cid * BPC
    c0 = sid * CHUNK

    d1 = pltpu.async_copy(mask_hbm.at[pl.ds(b0, BPC), pl.ds(c0, CHUNK)],
                          mvm, ld_sem)
    d2 = pltpu.async_copy(uv_hbm.at[pl.ds(b0, BPC), pl.ds(c0, CHUNK)],
                          u0vm, ld_sem)
    d3 = pltpu.async_copy(uv_hbm.at[pl.ds(8 + b0, BPC), pl.ds(c0, CHUNK)],
                          u1vm, ld_sem)
    d1.wait()
    d2.wait()
    d3.wait()

    cnts = []
    for tb in range(BPC):
        def rank_step(s, cnt, tb=tb):
            mv = mvm[tb, pl.ds(s * 16, 16)]
            pm = mv > 0
            excl = plsc.cumsum(mv) - mv
            k = tb * PAD + cnt + excl
            row = k >> 7
            col = k & 127
            posv = c0 + s * 16 + lanes
            plsc.store_scatter(sp, [row, col], posv, mask=pm)
            plsc.store_scatter(s0, [row, col], u0vm[tb, pl.ds(s * 16, 16)],
                               mask=pm)
            plsc.store_scatter(s1, [row, col], u1vm[tb, pl.ds(s * 16, 16)],
                               mask=pm)
            return cnt + plsc.all_reduce_population_count(pm)

        cnts.append(lax.fori_loop(0, CHUNK // 16, rank_step,
                                  jnp.zeros((16,), jnp.int32)))

    pubv = jnp.zeros((16,), jnp.int32)
    for tb in range(BPC):
        pubv = jnp.where(lanes == tb, cnts[tb], pubv)
    cpub[...] = pubv
    pltpu.sync_copy(cpub, csm.at[sid])
    plsc.subcore_barrier()
    pltpu.sync_copy(csm, crd)

    basev = jnp.zeros((16,), jnp.int32)
    for s in range(16):
        rowv = crd[s]
        basev = basev + jnp.where(s < sid, rowv, 0)

    for tb in range(BPC):
        base_t = basev[tb]
        for s in range(PAD // 16):
            kloc = s * 16 + lanes
            gidx = jnp.where(kloc < cnts[tb],
                             tb * 2 * P + base_t + kloc,
                             tb * 2 * P + P + kloc)
            gi[tb * (PAD // 128) + s // 8, pl.ds((s % 8) * 16, 16)] = gidx

    descs = []
    for r in range(BPC * PAD // 128):
        descs.append(pltpu.async_copy(sp.at[r], g_pos.at[gi.at[r]], st_sem))
        descs.append(pltpu.async_copy(s0.at[r], g_u0.at[gi.at[r]], st_sem))
        descs.append(pltpu.async_copy(s1.at[r], g_u1.at[gi.at[r]], st_sem))
    for d in descs:
        d.wait()
    plsc.subcore_barrier()

    for tb in range(BPC):
        for a, (gsrc, dst) in enumerate([(g_pos, pos_hbm), (g_u0, u0_hbm),
                                         (g_u1, u1_hbm)]):
            @pl.when(sid == tb * 3 + a)
            def _(tb=tb, gsrc=gsrc, dst=dst):
                pltpu.sync_copy(gsrc.at[pl.ds(tb * 2 * P, P)],
                                dst.at[pl.ds((b0 + tb) * P, P)])


def _sc_extract(mask_flat, uv_flat):
    n = B * P
    kern = pl.kernel(
        _sc_extract_body,
        out_type=[
            jax.ShapeDtypeStruct((n,), jnp.int32),
            jax.ShapeDtypeStruct((n,), jnp.float32),
            jax.ShapeDtypeStruct((n,), jnp.float32),
        ],
        mesh=plsc.VectorSubcoreMesh(core_axis_name="c", subcore_axis_name="s"),
        compiler_params=pltpu.CompilerParams(needs_layout_passes=False),
        scratch_types=[
            pltpu.VMEM((BPC, CHUNK), jnp.int32),
            pltpu.VMEM((BPC, CHUNK), jnp.float32),
            pltpu.VMEM((BPC, CHUNK), jnp.float32),
            pltpu.VMEM((BPC * PAD // 128, 128), jnp.int32),
            pltpu.VMEM((BPC * PAD // 128, 128), jnp.float32),
            pltpu.VMEM((BPC * PAD // 128, 128), jnp.float32),
            pltpu.VMEM((BPC * PAD // 128, 128), jnp.int32),
            pltpu.VMEM((16,), jnp.int32),
            pltpu.VMEM((16, 16), jnp.int32),
            pltpu.VMEM_SHARED((16, 16), jnp.int32),
            pltpu.VMEM_SHARED((BPC * 2 * P,), jnp.int32),
            pltpu.VMEM_SHARED((BPC * 2 * P,), jnp.float32),
            pltpu.VMEM_SHARED((BPC * 2 * P,), jnp.float32),
            pltpu.SemaphoreType.DMA,
            pltpu.SemaphoreType.DMA,
        ],
    )
    return kern(mask_flat, uv_flat)


def _tc_body(pos_ref, u0_ref, u1_ref, hy_in, hx_in, out_in, px_ref):
    pos = pos_ref[0]
    ptsy_i = pos >> 8
    ptsx_i = pos & 255
    ptsy = ptsy_i.astype(jnp.float32)
    ptsx = ptsx_i.astype(jnp.float32)
    u0r = u0_ref[0]
    u1r = u1_ref[0]
    hy = hy_in[0]
    hx = hx_in[0]
    outl = out_in[0] > 0.0

    sgn = (hy - ptsy) * u0r + (hx - ptsx) * u1r
    w = jnp.sum((sgn > 0).astype(jnp.float32), axis=1, keepdims=True)
    eq = (hy.astype(jnp.int32) == ptsy_i) & (hx.astype(jnp.int32) == ptsx_i)
    him = jnp.sum(eq.astype(jnp.int32), axis=1, keepdims=True)
    w = jnp.where(him == 1, IN_MASK_MULT, 1.0) * w
    w = jnp.where(outl, 0.0, w)
    w = w / jnp.maximum(jnp.sum(w), 1.0)
    wmy = jnp.sum(hy * w)
    wmx = jnp.sum(hx * w)

    lane = lax.broadcasted_iota(jnp.int32, (1, 128), 1)
    px_ref[0] = jnp.where(lane == 0, wmx, jnp.where(lane == 1, wmy, 0.0))


def _tc_vote(pos3, u03, u13, hycol, hxcol, outcol):
    row_spec = pl.BlockSpec((1, 1, P), lambda b: (b, 0, 0))
    col_spec = pl.BlockSpec((1, NUM_H, 1), lambda b: (b, 0, 0))
    return pl.pallas_call(
        _tc_body,
        grid=(B,),
        in_specs=[row_spec, row_spec, row_spec, col_spec, col_spec, col_spec],
        out_specs=[pl.BlockSpec((1, 1, 128), lambda b: (b, 0, 0))],
        out_shape=[
            jax.ShapeDtypeStruct((B, 1, 128), jnp.float32),
        ],
    )(pos3, u03, u13, hycol, hxcol, outcol)


def _pair_indices():
    key = jax.random.key(42)
    iis, jjs = [], []
    for b in range(B):
        k1, k2 = jax.random.split(jax.random.fold_in(key, b))
        i = jax.random.randint(k1, (NUM_H,), 0, P)
        j = jax.random.randint(k2, (NUM_H,), 0, P - 1)
        j = j + (j >= i).astype(j.dtype)
        iis.append(i)
        jjs.append(j)
    return jnp.stack(iis), jnp.stack(jjs)


@jax.jit
def kernel(uv_img, instance_masks):
    mask_flat = instance_masks.reshape(B, NPIX).astype(jnp.int32)
    uv_flat = jnp.transpose(uv_img.reshape(B, 2, NPIX),
                            (1, 0, 2)).reshape(2 * B, NPIX)

    pos, u0, u1 = _sc_extract(mask_flat, uv_flat)

    ii, jj = _pair_indices()
    posr = pos.reshape(B, P)
    u0r = u0.reshape(B, P)
    u1r = u1.reshape(B, P)
    ptsy = posr >> 8
    ptsx = posr & 255

    hyps, safes, outls = [], [], []
    for b in range(B):
        pts = jnp.stack([ptsy[b], ptsx[b]], axis=1)
        pt1 = pts[ii[b]]
        pt2 = pts[jj[b]]
        uv_b = uv_img[b]
        uv1 = uv_b[:, pt1[:, 0], pt1[:, 1]].T
        uv2 = uv_b[:, pt2[:, 0], pt2[:, 1]].T
        A = jnp.stack([uv1, -uv2], axis=-1)
        Bv = (pt2 - pt1).astype(jnp.float32)[:, :, None]
        t = jnp.matmul(jnp.linalg.pinv(A), Bv)
        Y = pt1.astype(jnp.float32) + t[:, 0, 0][:, None] * uv1
        mu = jnp.mean(Y, axis=0, keepdims=True)
        sd = jnp.std(Y, axis=0, keepdims=True)
        outlier = jnp.any(jnp.abs(Y - mu) > sd, axis=-1)
        h_safe = jnp.where(outlier[:, None], 0.0, Y)
        hyps.append(Y)
        safes.append(h_safe)
        outls.append(outlier)
    hyp = jnp.stack(hyps)
    pruned = jnp.stack(safes)
    outm = jnp.stack(outls)

    pos3 = posr.reshape(B, 1, P)
    u03 = u0r.reshape(B, 1, P)
    u13 = u1r.reshape(B, 1, P)
    hycol = pruned[:, :, 0].reshape(B, NUM_H, 1)
    hxcol = pruned[:, :, 1].reshape(B, NUM_H, 1)
    outcol = outm.astype(jnp.float32).reshape(B, NUM_H, 1)

    (pxm,) = _tc_vote(pos3, u03, u13, hycol, hxcol, outcol)

    px = pxm[:, 0, :2]
    return px, hyp, pruned

# --- scband reference (transcript-rebuilt; emitter-appended) ---
"""Pipeline reference for scband-hough-voting-layer-86792699117605 (READ-ONLY COPY).

The authoritative reference and input builder live on the scoring server;
editing this copy changes nothing except your own understanding.
"""

import jax, jax.numpy as jnp
import numpy as np

B, H, W = 8, 256, 256
P = 2048
NUM_H = 256
IN_MASK_MULT = 3.0
STD_K = 1.0
EPS = 1e-12


def setup_inputs(seed: int = 0):
    rng = np.random.default_rng(0)
    mask = np.zeros((B, H, W), dtype=bool)
    for i in range(B):
        flat = mask[i].reshape(-1)
        flat[rng.permutation(H * W)[:P]] = True
    key = jax.random.key(seed)
    uv_img = jax.random.normal(key, (B, 2, H, W), dtype=jnp.float32)
    return {"uv_img": uv_img, "instance_masks": jnp.asarray(mask)}


def _sample_pair_idx(key, n_pts, n_hyp):
    # uniform sampling of 2 distinct point indices per hypothesis (torch.multinomial with uniform weights)
    k1, k2 = jax.random.split(key)
    i = jax.random.randint(k1, (n_hyp,), 0, n_pts)
    j = jax.random.randint(k2, (n_hyp,), 0, n_pts - 1)
    j = j + (j >= i).astype(j.dtype)
    return i, j


def _hypothesis(uv_b, pts, i, j):
    # line-intersection hypotheses: pt1 + t1*uv1 = pt2 + t2*uv2, solved by pinverse
    pt1 = pts[i]
    pt2 = pts[j]
    uv1 = uv_b[:, pt1[:, 0], pt1[:, 1]].T
    uv2 = uv_b[:, pt2[:, 0], pt2[:, 1]].T
    A = jnp.stack([uv1, -uv2], axis=-1)  # [Nh,2,2]
    Bv = (pt2 - pt1).astype(jnp.float32)[:, :, None]  # [Nh,2,1]
    t = jnp.matmul(jnp.linalg.pinv(A), Bv)  # [Nh,2,1]
    Y = pt1.astype(jnp.float32) + t[:, 0, 0][:, None] * uv1
    return Y


def _instance_forward(uv_b, pts, i, j):
    Y = _hypothesis(uv_b, pts, i, j)
    # prun_outliers: std trimming, outliers marked (torch sets them NaN, later zeroed)
    mu = jnp.mean(Y, axis=0, keepdims=True)
    sd = jnp.std(Y, axis=0, keepdims=True)
    outlier = jnp.any(jnp.abs(Y - mu) > STD_K * sd, axis=-1)
    h_safe = jnp.where(outlier[:, None], 0.0, Y)
    # hypothesis weights: inlier count of direction agreements
    pts_uv = uv_b[:, pts[:, 0], pts[:, 1]].T  # [P,2]
    a = h_safe[:, None, :] - pts.astype(jnp.float32)[None, :, :]  # [Nh,P,2]
    nrm = jnp.maximum(jnp.linalg.norm(a, axis=-1, keepdims=True), EPS)
    a = a / nrm
    b = jnp.sum(a * pts_uv[None, :, :], axis=-1) > 0
    w = jnp.sum(b, axis=-1).astype(jnp.float32)
    match = h_safe.astype(jnp.int32)[:, None, :] == pts[None, :, :].astype(jnp.int32)
    h_in_mask = jnp.sum(jnp.logical_and(match[..., 0], match[..., 1]), axis=1)
    factor = jnp.where(h_in_mask == 1, IN_MASK_MULT, 1.0)
    w = factor * w
    w = jnp.where(outlier, 0.0, w)  # outlier rows carry zero weight (NaN rows in torch)
    w = w / jnp.maximum(jnp.sum(w), 1.0)
    wm = jnp.sum(h_safe * w[:, None], axis=0)
    pixel_xy = wm[jnp.array([1, 0])]
    return pixel_xy, Y, h_safe


def reference(uv_img, instance_masks):
    key = jax.random.key(42)
    px, hyp, pruned = [], [], []
    for bidx in range(B):
        ys, xs = jnp.nonzero(instance_masks[bidx], size=P)
        pts = jnp.stack([ys, xs], axis=1)
        i, j = _sample_pair_idx(jax.random.fold_in(key, bidx), P, NUM_H)
        p, Y, hs = _instance_forward(uv_img[bidx], pts, i, j)
        px.append(p)
        hyp.append(Y)
        pruned.append(hs)
    return jnp.stack(px), jnp.stack(hyp), jnp.stack(pruned)

if __name__ == "__main__":
    import jax
    _d = setup_inputs()
    print(jax.jit(kernel)(*tuple(_d.values())))

</pallas_src>

<mosaic_0001>
#map = affine_map<(d0, d1) -> (0, 0)>
#map1 = affine_map<(d0, d1) -> (0)>
module attributes {stable_mosaic.version = 14 : i64} {
  func.func @_sc_extract_body(%arg0: i32, %arg1: i32, %arg2: memref<8x65536xi32, #tpu.memory_space<hbm>>, %arg3: memref<16x65536xf32, #tpu.memory_space<hbm>>, %arg4: memref<16384xi32, #tpu.memory_space<hbm>>, %arg5: memref<16384xf32, #tpu.memory_space<hbm>>, %arg6: memref<16384xf32, #tpu.memory_space<hbm>>, %arg7: memref<4x4096xi32, #tpu.memory_space<vmem>>, %arg8: memref<4x4096xf32, #tpu.memory_space<vmem>>, %arg9: memref<4x4096xf32, #tpu.memory_space<vmem>>, %arg10: memref<8x128xi32, #tpu.memory_space<vmem>>, %arg11: memref<8x128xf32, #tpu.memory_space<vmem>>, %arg12: memref<8x128xf32, #tpu.memory_space<vmem>>, %arg13: memref<8x128xi32, #tpu.memory_space<vmem>>, %arg14: memref<16xi32, #tpu.memory_space<vmem>>, %arg15: memref<16x16xi32, #tpu.memory_space<vmem>>, %arg16: memref<16x16xi32, #tpu.memory_space<vmem_shared>>, %arg17: memref<16384xi32, #tpu.memory_space<vmem_shared>>, %arg18: memref<16384xf32, #tpu.memory_space<vmem_shared>>, %arg19: memref<16384xf32, #tpu.memory_space<vmem_shared>>, %arg20: memref<!tpu.dma_semaphore, #tpu.memory_space<semaphore_mem>>, %arg21: memref<!tpu.dma_semaphore, #tpu.memory_space<semaphore_mem>>) attributes {dimension_semantics = [#tpu.dimension_semantics<core_parallel>, #tpu.dimension_semantics<subcore_parallel>], iteration_bounds = array<i64: 2, 16>, scalar_prefetch = 0 : i64, scratch_operands = 15 : i64, tpu.core_type = #tpu.core_type<sc_vector_subcore>, window_params = [{transform_indices = #map}, {transform_indices = #map}, {transform_indices = #map1}, {transform_indices = #map1}, {transform_indices = #map1}]} {
    %iota3A = tpu.iota {dimensions = array<i32: 0>} : vector<16xi32>
    %mul3A = arith.constant 4 : i32
    %mul3A_0 = arith.muli %arg0, %mul3A : i32
    %mul3A_1 = arith.constant 4096 : i32
    %mul3A_2 = arith.muli %arg1, %mul3A_1 : i32
    %dma_start3A = tpu.memref_slice %arg2[%mul3A_0, %mul3A_2] : memref<8x65536xi32, #tpu.memory_space<hbm>> -> memref<4x4096xi32, #tpu.memory_space<hbm>>
    %dma_start3A_3 = tpu.memref_slice %arg2[%mul3A_0, %mul3A_2] : memref<8x65536xi32, #tpu.memory_space<hbm>> -> memref<4x4096xi32, #tpu.memory_space<hbm>>
    tpu.enqueue_dma source(%dma_start3A_3 : memref<4x4096xi32, #tpu.memory_space<hbm>>) target(%arg7 : memref<4x4096xi32, #tpu.memory_space<vmem>>) target_semaphore(%arg20 : memref<!tpu.dma_semaphore, #tpu.memory_space<semaphore_mem>>)
    %dma_start3A_4 = tpu.memref_slice %arg3[%mul3A_0, %mul3A_2] : memref<16x65536xf32, #tpu.memory_space<hbm>> -> memref<4x4096xf32, #tpu.memory_space<hbm>>
    %dma_start3A_5 = tpu.memref_slice %arg3[%mul3A_0, %mul3A_2] : memref<16x65536xf32, #tpu.memory_space<hbm>> -> memref<4x4096xf32, #tpu.memory_space<hbm>>
    tpu.enqueue_dma source(%dma_start3A_5 : memref<4x4096xf32, #tpu.memory_space<hbm>>) target(%arg8 : memref<4x4096xf32, #tpu.memory_space<vmem>>) target_semaphore(%arg20 : memref<!tpu.dma_semaphore, #tpu.memory_space<semaphore_mem>>)
    %add3A = arith.constant 8 : i32
    %add3A_6 = arith.addi %add3A, %mul3A_0 : i32
    %dma_start3A_7 = tpu.memref_slice %arg3[%add3A_6, %mul3A_2] : memref<16x65536xf32, #tpu.memory_space<hbm>> -> memref<4x4096xf32, #tpu.memory_space<hbm>>
    %dma_start3A_8 = tpu.memref_slice %arg3[%add3A_6, %mul3A_2] : memref<16x65536xf32, #tpu.memory_space<hbm>> -> memref<4x4096xf32, #tpu.memory_space<hbm>>
    tpu.enqueue_dma source(%dma_start3A_8 : memref<4x4096xf32, #tpu.memory_space<hbm>>) target(%arg9 : memref<4x4096xf32, #tpu.memory_space<vmem>>) target_semaphore(%arg20 : memref<!tpu.dma_semaphore, #tpu.memory_space<semaphore_mem>>)
    %dma_wait3A = tpu.memref_slice %arg2[%mul3A_0, %mul3A_2] : memref<8x65536xi32, #tpu.memory_space<hbm>> -> memref<4x4096xi32, #tpu.memory_space<hbm>>
    %dma_wait3A_9 = tpu.memref_slice %arg2[%mul3A_0, %mul3A_2] : memref<8x65536xi32, #tpu.memory_space<hbm>> -> memref<4x4096xi32, #tpu.memory_space<hbm>>
    tpu.wait_dma2 semaphore(%arg20 : memref<!tpu.dma_semaphore, #tpu.memory_space<semaphore_mem>>) src(%dma_wait3A_9 : memref<4x4096xi32, #tpu.memory_space<hbm>>) dst(%arg7 : memref<4x4096xi32, #tpu.memory_space<vmem>>)
    %dma_wait3A_10 = tpu.memref_slice %arg3[%mul3A_0, %mul3A_2] : memref<16x65536xf32, #tpu.memory_space<hbm>> -> memref<4x4096xf32, #tpu.memory_space<hbm>>
    %dma_wait3A_11 = tpu.memref_slice %arg3[%mul3A_0, %mul3A_2] : memref<16x65536xf32, #tpu.memory_space<hbm>> -> memref<4x4096xf32, #tpu.memory_space<hbm>>
    tpu.wait_dma2 semaphore(%arg20 : memref<!tpu.dma_semaphore, #tpu.memory_space<semaphore_mem>>) src(%dma_wait3A_11 : memref<4x4096xf32, #tpu.memory_space<hbm>>) dst(%arg8 : memref<4x4096xf32, #tpu.memory_space<vmem>>)
    %dma_wait3A_12 = tpu.memref_slice %arg3[%add3A_6, %mul3A_2] : memref<16x65536xf32, #tpu.memory_space<hbm>> -> memref<4x4096xf32, #tpu.memory_space<hbm>>
    %dma_wait3A_13 = tpu.memref_slice %arg3[%add3A_6, %mul3A_2] : memref<16x65536xf32, #tpu.memory_space<hbm>> -> memref<4x4096xf32, #tpu.memory_space<hbm>>
    tpu.wait_dma2 semaphore(%arg20 : memref<!tpu.dma_semaphore, #tpu.memory_space<semaphore_mem>>) src(%dma_wait3A_13 : memref<4x4096xf32, #tpu.memory_space<hbm>>) dst(%arg9 : memref<4x4096xf32, #tpu.memory_space<vmem>>)
    %broadcast_in_dim3A = arith.constant 0 : i32
    %broadcast_in_dim3A_14 = vector.broadcast %broadcast_in_dim3A : i32 to vector<16xi32>
    %scan3A = arith.constant 0 : i32
    %scan3A_15 = arith.constant 256 : i32
    %scan3A_16 = arith.addi %scan3A, %scan3A_15 : i32
    %scan3A_17 = arith.constant 1 : i32
    %scan3A_18 = scf.for %scan3A_1788 = %scan3A to %scan3A_16 step %scan3A_17 iter_args(%scan3A_1789 = %broadcast_in_dim3A_14) -> (vector<16xi32>)  : i32 {
      %mul3A_1790 = arith.constant 16 : i32
      %mul3A_1791 = arith.muli %scan3A_1788, %mul3A_1790 : i32
      %get3A_1792 = arith.constant 0 : i32
      %get3A_1793 = arith.index_cast %get3A_1792 : i32 to index
      %get3A_1794 = arith.index_cast %mul3A_1791 : i32 to index
      %get3A_1795 = tpu.vector_load %arg7[%get3A_1793, %get3A_1794] {strides = array<i32>} : memref<4x4096xi32, #tpu.memory_space<vmem>>, vector<16xi32>,
      %gt3A_1796 = arith.constant 0 : i32
      %gt3A_1797 = vector.broadcast %gt3A_1796 : i32 to vector<16xi32>
      %gt3A_1798 = arith.cmpi sgt, %get3A_1795, %gt3A_1797 : vector<16xi32>
      %broadcast_in_dim3A_1799 = arith.constant true
      %broadcast_in_dim3A_1800 = vector.broadcast %broadcast_in_dim3A_1799 : i1 to vector<16xi1>
      %masked_cumsum3A = tpu.scan <sum>, %get3A_1795 masked %broadcast_in_dim3A_1800 : vector<16xi32>, vector<16xi1> -> vector<16xi32>
      %sub3A = arith.subi %masked_cumsum3A, %get3A_1795 : vector<16xi32>
      %add3A_1801 = arith.constant 0 : i32
      %add3A_1802 = vector.broadcast %add3A_1801 : i32 to vector<16xi32>
      %add3A_1803 = arith.addi %add3A_1802, %scan3A_1789 : vector<16xi32>
      %add3A_1804 = arith.addi %add3A_1803, %sub3A : vector<16xi32>
      %shift_right_arithmetic3A = arith.constant 7 : i32
      %shift_right_arithmetic3A_1805 = vector.broadcast %shift_right_arithmetic3A : i32 to vector<16xi32>
      %shift_right_arithmetic3A_1806 = arith.shrsi %add3A_1804, %shift_right_arithmetic3A_1805 : vector<16xi32>
      %and3A = arith.constant 127 : i32
      %and3A_1807 = vector.broadcast %and3A : i32 to vector<16xi32>
      %and3A_1808 = arith.andi %add3A_1804, %and3A_1807 : vector<16xi32>
      %mul3A_1809 = arith.constant 16 : i32
      %mul3A_1810 = arith.muli %scan3A_1788, %mul3A_1809 : i32
      %add3A_1811 = arith.addi %mul3A_2, %mul3A_1810 : i32
      %add3A_1812 = vector.broadcast %add3A_1811 : i32 to vector<16xi32>
      %add3A_1813 = arith.addi %add3A_1812, %iota3A : vector<16xi32>
      tpu.vector_store_idx %arg10[%shift_right_arithmetic3A_1806, %and3A_1808], %add3A_1813 masked %gt3A_1798 : memref<8x128xi32, #tpu.memory_space<vmem>>[vector<16xi32>, vector<16xi32>], vector<16xi32>, vector<16xi1>
      %mul3A_1814 = arith.constant 16 : i32
      %mul3A_1815 = arith.muli %scan3A_1788, %mul3A_1814 : i32
      %get3A_1816 = arith.constant 0 : i32
      %get3A_1817 = arith.index_cast %get3A_1816 : i32 to index
      %get3A_1818 = arith.index_cast %mul3A_1815 : i32 to index
      %get3A_1819 = tpu.vector_load %arg8[%get3A_1817, %get3A_1818] {strides = array<i32>} : memref<4x4096xf32, #tpu.memory_space<vmem>>, vector<16xf32>,
      tpu.vector_store_idx %arg11[%shift_right_arithmetic3A_1806, %and3A_1808], %get3A_1819 masked %gt3A_1798 : memref<8x128xf32, #tpu.memory_space<vmem>>[vector<16xi32>, vector<16xi32>], vector<16xf32>, vector<16xi1>
      %mul3A_1820 = arith.constant 16 : i32
      %mul3A_1821 = arith.muli %scan3A_1788, %mul3A_1820 : i32
      %get3A_1822 = arith.constant 0 : i32
      %get3A_1823 = arith.index_cast %get3A_1822 : i32 to index
      %get3A_1824 = arith.index_cast %mul3A_1821 : i32 to index
      %get3A_1825 = tpu.vector_load %arg9[%get3A_1823, %get3A_1824] {strides = array<i32>} : memref<4x4096xf32, #tpu.memory_space<vmem>>, vector<16xf32>,
      tpu.vector_store_idx %arg12[%shift_right_arithmetic3A_1806, %and3A_1808], %get3A_1825 masked %gt3A_1798 : memref<8x128xf32, #tpu.memory_space<vmem>>[vector<16xi32>, vector<16xi32>], vector<16xf32>, vector<16xi1>
      %all_reduce_population_count3A = tpu.all_reduce %gt3A_1798 {dim = 0 : i64, kind = #tpu.reduction_kind<sum>} : vector<16xi1> -> vector<16xi32>
      %add3A_1826 = arith.addi %scan3A_1789, %all_reduce_population_count3A : vector<16xi32>
      scf.yield %add3A_1826 : vector<16xi32>
    }
    %scan3A_19 = arith.constant 256 : i32
    %broadcast_in_dim3A_20 = arith.constant 0 : i32
    %broadcast_in_dim3A_21 = vector.broadcast %broadcast_in_dim3A_20 : i32 to vector<16xi32>
    %scan3A_22 = arith.constant 0 : i32
    %scan3A_23 = arith.constant 256 : i32
    %scan3A_24 = arith.addi %scan3A_22, %scan3A_23 : i32
    %scan3A_25 = arith.constant 1 : i32
    %scan3A_26 = scf.for %scan3A_1788 = %scan3A_22 to %scan3A_24 step %scan3A_25 iter_args(%scan3A_1789 = %broadcast_in_dim3A_21) -> (vector<16xi32>)  : i32 {
      %mul3A_1790 = arith.constant 16 : i32
      %mul3A_1791 = arith.muli %scan3A_1788, %mul3A_1790 : i32
      %get3A_1792 = arith.constant 1 : i32
      %get3A_1793 = arith.index_cast %get3A_1792 : i32 to index
      %get3A_1794 = arith.index_cast %mul3A_1791 : i32 to index
      %get3A_1795 = tpu.vector_load %arg7[%get3A_1793, %get3A_1794] {strides = array<i32>} : memref<4x4096xi32, #tpu.memory_space<vmem>>, vector<16xi32>,
      %gt3A_1796 = arith.constant 0 : i32
      %gt3A_1797 = vector.broadcast %gt3A_1796 : i32 to vector<16xi32>
      %gt3A_1798 = arith.cmpi sgt, %get3A_1795, %gt3A_1797 : vector<16xi32>
      %broadcast_in_dim3A_1799 = arith.constant true
      %broadcast_in_dim3A_1800 = vector.broadcast %broadcast_in_dim3A_1799 : i1 to vector<16xi1>
      %masked_cumsum3A = tpu.scan <sum>, %get3A_1795 masked %broadcast_in_dim3A_1800 : vector<16xi32>, vector<16xi1> -> vector<16xi32>
      %sub3A = arith.subi %masked_cumsum3A, %get3A_1795 : vector<16xi32>
      %add3A_1801 = arith.constant 256 : i32
      %add3A_1802 = vector.broadcast %add3A_1801 : i32 to vector<16xi32>
      %add3A_1803 = arith.addi %add3A_1802, %scan3A_1789 : vector<16xi32>
      %add3A_1804 = arith.addi %add3A_1803, %sub3A : vector<16xi32>
      %shift_right_arithmetic3A = arith.constant 7 : i32
      %shift_right_arithmetic3A_1805 = vector.broadcast %shift_right_arithmetic3A : i32 to vector<16xi32>
      %shift_right_arithmetic3A_1806 = arith.shrsi %add3A_1804, %shift_right_arithmetic3A_1805 : vector<16xi32>
      %and3A = arith.constant 127 : i32
      %and3A_1807 = vector.broadcast %and3A : i32 to vector<16xi32>
      %and3A_1808 = arith.andi %add3A_1804, %and3A_1807 : vector<16xi32>
      %mul3A_1809 = arith.constant 16 : i32
      %mul3A_1810 = arith.muli %scan3A_1788, %mul3A_1809 : i32
      %add3A_1811 = arith.addi %mul3A_2, %mul3A_1810 : i32
      %add3A_1812 = vector.broadcast %add3A_1811 : i32 to vector<16xi32>
      %add3A_1813 = arith.addi %add3A_1812, %iota3A : vector<16xi32>
      tpu.vector_store_idx %arg10[%shift_right_arithmetic3A_1806, %and3A_1808], %add3A_1813 masked %gt3A_1798 : memref<8x128xi32, #tpu.memory_space<vmem>>[vector<16xi32>, vector<16xi32>], vector<16xi32>, vector<16xi1>
      %mul3A_1814 = arith.constant 16 : i32
      %mul3A_1815 = arith.muli %scan3A_1788, %mul3A_1814 : i32
      %get3A_1816 = arith.constant 1 : i32
      %get3A_1817 = arith.index_cast %get3A_1816 : i32 to index
      %get3A_1818 = arith.index_cast %mul3A_1815 : i32 to index
      %get3A_1819 = tpu.vector_load %arg8[%get3A_1817, %get3A_1818] {strides = array<i32>} : memref<4x4096xf32, #tpu.memory_space<vmem>>, vector<16xf32>,
      tpu.vector_store_idx %arg11[%shift_right_arithmetic3A_1806, %and3A_1808], %get3A_1819 masked %gt3A_1798 : memref<8x128xf32, #tpu.memory_space<vmem>>[vector<16xi32>, vector<16xi32>], vector<16xf32>, vector<16xi1>
      %mul3A_1820 = arith.constant 16 : i32
      %mul3A_1821 = arith.muli %scan3A_1788, %mul3A_1820 : i32
      %get3A_1822 = arith.constant 1 : i32
      %get3A_1823 = arith.index_cast %get3A_1822 : i32 to index
      %get3A_1824 = arith.index_cast %mul3A_1821 : i32 to index
      %get3A_1825 = tpu.vector_load %arg9[%get3A_1823, %get3A_1824] {strides = array<i32>} : memref<4x4096xf32, #tpu.memory_space<vmem>>, vector<16xf32>,
      tpu.vector_store_idx %arg12[%shift_right_arithmetic3A_1806, %and3A_1808], %get3A_1825 masked %gt3A_1798 : memref<8x128xf32, #tpu.memory_space<vmem>>[vector<16xi32>, vector<16xi32>], vector<16xf32>, vector<16xi1>
      %all_reduce_population_count3A = tpu.all_reduce %gt3A_1798 {dim = 0 : i64, kind = #tpu.reduction_kind<sum>} : vector<16xi1> -> vector<16xi32>
      %add3A_1826 = arith.addi %scan3A_1789, %all_reduce_population_count3A : vector<16xi32>
      scf.yield %add3A_1826 : vector<16xi32>
    }
    %scan3A_27 = arith.constant 256 : i32
    %broadcast_in_dim3A_28 = arith.constant 0 : i32
    %broadcast_in_dim3A_29 = vector.broadcast %broadcast_in_dim3A_28 : i32 to vector<16xi32>
    %scan3A_30 = arith.constant 0 : i32
    %scan3A_31 = arith.constant 256 : i32
    %scan3A_32 = arith.addi %scan3A_30, %scan3A_31 : i32
    %scan3A_33 = arith.constant 1 : i32
    %scan3A_34 = scf.for %scan3A_1788 = %scan3A_30 to %scan3A_32 step %scan3A_33 iter_args(%scan3A_1789 = %broadcast_in_dim3A_29) -> (vector<16xi32>)  : i32 {
      %mul3A_1790 = arith.constant 16 : i32
      %mul3A_1791 = arith.muli %scan3A_1788, %mul3A_1790 : i32
      %get3A_1792 = arith.constant 2 : i32
      %get3A_1793 = arith.index_cast %get3A_1792 : i32 to index
      %get3A_1794 = arith.index_cast %mul3A_1791 : i32 to index
      %get3A_1795 = tpu.vector_load %arg7[%get3A_1793, %get3A_1794] {strides = array<i32>} : memref<4x4096xi32, #tpu.memory_space<vmem>>, vector<16xi32>,
      %gt3A_1796 = arith.constant 0 : i32
      %gt3A_1797 = vector.broadcast %gt3A_1796 : i32 to vector<16xi32>
      %gt3A_1798 = arith.cmpi sgt, %get3A_1795, %gt3A_1797 : vector<16xi32>
      %broadcast_in_dim3A_1799 = arith.constant true
      %broadcast_in_dim3A_1800 = vector.broadcast %broadcast_in_dim3A_1799 : i1 to vector<16xi1>
      %masked_cumsum3A = tpu.scan <sum>, %get3A_1795 masked %broadcast_in_dim3A_1800 : vector<16xi32>, vector<16xi1> -> vector<16xi32>
      %sub3A = arith.subi %masked_cumsum3A, %get3A_1795 : vector<16xi32>
      %add3A_1801 = arith.constant 512 : i32
      %add3A_1802 = vector.broadcast %add3A_1801 : i32 to vector<16xi32>
      %add3A_1803 = arith.addi %add3A_1802, %scan3A_1789 : vector<16xi32>
      %add3A_1804 = arith.addi %add3A_1803, %sub3A : vector<16xi32>
      %shift_right_arithmetic3A = arith.constant 7 : i32
      %shift_right_arithmetic3A_1805 = vector.broadcast %shift_right_arithmetic3A : i32 to vector<16xi32>
      %shift_right_arithmetic3A_1806 = arith.shrsi %add3A_1804, %shift_right_arithmetic3A_1805 : vector<16xi32>
      %and3A = arith.constant 127 : i32
      %and3A_1807 = vector.broadcast %and3A : i32 to vector<16xi32>
      %and3A_1808 = arith.andi %add3A_1804, %and3A_1807 : vector<16xi32>
      %mul3A_1809 = arith.constant 16 : i32
      %mul3A_1810 = arith.muli %scan3A_1788, %mul3A_1809 : i32
      %add3A_1811 = arith.addi %mul3A_2, %mul3A_1810 : i32
      %add3A_1812 = vector.broadcast %add3A_1811 : i32 to vector<16xi32>
      %add3A_1813 = arith.addi %add3A_1812, %iota3A : vector<16xi32>
      tpu.vector_store_idx %arg10[%shift_right_arithmetic3A_1806, %and3A_1808], %add3A_1813 masked %gt3A_1798 : memref<8x128xi32, #tpu.memory_space<vmem>>[vector<16xi32>, vector<16xi32>], vector<16xi32>, vector<16xi1>
      %mul3A_1814 = arith.constant 16 : i32
      %mul3A_1815 = arith.muli %scan3A_1788, %mul3A_1814 : i32
      %get3A_1816 = arith.constant 2 : i32
      %get3A_1817 = arith.index_cast %get3A_1816 : i32 to index
      %get3A_1818 = arith.index_cast %mul3A_1815 : i32 to index
      %get3A_1819 = tpu.vector_load %arg8[%get3A_1817, %get3A_1818] {strides = array<i32>} : memref<4x4096xf32, #tpu.memory_space<vmem>>, vector<16xf32>,
      tpu.vector_store_idx %arg11[%shift_right_arithmetic3A_1806, %and3A_1808], %get3A_1819 masked %gt3A_1798 : memref<8x128xf32, #tpu.memory_space<vmem>>[vector<16xi32>, vector<16xi32>], vector<16xf32>, vector<16xi1>
      %mul3A_1820 = arith.constant 16 : i32
      %mul3A_1821 = arith.muli %scan3A_1788, %mul3A_1820 : i32
      %get3A_1822 = arith.constant 2 : i32
      %get3A_1823 = arith.index_cast %get3A_1822 : i32 to index
      %get3A_1824 = arith.index_cast %mul3A_1821 : i32 to index
      %get3A_1825 = tpu.vector_load %arg9[%get3A_1823, %get3A_1824] {strides = array<i32>} : memref<4x4096xf32, #tpu.memory_space<vmem>>, vector<16xf32>,
      tpu.vector_store_idx %arg12[%shift_right_arithmetic3A_1806, %and3A_1808], %get3A_1825 masked %gt3A_1798 : memref<8x128xf32, #tpu.memory_space<vmem>>[vector<16xi32>, vector<16xi32>], vector<16xf32>, vector<16xi1>
      %all_reduce_population_count3A = tpu.all_reduce %gt3A_1798 {dim = 0 : i64, kind = #tpu.reduction_kind<sum>} : vector<16xi1> -> vector<16xi32>
      %add3A_1826 = arith.addi %scan3A_1789, %all_reduce_population_count3A : vector<16xi32>
      scf.yield %add3A_1826 : vector<16xi32>
    }
    %scan3A_35 = arith.constant 256 : i32
    %broadcast_in_dim3A_36 = arith.constant 0 : i32
    %broadcast_in_dim3A_37 = vector.broadcast %broadcast_in_dim3A_36 : i32 to vector<16xi32>
    %scan3A_38 = arith.constant 0 : i32
    %scan3A_39 = arith.constant 256 : i32
    %scan3A_40 = arith.addi %scan3A_38, %scan3A_39 : i32
    %scan3A_41 = arith.constant 1 : i32
    %scan3A_42 = scf.for %scan3A_1788 = %scan3A_38 to %scan3A_40 step %scan3A_41 iter_args(%scan3A_1789 = %broadcast_in_dim3A_37) -> (vector<16xi32>)  : i32 {
      %mul3A_1790 = arith.constant 16 : i32
      %mul3A_1791 = arith.muli %scan3A_1788, %mul3A_1790 : i32
      %get3A_1792 = arith.constant 3 : i32
      %get3A_1793 = arith.index_cast %get3A_1792 : i32 to index
      %get3A_1794 = arith.index_cast %mul3A_1791 : i32 to index
      %get3A_1795 = tpu.vector_load %arg7[%get3A_1793, %get3A_1794] {strides = array<i32>} : memref<4x4096xi32, #tpu.memory_space<vmem>>, vector<16xi32>,
      %gt3A_1796 = arith.constant 0 : i32
      %gt3A_1797 = vector.broadcast %gt3A_1796 : i32 to vector<16xi32>
      %gt3A_1798 = arith.cmpi sgt, %get3A_1795, %gt3A_1797 : vector<16xi32>
      %broadcast_in_dim3A_1799 = arith.constant true
      %broadcast_in_dim3A_1800 = vector.broadcast %broadcast_in_dim3A_1799 : i1 to vector<16xi1>
      %masked_cumsum3A = tpu.scan <sum>, %get3A_1795 masked %broadcast_in_dim3A_1800 : vector<16xi32>, vector<16xi1> -> vector<16xi32>
      %sub3A = arith.subi %masked_cumsum3A, %get3A_1795 : vector<16xi32>
      %add3A_1801 = arith.constant 768 : i32
      %add3A_1802 = vector.broadcast %add3A_1801 : i32 to vector<16xi32>
      %add3A_1803 = arith.addi %add3A_1802, %scan3A_1789 : vector<16xi32>
      %add3A_1804 = arith.addi %add3A_1803, %sub3A : vector<16xi32>
      %shift_right_arithmetic3A = arith.constant 7 : i32
      %shift_right_arithmetic3A_1805 = vector.broadcast %shift_right_arithmetic3A : i32 to vector<16xi32>
      %shift_right_arithmetic3A_1806 = arith.shrsi %add3A_1804, %shift_right_arithmetic3A_1805 : vector<16xi32>
      %and3A = arith.constant 127 : i32
      %and3A_1807 = vector.broadcast %and3A : i32 to vector<16xi32>
      %and3A_1808 = arith.andi %add3A_1804, %and3A_1807 : vector<16xi32>
      %mul3A_1809 = arith.constant 16 : i32
      %mul3A_1810 = arith.muli %scan3A_1788, %mul3A_1809 : i32
      %add3A_1811 = arith.addi %mul3A_2, %mul3A_1810 : i32
      %add3A_1812 = vector.broadcast %add3A_1811 : i32 to vector<16xi32>
      %add3A_1813 = arith.addi %add3A_1812, %iota3A : vector<16xi32>
      tpu.vector_store_idx %arg10[%shift_right_arithmetic3A_1806, %and3A_1808], %add3A_1813 masked %gt3A_1798 : memref<8x128xi32, #tpu.memory_space<vmem>>[vector<16xi32>, vector<16xi32>], vector<16xi32>, vector<16xi1>
      %mul3A_1814 = arith.constant 16 : i32
      %mul3A_1815 = arith.muli %scan3A_1788, %mul3A_1814 : i32
      %get3A_1816 = arith.constant 3 : i32
      %get3A_1817 = arith.index_cast %get3A_1816 : i32 to index
      %get3A_1818 = arith.index_cast %mul3A_1815 : i32 to index
      %get3A_1819 = tpu.vector_load %arg8[%get3A_1817, %get3A_1818] {strides = array<i32>} : memref<4x4096xf32, #tpu.memory_space<vmem>>, vector<16xf32>,
      tpu.vector_store_idx %arg11[%shift_right_arithmetic3A_1806, %and3A_1808], %get3A_1819 masked %gt3A_1798 : memref<8x128xf32, #tpu.memory_space<vmem>>[vector<16xi32>, vector<16xi32>], vector<16xf32>, vector<16xi1>
      %mul3A_1820 = arith.constant 16 : i32
      %mul3A_1821 = arith.muli %scan3A_1788, %mul3A_1820 : i32
      %get3A_1822 = arith.constant 3 : i32
      %get3A_1823 = arith.index_cast %get3A_1822 : i32 to index
      %get3A_1824 = arith.index_cast %mul3A_1821 : i32 to index
      %get3A_1825 = tpu.vector_load %arg9[%get3A_1823, %get3A_1824] {strides = array<i32>} : memref<4x4096xf32, #tpu.memory_space<vmem>>, vector<16xf32>,
      tpu.vector_store_idx %arg12[%shift_right_arithmetic3A_1806, %and3A_1808], %get3A_1825 masked %gt3A_1798 : memref<8x128xf32, #tpu.memory_space<vmem>>[vector<16xi32>, vector<16xi32>], vector<16xf32>, vector<16xi1>
      %all_reduce_population_count3A = tpu.all_reduce %gt3A_1798 {dim = 0 : i64, kind = #tpu.reduction_kind<sum>} : vector<16xi1> -> vector<16xi32>
      %add3A_1826 = arith.addi %scan3A_1789, %all_reduce_population_count3A : vector<16xi32>
      scf.yield %add3A_1826 : vector<16xi32>
    }
    %scan3A_43 = arith.constant 256 : i32
    %broadcast_in_dim3A_44 = arith.constant 0 : i32
    %broadcast_in_dim3A_45 = vector.broadcast %broadcast_in_dim3A_44 : i32 to vector<16xi32>
    %eq3A = arith.constant 0 : i32
    %eq3A_46 = vector.broadcast %eq3A : i32 to vector<16xi32>
    %eq3A_47 = arith.cmpi eq, %iota3A, %eq3A_46 : vector<16xi32>
    %select_n3A = arith.select %eq3A_47, %scan3A_18, %broadcast_in_dim3A_45 : vector<16xi1>, vector<16xi32>
    %eq3A_48 = arith.constant 1 : i32
    %eq3A_49 = vector.broadcast %eq3A_48 : i32 to vector<16xi32>
    %eq3A_50 = arith.cmpi eq, %iota3A, %eq3A_49 : vector<16xi32>
    %select_n3A_51 = arith.select %eq3A_50, %scan3A_26, %select_n3A : vector<16xi1>, vector<16xi32>
    %eq3A_52 = arith.constant 2 : i32
    %eq3A_53 = vector.broadcast %eq3A_52 : i32 to vector<16xi32>
    %eq3A_54 = arith.cmpi eq, %iota3A, %eq3A_53 : vector<16xi32>
    %select_n3A_55 = arith.select %eq3A_54, %scan3A_34, %select_n3A_51 : vector<16xi1>, vector<16xi32>
    %eq3A_56 = arith.constant 3 : i32
    %eq3A_57 = vector.broadcast %eq3A_56 : i32 to vector<16xi32>
    %eq3A_58 = arith.cmpi eq, %iota3A, %eq3A_57 : vector<16xi32>
    %select_n3A_59 = arith.select %eq3A_58, %scan3A_42, %select_n3A_55 : vector<16xi1>, vector<16xi32>
    %swap3A = arith.constant 0 : index
    %swap3A_60 = tpu.vector_load %arg14[%swap3A] {strides = array<i32>} : memref<16xi32, #tpu.memory_space<vmem>>, vector<16xi32>,
    tpu.vector_store %arg14[%swap3A], %select_n3A_59 {strides = array<i32>} : memref<16xi32, #tpu.memory_space<vmem>>, vector<16xi32>,
    "tpu.region"() ({
      %run_scoped3A = tpu.sem_alloc : memref<!tpu.dma_semaphore, #tpu.memory_space<semaphore_mem>>
      %dma_start3A_1788 = arith.constant 0 : i32
      %dma_start3A_1789 = tpu.memref_slice %arg16[%arg1, %dma_start3A_1788] : memref<16x16xi32, #tpu.memory_space<vmem_shared>> -> memref<1x16xi32, #tpu.memory_space<vmem_shared>>
      %dma_start3A_1790 = tpu.memref_squeeze %dma_start3A_1789 : memref<1x16xi32, #tpu.memory_space<vmem_shared>> -> memref<16xi32, #tpu.memory_space<vmem_shared>>
      %dma_start3A_1791 = arith.constant 0 : i32
      %dma_start3A_1792 = tpu.memref_slice %arg16[%arg1, %dma_start3A_1791] : memref<16x16xi32, #tpu.memory_space<vmem_shared>> -> memref<1x16xi32, #tpu.memory_space<vmem_shared>>
      %dma_start3A_1793 = tpu.memref_squeeze %dma_start3A_1792 : memref<1x16xi32, #tpu.memory_space<vmem_shared>> -> memref<16xi32, #tpu.memory_space<vmem_shared>>
      tpu.enqueue_dma source(%arg14 : memref<16xi32, #tpu.memory_space<vmem>>) target(%dma_start3A_1793 : memref<16xi32, #tpu.memory_space<vmem_shared>>) target_semaphore(%run_scoped3A : memref<!tpu.dma_semaphore, #tpu.memory_space<semaphore_mem>>)
      %dma_wait3A_1794 = arith.constant 0 : i32
      %dma_wait3A_1795 = tpu.memref_slice %arg16[%arg1, %dma_wait3A_1794] : memref<16x16xi32, #tpu.memory_space<vmem_shared>> -> memref<1x16xi32, #tpu.memory_space<vmem_shared>>
      %dma_wait3A_1796 = tpu.memref_squeeze %dma_wait3A_1795 : memref<1x16xi32, #tpu.memory_space<vmem_shared>> -> memref<16xi32, #tpu.memory_space<vmem_shared>>
      %dma_wait3A_1797 = arith.constant 0 : i32
      %dma_wait3A_1798 = tpu.memref_slice %arg16[%arg1, %dma_wait3A_1797] : memref<16x16xi32, #tpu.memory_space<vmem_shared>> -> memref<1x16xi32, #tpu.memory_space<vmem_shared>>
      %dma_wait3A_1799 = tpu.memref_squeeze %dma_wait3A_1798 : memref<1x16xi32, #tpu.memory_space<vmem_shared>> -> memref<16xi32, #tpu.memory_space<vmem_shared>>
      tpu.wait_dma2 semaphore(%run_scoped3A : memref<!tpu.dma_semaphore, #tpu.memory_space<semaphore_mem>>) src(%arg14 : memref<16xi32, #tpu.memory_space<vmem>>) dst(%dma_wait3A_1799 : memref<16xi32, #tpu.memory_space<vmem_shared>>)
      tpu.yield
    }) : () -> ()
    %barrier3A = arith.constant 0 : index
    tpu.barrier barrier_id(%barrier3A)
    "tpu.region"() ({
      %run_scoped3A = tpu.sem_alloc : memref<!tpu.dma_semaphore, #tpu.memory_space<semaphore_mem>>
      tpu.enqueue_dma source(%arg16 : memref<16x16xi32, #tpu.memory_space<vmem_shared>>) target(%arg15 : memref<16x16xi32, #tpu.memory_space<vmem>>) target_semaphore(%run_scoped3A : memref<!tpu.dma_semaphore, #tpu.memory_space<semaphore_mem>>)
      tpu.wait_dma2 semaphore(%run_scoped3A : memref<!tpu.dma_semaphore, #tpu.memory_space<semaphore_mem>>) src(%arg16 : memref<16x16xi32, #tpu.memory_space<vmem_shared>>) dst(%arg15 : memref<16x16xi32, #tpu.memory_space<vmem>>)
      tpu.yield
    }) : () -> ()
    %broadcast_in_dim3A_61 = arith.constant 0 : i32
    %broadcast_in_dim3A_62 = vector.broadcast %broadcast_in_dim3A_61 : i32 to vector<16xi32>
    %get3A = arith.constant 0 : i32
    %get3A_63 = arith.index_cast %get3A : i32 to index
    %get3A_64 = arith.constant 0 : index
    %get3A_65 = tpu.vector_load %arg15[%get3A_63, %get3A_64] {strides = array<i32>} : memref<16x16xi32, #tpu.memory_space<vmem>>, vector<16xi32>,
    %gt3A = arith.constant 0 : i32
    %gt3A_66 = arith.cmpi sgt, %arg1, %gt3A : i32
    %jit3A = arith.constant 0 : i32
    %broadcast_in_dim3A_67 = vector.broadcast %jit3A : i32 to vector<16xi32>
    %select_n3A_68 = arith.select %gt3A_66, %get3A_65, %broadcast_in_dim3A_67 : vector<16xi32>
    %add3A_69 = arith.addi %broadcast_in_dim3A_62, %select_n3A_68 : vector<16xi32>
    %get3A_70 = arith.constant 1 : i32
    %get3A_71 = arith.index_cast %get3A_70 : i32 to index
    %get3A_72 = arith.constant 0 : index
    %get3A_73 = tpu.vector_load %arg15[%get3A_71, %get3A_72] {strides = array<i32>} : memref<16x16xi32, #tpu.memory_space<vmem>>, vector<16xi32>,
    %gt3A_74 = arith.constant 1 : i32
    %gt3A_75 = arith.cmpi sgt, %arg1, %gt3A_74 : i32
    %jit3A_76 = arith.constant 0 : i32
    %broadcast_in_dim3A_77 = vector.broadcast %jit3A_76 : i32 to vector<16xi32>
    %select_n3A_78 = arith.select %gt3A_75, %get3A_73, %broadcast_in_dim3A_77 : vector<16xi32>
    %add3A_79 = arith.addi %add3A_69, %select_n3A_78 : vector<16xi32>
    %get3A_80 = arith.constant 2 : i32
    %get3A_81 = arith.index_cast %get3A_80 : i32 to index
    %get3A_82 = arith.constant 0 : index
    %get3A_83 = tpu.vector_load %arg15[%get3A_81, %get3A_82] {strides = array<i32>} : memref<16x16xi32, #tpu.memory_space<vmem>>, vector<16xi32>,
    %gt3A_84 = arith.constant 2 : i32
    %gt3A_85 = arith.cmpi sgt, %arg1, %gt3A_84 : i32
    %jit3A_86 = arith.constant 0 : i32
    %broadcast_in_dim3A_87 = vector.broadcast %jit3A_86 : i32 to vector<16xi32>
    %select_n3A_88 = arith.select %gt3A_85, %get3A_83, %broadcast_in_dim3A_87 : vector<16xi32>
    %add3A_89 = arith.addi %add3A_79, %select_n3A_88 : vector<16xi32>
    %get3A_90 = arith.constant 3 : i32
    %get3A_91 = arith.index_cast %get3A_90 : i32 to index
    %get3A_92 = arith.constant 0 : index
    %get3A_93 = tpu.vector_load %arg15[%get3A_91, %get3A_92] {strides = array<i32>} : memref<16x16xi32, #tpu.memory_space<vmem>>, vector<16xi32>,
    %gt3A_94 = arith.constant 3 : i32
    %gt3A_95 = arith.cmpi sgt, %arg1, %gt3A_94 : i32
    %jit3A_96 = arith.constant 0 : i32
    %broadcast_in_dim3A_97 = vector.broadcast %jit3A_96 : i32 to vector<16xi32>
    %select_n3A_98 = arith.select %gt3A_95, %get3A_93, %broadcast_in_dim3A_97 : vector<16xi32>
    %add3A_99 = arith.addi %add3A_89, %select_n3A_98 : vector<16xi32>
    %get3A_100 = arith.constant 4 : i32
    %get3A_101 = arith.index_cast %get3A_100 : i32 to index
    %get3A_102 = arith.constant 0 : index
    %get3A_103 = tpu.vector_load %arg15[%get3A_101, %get3A_102] {strides = array<i32>} : memref<16x16xi32, #tpu.memory_space<vmem>>, vector<16xi32>,
    %gt3A_104 = arith.constant 4 : i32
    %gt3A_105 = arith.cmpi sgt, %arg1, %gt3A_104 : i32
    %jit3A_106 = arith.constant 0 : i32
    %broadcast_in_dim3A_107 = vector.broadcast %jit3A_106 : i32 to vector<16xi32>
    %select_n3A_108 = arith.select %gt3A_105, %get3A_103, %broadcast_in_dim3A_107 : vector<16xi32>
    %add3A_109 = arith.addi %add3A_99, %select_n3A_108 : vector<16xi32>
    %get3A_110 = arith.constant 5 : i32
    %get3A_111 = arith.index_cast %get3A_110 : i32 to index
    %get3A_112 = arith.constant 0 : index
    %get3A_113 = tpu.vector_load %arg15[%get3A_111, %get3A_112] {strides = array<i32>} : memref<16x16xi32, #tpu.memory_space<vmem>>, vector<16xi32>,
    %gt3A_114 = arith.constant 5 : i32
    %gt3A_115 = arith.cmpi sgt, %arg1, %gt3A_114 : i32
    %jit3A_116 = arith.constant 0 : i32
    %broadcast_in_dim3A_117 = vector.broadcast %jit3A_116 : i32 to vector<16xi32>
    %select_n3A_118 = arith.select %gt3A_115, %get3A_113, %broadcast_in_dim3A_117 : vector<16xi32>
    %add3A_119 = arith.addi %add3A_109, %select_n3A_118 : vector<16xi32>
    %get3A_120 = arith.constant 6 : i32
    %get3A_121 = arith.index_cast %get3A_120 : i32 to index
    %get3A_122 = arith.constant 0 : index
    %get3A_123 = tpu.vector_load %arg15[%get3A_121, %get3A_122] {strides = array<i32>} : memref<16x16xi32, #tpu.memory_space<vmem>>, vector<16xi32>,
    %gt3A_124 = arith.constant 6 : i32
    %gt3A_125 = arith.cmpi sgt, %arg1, %gt3A_124 : i32
    %jit3A_126 = arith.constant 0 : i32
    %broadcast_in_dim3A_127 = vector.broadcast %jit3A_126 : i32 to vector<16xi32>
    %select_n3A_128 = arith.select %gt3A_125, %get3A_123, %broadcast_in_dim3A_127 : vector<16xi32>
    %add3A_129 = arith.addi %add3A_119, %select_n3A_128 : vector<16xi32>
    %get3A_130 = arith.constant 7 : i32
    %get3A_131 = arith.index_cast %get3A_130 : i32 to index
    %get3A_132 = arith.constant 0 : index
    %get3A_133 = tpu.vector_load %arg15[%get3A_131, %get3A_132] {strides = array<i32>} : memref<16x16xi32, #tpu.memory_space<vmem>>, vector<16xi32>,
    %gt3A_134 = arith.constant 7 : i32
    %gt3A_135 = arith.cmpi sgt, %arg1, %gt3A_134 : i32
    %jit3A_136 = arith.constant 0 : i32
    %broadcast_in_dim3A_137 = vector.broadcast %jit3A_136 : i32 to vector<16xi32>
    %select_n3A_138 = arith.select %gt3A_135, %get3A_133, %broadcast_in_dim3A_137 : vector<16xi32>
    %add3A_139 = arith.addi %add3A_129, %select_n3A_138 : vector<16xi32>
    %get3A_140 = arith.constant 8 : i32
    %get3A_141 = arith.index_cast %get3A_140 : i32 to index
    %get3A_142 = arith.constant 0 : index
    %get3A_143 = tpu.vector_load %arg15[%get3A_141, %get3A_142] {strides = array<i32>} : memref<16x16xi32, #tpu.memory_space<vmem>>, vector<16xi32>,
    %gt3A_144 = arith.constant 8 : i32
    %gt3A_145 = arith.cmpi sgt, %arg1, %gt3A_144 : i32
    %jit3A_146 = arith.constant 0 : i32
    %broadcast_in_dim3A_147 = vector.broadcast %jit3A_146 : i32 to vector<16xi32>
    %select_n3A_148 = arith.select %gt3A_145, %get3A_143, %broadcast_in_dim3A_147 : vector<16xi32>
    %add3A_149 = arith.addi %add3A_139, %select_n3A_148 : vector<16xi32>
    %get3A_150 = arith.constant 9 : i32
    %get3A_151 = arith.index_cast %get3A_150 : i32 to index
    %get3A_152 = arith.constant 0 : index
    %get3A_153 = tpu.vector_load %arg15[%get3A_151, %get3A_152] {strides = array<i32>} : memref<16x16xi32, #tpu.memory_space<vmem>>, vector<16xi32>,
    %gt3A_154 = arith.constant 9 : i32
    %gt3A_155 = arith.cmpi sgt, %arg1, %gt3A_154 : i32
    %jit3A_156 = arith.constant 0 : i32
    %broadcast_in_dim3A_157 = vector.broadcast %jit3A_156 : i32 to vector<16xi32>
    %select_n3A_158 = arith.select %gt3A_155, %get3A_153, %broadcast_in_dim3A_157 : vector<16xi32>
    %add3A_159 = arith.addi %add3A_149, %select_n3A_158 : vector<16xi32>
    %get3A_160 = arith.constant 10 : i32
    %get3A_161 = arith.index_cast %get3A_160 : i32 to index
    %get3A_162 = arith.constant 0 : index
    %get3A_163 = tpu.vector_load %arg15[%get3A_161, %get3A_162] {strides = array<i32>} : memref<16x16xi32, #tpu.memory_space<vmem>>, vector<16xi32>,
    %gt3A_164 = arith.constant 10 : i32
    %gt3A_165 = arith.cmpi sgt, %arg1, %gt3A_164 : i32
    %jit3A_166 = arith.constant 0 : i32
    %broadcast_in_dim3A_167 = vector.broadcast %jit3A_166 : i32 to vector<16xi32>
    %select_n3A_168 = arith.select %gt3A_165, %get3A_163, %broadcast_in_dim3A_167 : vector<16xi32>
    %add3A_169 = arith.addi %add3A_159, %select_n3A_168 : vector<16xi32>
    %get3A_170 = arith.constant 11 : i32
    %get3A_171 = arith.index_cast %get3A_170 : i32 to index
    %get3A_172 = arith.constant 0 : index
    %get3A_173 = tpu.vector_load %arg15[%get3A_171, %get3A_172] {strides = array<i32>} : memref<16x16xi32, #tpu.memory_space<vmem>>, vector<16xi32>,
    %gt3A_174 = arith.constant 11 : i32
    %gt3A_175 = arith.cmpi sgt, %arg1, %gt3A_174 : i32
    %jit3A_176 = arith.constant 0 : i32
    %broadcast_in_dim3A_177 = vector.broadcast %jit3A_176 : i32 to vector<16xi32>
    %select_n3A_178 = arith.select %gt3A_175, %get3A_173, %broadcast_in_dim3A_177 : vector<16xi32>
    %add3A_179 = arith.addi %add3A_169, %select_n3A_178 : vector<16xi32>
    %get3A_180 = arith.constant 12 : i32
    %get3A_181 = arith.index_cast %get3A_180 : i32 to index
    %get3A_182 = arith.constant 0 : index
    %get3A_183 = tpu.vector_load %arg15[%get3A_181, %get3A_182] {strides = array<i32>} : memref<16x16xi32, #tpu.memory_space<vmem>>, vector<16xi32>,
    %gt3A_184 = arith.constant 12 : i32
    %gt3A_185 = arith.cmpi sgt, %arg1, %gt3A_184 : i32
    %jit3A_186 = arith.constant 0 : i32
    %broadcast_in_dim3A_187 = vector.broadcast %jit3A_186 : i32 to vector<16xi32>
    %select_n3A_188 = arith.select %gt3A_185, %get3A_183, %broadcast_in_dim3A_187 : vector<16xi32>
    %add3A_189 = arith.addi %add3A_179, %select_n3A_188 : vector<16xi32>
    %get3A_190 = arith.constant 13 : i32
    %get3A_191 = arith.index_cast %get3A_190 : i32 to index
    %get3A_192 = arith.constant 0 : index
    %get3A_193 = tpu.vector_load %arg15[%get3A_191, %get3A_192] {strides = array<i32>} : memref<16x16xi32, #tpu.memory_space<vmem>>, vector<16xi32>,
    %gt3A_194 = arith.constant 13 : i32
    %gt3A_195 = arith.cmpi sgt, %arg1, %gt3A_194 : i32
    %jit3A_196 = arith.constant 0 : i32
    %broadcast_in_dim3A_197 = vector.broadcast %jit3A_196 : i32 to vector<16xi32>
    %select_n3A_198 = arith.select %gt3A_195, %get3A_193, %broadcast_in_dim3A_197 : vector<16xi32>
    %add3A_199 = arith.addi %add3A_189, %select_n3A_198 : vector<16xi32>
    %get3A_200 = arith.constant 14 : i32
    %get3A_201 = arith.index_cast %get3A_200 : i32 to index
    %get3A_202 = arith.constant 0 : index
    %get3A_203 = tpu.vector_load %arg15[%get3A_201, %get3A_202] {strides = array<i32>} : memref<16x16xi32, #tpu.memory_space<vmem>>, vector<16xi32>,
    %gt3A_204 = arith.constant 14 : i32
    %gt3A_205 = arith.cmpi sgt, %arg1, %gt3A_204 : i32
    %jit3A_206 = arith.constant 0 : i32
    %broadcast_in_dim3A_207 = vector.broadcast %jit3A_206 : i32 to vector<16xi32>
    %select_n3A_208 = arith.select %gt3A_205, %get3A_203, %broadcast_in_dim3A_207 : vector<16xi32>
    %add3A_209 = arith.addi %add3A_199, %select_n3A_208 : vector<16xi32>
    %get3A_210 = arith.constant 15 : i32
    %get3A_211 = arith.index_cast %get3A_210 : i32 to index
    %get3A_212 = arith.constant 0 : index
    %get3A_213 = tpu.vector_load %arg15[%get3A_211, %get3A_212] {strides = array<i32>} : memref<16x16xi32, #tpu.memory_space<vmem>>, vector<16xi32>,
    %gt3A_214 = arith.constant 15 : i32
    %gt3A_215 = arith.cmpi sgt, %arg1, %gt3A_214 : i32
    %jit3A_216 = arith.constant 0 : i32
    %broadcast_in_dim3A_217 = vector.broadcast %jit3A_216 : i32 to vector<16xi32>
    %select_n3A_218 = arith.select %gt3A_215, %get3A_213, %broadcast_in_dim3A_217 : vector<16xi32>
    %add3A_219 = arith.addi %add3A_209, %select_n3A_218 : vector<16xi32>
    %slice3A = vector.extract_strided_slice %add3A_219 {offsets = [0], sizes = [1], strides = [1]} : vector<16xi32> to vector<1xi32>
    %squeeze3A = vector.extract %slice3A[0] : i32 from vector<1xi32>
    %add3A_220 = arith.constant 0 : i32
    %add3A_221 = vector.broadcast %add3A_220 : i32 to vector<16xi32>
    %add3A_222 = arith.addi %add3A_221, %iota3A : vector<16xi32>
    %lt3A = arith.cmpi slt, %add3A_222, %scan3A_18 : vector<16xi32>
    %add3A_223 = arith.constant 0 : i32
    %add3A_224 = arith.addi %add3A_223, %squeeze3A : i32
    %add3A_225 = vector.broadcast %add3A_224 : i32 to vector<16xi32>
    %add3A_226 = arith.addi %add3A_225, %add3A_222 : vector<16xi32>
    %add3A_227 = arith.constant 2048 : i32
    %add3A_228 = vector.broadcast %add3A_227 : i32 to vector<16xi32>
    %add3A_229 = arith.addi %add3A_228, %add3A_222 : vector<16xi32>
    %select_n3A_230 = arith.select %lt3A, %add3A_226, %add3A_229 : vector<16xi1>, vector<16xi32>
    %swap3A_231 = arith.constant 0 : i32
    %swap3A_232 = arith.index_cast %swap3A_231 : i32 to index
    %swap3A_233 = arith.constant 0 : index
    %swap3A_234 = tpu.vector_load %arg13[%swap3A_232, %swap3A_233] {strides = array<i32>} : memref<8x128xi32, #tpu.memory_space<vmem>>, vector<16xi32>,
    tpu.vector_store %arg13[%swap3A_232, %swap3A_233], %select_n3A_230 {strides = array<i32>} : memref<8x128xi32, #tpu.memory_space<vmem>>, vector<16xi32>,
    %add3A_235 = arith.constant 16 : i32
    %add3A_236 = vector.broadcast %add3A_235 : i32 to vector<16xi32>
    %add3A_237 = arith.addi %add3A_236, %iota3A : vector<16xi32>
    %lt3A_238 = arith.cmpi slt, %add3A_237, %scan3A_18 : vector<16xi32>
    %add3A_239 = arith.constant 0 : i32
    %add3A_240 = arith.addi %add3A_239, %squeeze3A : i32
    %add3A_241 = vector.broadcast %add3A_240 : i32 to vector<16xi32>
    %add3A_242 = arith.addi %add3A_241, %add3A_237 : vector<16xi32>
    %add3A_243 = arith.constant 2048 : i32
    %add3A_244 = vector.broadcast %add3A_243 : i32 to vector<16xi32>
    %add3A_245 = arith.addi %add3A_244, %add3A_237 : vector<16xi32>
    %select_n3A_246 = arith.select %lt3A_238, %add3A_242, %add3A_245 : vector<16xi1>, vector<16xi32>
    %swap3A_247 = arith.constant 0 : i32
    %swap3A_248 = arith.index_cast %swap3A_247 : i32 to index
    %swap3A_249 = arith.constant 16 : index
    %swap3A_250 = tpu.vector_load %arg13[%swap3A_248, %swap3A_249] {strides = array<i32>} : memref<8x128xi32, #tpu.memory_space<vmem>>, vector<16xi32>,
    tpu.vector_store %arg13[%swap3A_248, %swap3A_249], %select_n3A_246 {strides = array<i32>} : memref<8x128xi32, #tpu.memory_space<vmem>>, vector<16xi32>,
    %add3A_251 = arith.constant 32 : i32
    %add3A_252 = vector.broadcast %add3A_251 : i32 to vector<16xi32>
    %add3A_253 = arith.addi %add3A_252, %iota3A : vector<16xi32>
    %lt3A_254 = arith.cmpi slt, %add3A_253, %scan3A_18 : vector<16xi32>
    %add3A_255 = arith.constant 0 : i32
    %add3A_256 = arith.addi %add3A_255, %squeeze3A : i32
    %add3A_257 = vector.broadcast %add3A_256 : i32 to vector<16xi32>
    %add3A_258 = arith.addi %add3A_257, %add3A_253 : vector<16xi32>
    %add3A_259 = arith.constant 2048 : i32
    %add3A_260 = vector.broadcast %add3A_259 : i32 to vector<16xi32>
    %add3A_261 = arith.addi %add3A_260, %add3A_253 : vector<16xi32>
    %select_n3A_262 = arith.select %lt3A_254, %add3A_258, %add3A_261 : vector<16xi1>, vector<16xi32>
    %swap3A_263 = arith.constant 0 : i32
    %swap3A_264 = arith.index_cast %swap3A_263 : i32 to index
    %swap3A_265 = arith.constant 32 : index
    %swap3A_266 = tpu.vector_load %arg13[%swap3A_264, %swap3A_265] {strides = array<i32>} : memref<8x128xi32, #tpu.memory_space<vmem>>, vector<16xi32>,
    tpu.vector_store %arg13[%swap3A_264, %swap3A_265], %select_n3A_262 {strides = array<i32>} : memref<8x128xi32, #tpu.memory_space<vmem>>, vector<16xi32>,
    %add3A_267 = arith.constant 48 : i32
    %add3A_268 = vector.broadcast %add3A_267 : i32 to vector<16xi32>
    %add3A_269 = arith.addi %add3A_268, %iota3A : vector<16xi32>
    %lt3A_270 = arith.cmpi slt, %add3A_269, %scan3A_18 : vector<16xi32>
    %add3A_271 = arith.constant 0 : i32
    %add3A_272 = arith.addi %add3A_271, %squeeze3A : i32
    %add3A_273 = vector.broadcast %add3A_272 : i32 to vector<16xi32>
    %add3A_274 = arith.addi %add3A_273, %add3A_269 : vector<16xi32>
    %add3A_275 = arith.constant 2048 : i32
    %add3A_276 = vector.broadcast %add3A_275 : i32 to vector<16xi32>
    %add3A_277 = arith.addi %add3A_276, %add3A_269 : vector<16xi32>
    %select_n3A_278 = arith.select %lt3A_270, %add3A_274, %add3A_277 : vector<16xi1>, vector<16xi32>
    %swap3A_279 = arith.constant 0 : i32
    %swap3A_280 = arith.index_cast %swap3A_279 : i32 to index
    %swap3A_281 = arith.constant 48 : index
    %swap3A_282 = tpu.vector_load %arg13[%swap3A_280, %swap3A_281] {strides = array<i32>} : memref<8x128xi32, #tpu.memory_space<vmem>>, vector<16xi32>,
    tpu.vector_store %arg13[%swap3A_280, %swap3A_281], %select_n3A_278 {strides = array<i32>} : memref<8x128xi32, #tpu.memory_space<vmem>>, vector<16xi32>,
    %add3A_283 = arith.constant 64 : i32
    %add3A_284 = vector.broadcast %add3A_283 : i32 to vector<16xi32>
    %add3A_285 = arith.addi %add3A_284, %iota3A : vector<16xi32>
    %lt3A_286 = arith.cmpi slt, %add3A_285, %scan3A_18 : vector<16xi32>
    %add3A_287 = arith.constant 0 : i32
    %add3A_288 = arith.addi %add3A_287, %squeeze3A : i32
    %add3A_289 = vector.broadcast %add3A_288 : i32 to vector<16xi32>
    %add3A_290 = arith.addi %add3A_289, %add3A_285 : vector<16xi32>
    %add3A_291 = arith.constant 2048 : i32
    %add3A_292 = vector.broadcast %add3A_291 : i32 to vector<16xi32>
    %add3A_293 = arith.addi %add3A_292, %add3A_285 : vector<16xi32>
    %select_n3A_294 = arith.select %lt3A_286, %add3A_290, %add3A_293 : vector<16xi1>, vector<16xi32>
    %swap3A_295 = arith.constant 0 : i32
    %swap3A_296 = arith.index_cast %swap3A_295 : i32 to index
    %swap3A_297 = arith.constant 64 : index
    %swap3A_298 = tpu.vector_load %arg13[%swap3A_296, %swap3A_297] {strides = array<i32>} : memref<8x128xi32, #tpu.memory_space<vmem>>, vector<16xi32>,
    tpu.vector_store %arg13[%swap3A_296, %swap3A_297], %select_n3A_294 {strides = array<i32>} : memref<8x128xi32, #tpu.memory_space<vmem>>, vector<16xi32>,
    %add3A_299 = arith.constant 80 : i32
    %add3A_300 = vector.broadcast %add3A_299 : i32 to vector<16xi32>
    %add3A_301 = arith.addi %add3A_300, %iota3A : vector<16xi32>
    %lt3A_302 = arith.cmpi slt, %add3A_301, %scan3A_18 : vector<16xi32>
    %add3A_303 = arith.constant 0 : i32
    %add3A_304 = arith.addi %add3A_303, %squeeze3A : i32
    %add3A_305 = vector.broadcast %add3A_304 : i32 to vector<16xi32>
    %add3A_306 = arith.addi %add3A_305, %add3A_301 : vector<16xi32>
    %add3A_307 = arith.constant 2048 : i32
    %add3A_308 = vector.broadcast %add3A_307 : i32 to vector<16xi32>
    %add3A_309 = arith.addi %add3A_308, %add3A_301 : vector<16xi32>
    %select_n3A_310 = arith.select %lt3A_302, %add3A_306, %add3A_309 : vector<16xi1>, vector<16xi32>
    %swap3A_311 = arith.constant 0 : i32
    %swap3A_312 = arith.index_cast %swap3A_311 : i32 to index
    %swap3A_313 = arith.constant 80 : index
    %swap3A_314 = tpu.vector_load %arg13[%swap3A_312, %swap3A_313] {strides = array<i32>} : memref<8x128xi32, #tpu.memory_space<vmem>>, vector<16xi32>,
    tpu.vector_store %arg13[%swap3A_312, %swap3A_313], %select_n3A_310 {strides = array<i32>} : memref<8x128xi32, #tpu.memory_space<vmem>>, vector<16xi32>,
    %add3A_315 = arith.constant 96 : i32
    %add3A_316 = vector.broadcast %add3A_315 : i32 to vector<16xi32>
    %add3A_317 = arith.addi %add3A_316, %iota3A : vector<16xi32>
    %lt3A_318 = arith.cmpi slt, %add3A_317, %scan3A_18 : vector<16xi32>
    %add3A_319 = arith.constant 0 : i32
    %add3A_320 = arith.addi %add3A_319, %squeeze3A : i32
    %add3A_321 = vector.broadcast %add3A_320 : i32 to vector<16xi32>
    %add3A_322 = arith.addi %add3A_321, %add3A_317 : vector<16xi32>
    %add3A_323 = arith.constant 2048 : i32
    %add3A_324 = vector.broadcast %add3A_323 : i32 to vector<16xi32>
    %add3A_325 = arith.addi %add3A_324, %add3A_317 : vector<16xi32>
    %select_n3A_326 = arith.select %lt3A_318, %add3A_322, %add3A_325 : vector<16xi1>, vector<16xi32>
    %swap3A_327 = arith.constant 0 : i32
    %swap3A_328 = arith.index_cast %swap3A_327 : i32 to index
    %swap3A_329 = arith.constant 96 : index
    %swap3A_330 = tpu.vector_load %arg13[%swap3A_328, %swap3A_329] {strides = array<i32>} : memref<8x128xi32, #tpu.memory_space<vmem>>, vector<16xi32>,
    tpu.vector_store %arg13[%swap3A_328, %swap3A_329], %select_n3A_326 {strides = array<i32>} : memref<8x128xi32, #tpu.memory_space<vmem>>, vector<16xi32>,
    %add3A_331 = arith.constant 112 : i32
    %add3A_332 = vector.broadcast %add3A_331 : i32 to vector<16xi32>
    %add3A_333 = arith.addi %add3A_332, %iota3A : vector<16xi32>
    %lt3A_334 = arith.cmpi slt, %add3A_333, %scan3A_18 : vector<16xi32>
    %add3A_335 = arith.constant 0 : i32
    %add3A_336 = arith.addi %add3A_335, %squeeze3A : i32
    %add3A_337 = vector.broadcast %add3A_336 : i32 to vector<16xi32>
    %add3A_338 = arith.addi %add3A_337, %add3A_333 : vector<16xi32>
    %add3A_339 = arith.constant 2048 : i32
    %add3A_340 = vector.broadcast %add3A_339 : i32 to vector<16xi32>
    %add3A_341 = arith.addi %add3A_340, %add3A_333 : vector<16xi32>
    %select_n3A_342 = arith.select %lt3A_334, %add3A_338, %add3A_341 : vector<16xi1>, vector<16xi32>
    %swap3A_343 = arith.constant 0 : i32
    %swap3A_344 = arith.index_cast %swap3A_343 : i32 to index
    %swap3A_345 = arith.constant 112 : index
    %swap3A_346 = tpu.vector_load %arg13[%swap3A_344, %swap3A_345] {strides = array<i32>} : memref<8x128xi32, #tpu.memory_space<vmem>>, vector<16xi32>,
    tpu.vector_store %arg13[%swap3A_344, %swap3A_345], %select_n3A_342 {strides = array<i32>} : memref<8x128xi32, #tpu.memory_space<vmem>>, vector<16xi32>,
    %add3A_347 = arith.constant 128 : i32
    %add3A_348 = vector.broadcast %add3A_347 : i32 to vector<16xi32>
    %add3A_349 = arith.addi %add3A_348, %iota3A : vector<16xi32>
    %lt3A_350 = arith.cmpi slt, %add3A_349, %scan3A_18 : vector<16xi32>
    %add3A_351 = arith.constant 0 : i32
    %add3A_352 = arith.addi %add3A_351, %squeeze3A : i32
    %add3A_353 = vector.broadcast %add3A_352 : i32 to vector<16xi32>
    %add3A_354 = arith.addi %add3A_353, %add3A_349 : vector<16xi32>
    %add3A_355 = arith.constant 2048 : i32
    %add3A_356 = vector.broadcast %add3A_355 : i32 to vector<16xi32>
    %add3A_357 = arith.addi %add3A_356, %add3A_349 : vector<16xi32>
    %select_n3A_358 = arith.select %lt3A_350, %add3A_354, %add3A_357 : vector<16xi1>, vector<16xi32>
    %swap3A_359 = arith.constant 1 : i32
    %swap3A_360 = arith.index_cast %swap3A_359 : i32 to index
    %swap3A_361 = arith.constant 0 : index
    %swap3A_362 = tpu.vector_load %arg13[%swap3A_360, %swap3A_361] {strides = array<i32>} : memref<8x128xi32, #tpu.memory_space<vmem>>, vector<16xi32>,
    tpu.vector_store %arg13[%swap3A_360, %swap3A_361], %select_n3A_358 {strides = array<i32>} : memref<8x128xi32, #tpu.memory_space<vmem>>, vector<16xi32>,
    %add3A_363 = arith.constant 144 : i32
    %add3A_364 = vector.broadcast %add3A_363 : i32 to vector<16xi32>
    %add3A_365 = arith.addi %add3A_364, %iota3A : vector<16xi32>
    %lt3A_366 = arith.cmpi slt, %add3A_365, %scan3A_18 : vector<16xi32>
    %add3A_367 = arith.constant 0 : i32
    %add3A_368 = arith.addi %add3A_367, %squeeze3A : i32
    %add3A_369 = vector.broadcast %add3A_368 : i32 to vector<16xi32>
    %add3A_370 = arith.addi %add3A_369, %add3A_365 : vector<16xi32>
    %add3A_371 = arith.constant 2048 : i32
    %add3A_372 = vector.broadcast %add3A_371 : i32 to vector<16xi32>
    %add3A_373 = arith.addi %add3A_372, %add3A_365 : vector<16xi32>
    %select_n3A_374 = arith.select %lt3A_366, %add3A_370, %add3A_373 : vector<16xi1>, vector<16xi32>
    %swap3A_375 = arith.constant 1 : i32
    %swap3A_376 = arith.index_cast %swap3A_375 : i32 to index
    %swap3A_377 = arith.constant 16 : index
    %swap3A_378 = tpu.vector_load %arg13[%swap3A_376, %swap3A_377] {strides = array<i32>} : memref<8x128xi32, #tpu.memory_space<vmem>>, vector<16xi32>,
    tpu.vector_store %arg13[%swap3A_376, %swap3A_377], %select_n3A_374 {strides = array<i32>} : memref<8x128xi32, #tpu.memory_space<vmem>>, vector<16xi32>,
    %add3A_379 = arith.constant 160 : i32
    %add3A_380 = vector.broadcast %add3A_379 : i32 to vector<16xi32>
    %add3A_381 = arith.addi %add3A_380, %iota3A : vector<16xi32>
    %lt3A_382 = arith.cmpi slt, %add3A_381, %scan3A_18 : vector<16xi32>
    %add3A_383 = arith.constant 0 : i32
    %add3A_384 = arith.addi %add3A_383, %squeeze3A : i32
    %add3A_385 = vector.broadcast %add3A_384 : i32 to vector<16xi32>
    %add3A_386 = arith.addi %add3A_385, %add3A_381 : vector<16xi32>
    %add3A_387 = arith.constant 2048 : i32
    %add3A_388 = vector.broadcast %add3A_387 : i32 to vector<16xi32>
    %add3A_389 = arith.addi %add3A_388, %add3A_381 : vector<16xi32>
    %select_n3A_390 = arith.select %lt3A_382, %add3A_386, %add3A_389 : vector<16xi1>, vector<16xi32>
    %swap3A_391 = arith.constant 1 : i32
    %swap3A_392 = arith.index_cast %swap3A_391 : i32 to index
    %swap3A_393 = arith.constant 32 : index
    %swap3A_394 = tpu.vector_load %arg13[%swap3A_392, %swap3A_393] {strides = array<i32>} : memref<8x128xi32, #tpu.memory_space<vmem>>, vector<16xi32>,
    tpu.vector_store %arg13[%swap3A_392, %swap3A_393], %select_n3A_390 {strides = array<i32>} : memref<8x128xi32, #tpu.memory_space<vmem>>, vector<16xi32>,
    %add3A_395 = arith.constant 176 : i32
    %add3A_396 = vector.broadcast %add3A_395 : i32 to vector<16xi32>
    %add3A_397 = arith.addi %add3A_396, %iota3A : vector<16xi32>
    %lt3A_398 = arith.cmpi slt, %add3A_397, %scan3A_18 : vector<16xi32>
    %add3A_399 = arith.constant 0 : i32
    %add3A_400 = arith.addi %add3A_399, %squeeze3A : i32
    %add3A_401 = vector.broadcast %add3A_400 : i32 to vector<16xi32>
    %add3A_402 = arith.addi %add3A_401, %add3A_397 : vector<16xi32>
    %add3A_403 = arith.constant 2048 : i32
    %add3A_404 = vector.broadcast %add3A_403 : i32 to vector<16xi32>
    %add3A_405 = arith.addi %add3A_404, %add3A_397 : vector<16xi32>
    %select_n3A_406 = arith.select %lt3A_398, %add3A_402, %add3A_405 : vector<16xi1>, vector<16xi32>
    %swap3A_407 = arith.constant 1 : i32
    %swap3A_408 = arith.index_cast %swap3A_407 : i32 to index
    %swap3A_409 = arith.constant 48 : index
    %swap3A_410 = tpu.vector_load %arg13[%swap3A_408, %swap3A_409] {strides = array<i32>} : memref<8x128xi32, #tpu.memory_space<vmem>>, vector<16xi32>,
    tpu.vector_store %arg13[%swap3A_408, %swap3A_409], %select_n3A_406 {strides = array<i32>} : memref<8x128xi32, #tpu.memory_space<vmem>>, vector<16xi32>,
    %add3A_411 = arith.constant 192 : i32
    %add3A_412 = vector.broadcast %add3A_411 : i32 to vector<16xi32>
    %add3A_413 = arith.addi %add3A_412, %iota3A : vector<16xi32>
    %lt3A_414 = arith.cmpi slt, %add3A_413, %scan3A_18 : vector<16xi32>
    %add3A_415 = arith.constant 0 : i32
    %add3A_416 = arith.addi %add3A_415, %squeeze3A : i32
    %add3A_417 = vector.broadcast %add3A_416 : i32 to vector<16xi32>
    %add3A_418 = arith.addi %add3A_417, %add3A_413 : vector<16xi32>
    %add3A_419 = arith.constant 2048 : i32
    %add3A_420 = vector.broadcast %add3A_419 : i32 to vector<16xi32>
    %add3A_421 = arith.addi %add3A_420, %add3A_413 : vector<16xi32>
    %select_n3A_422 = arith.select %lt3A_414, %add3A_418, %add3A_421 : vector<16xi1>, vector<16xi32>
    %swap3A_423 = arith.constant 1 : i32
    %swap3A_424 = arith.index_cast %swap3A_423 : i32 to index
    %swap3A_425 = arith.constant 64 : index
    %swap3A_426 = tpu.vector_load %arg13[%swap3A_424, %swap3A_425] {strides = array<i32>} : memref<8x128xi32, #tpu.memory_space<vmem>>, vector<16xi32>,
    tpu.vector_store %arg13[%swap3A_424, %swap3A_425], %select_n3A_422 {strides = array<i32>} : memref<8x128xi32, #tpu.memory_space<vmem>>, vector<16xi32>,
    %add3A_427 = arith.constant 208 : i32
    %add3A_428 = vector.broadcast %add3A_427 : i32 to vector<16xi32>
    %add3A_429 = arith.addi %add3A_428, %iota3A : vector<16xi32>
    %lt3A_430 = arith.cmpi slt, %add3A_429, %scan3A_18 : vector<16xi32>
    %add3A_431 = arith.constant 0 : i32
    %add3A_432 = arith.addi %add3A_431, %squeeze3A : i32
    %add3A_433 = vector.broadcast %add3A_432 : i32 to vector<16xi32>
    %add3A_434 = arith.addi %add3A_433, %add3A_429 : vector<16xi32>
    %add3A_435 = arith.constant 2048 : i32
    %add3A_436 = vector.broadcast %add3A_435 : i32 to vector<16xi32>
    %add3A_437 = arith.addi %add3A_436, %add3A_429 : vector<16xi32>
    %select_n3A_438 = arith.select %lt3A_430, %add3A_434, %add3A_437 : vector<16xi1>, vector<16xi32>
    %swap3A_439 = arith.constant 1 : i32
    %swap3A_440 = arith.index_cast %swap3A_439 : i32 to index
    %swap3A_441 = arith.constant 80 : index
    %swap3A_442 = tpu.vector_load %arg13[%swap3A_440, %swap3A_441] {strides = array<i32>} : memref<8x128xi32, #tpu.memory_space<vmem>>, vector<16xi32>,
    tpu.vector_store %arg13[%swap3A_440, %swap3A_441], %select_n3A_438 {strides = array<i32>} : memref<8x128xi32, #tpu.memory_space<vmem>>, vector<16xi32>,
    %add3A_443 = arith.constant 224 : i32
    %add3A_444 = vector.broadcast %add3A_443 : i32 to vector<16xi32>
    %add3A_445 = arith.addi %add3A_444, %iota3A : vector<16xi32>
    %lt3A_446 = arith.cmpi slt, %add3A_445, %scan3A_18 : vector<16xi32>
    %add3A_447 = arith.constant 0 : i32
    %add3A_448 = arith.addi %add3A_447, %squeeze3A : i32
    %add3A_449 = vector.broadcast %add3A_448 : i32 to vector<16xi32>
    %add3A_450 = arith.addi %add3A_449, %add3A_445 : vector<16xi32>
    %add3A_451 = arith.constant 2048 : i32
    %add3A_452 = vector.broadcast %add3A_451 : i32 to vector<16xi32>
    %add3A_453 = arith.addi %add3A_452, %add3A_445 : vector<16xi32>
    %select_n3A_454 = arith.select %lt3A_446, %add3A_450, %add3A_453 : vector<16xi1>, vector<16xi32>
    %swap3A_455 = arith.constant 1 : i32
    %swap3A_456 = arith.index_cast %swap3A_455 : i32 to index
    %swap3A_457 = arith.constant 96 : index
    %swap3A_458 = tpu.vector_load %arg13[%swap3A_456, %swap3A_457] {strides = array<i32>} : memref<8x128xi32, #tpu.memory_space<vmem>>, vector<16xi32>,
    tpu.vector_store %arg13[%swap3A_456, %swap3A_457], %select_n3A_454 {strides = array<i32>} : memref<8x128xi32, #tpu.memory_space<vmem>>, vector<16xi32>,
    %add3A_459 = arith.constant 240 : i32
    %add3A_460 = vector.broadcast %add3A_459 : i32 to vector<16xi32>
    %add3A_461 = arith.addi %add3A_460, %iota3A : vector<16xi32>
    %lt3A_462 = arith.cmpi slt, %add3A_461, %scan3A_18 : vector<16xi32>
    %add3A_463 = arith.constant 0 : i32
    %add3A_464 = arith.addi %add3A_463, %squeeze3A : i32
    %add3A_465 = vector.broadcast %add3A_464 : i32 to vector<16xi32>
    %add3A_466 = arith.addi %add3A_465, %add3A_461 : vector<16xi32>
    %add3A_467 = arith.constant 2048 : i32
    %add3A_468 = vector.broadcast %add3A_467 : i32 to vector<16xi32>
    %add3A_469 = arith.addi %add3A_468, %add3A_461 : vector<16xi32>
    %select_n3A_470 = arith.select %lt3A_462, %add3A_466, %add3A_469 : vector<16xi1>, vector<16xi32>
    %swap3A_471 = arith.constant 1 : i32
    %swap3A_472 = arith.index_cast %swap3A_471 : i32 to index
    %swap3A_473 = arith.constant 112 : index
    %swap3A_474 = tpu.vector_load %arg13[%swap3A_472, %swap3A_473] {strides = array<i32>} : memref<8x128xi32, #tpu.memory_space<vmem>>, vector<16xi32>,
    tpu.vector_store %arg13[%swap3A_472, %swap3A_473], %select_n3A_470 {strides = array<i32>} : memref<8x128xi32, #tpu.memory_space<vmem>>, vector<16xi32>,
    %slice3A_475 = vector.extract_strided_slice %add3A_219 {offsets = [1], sizes = [1], strides = [1]} : vector<16xi32> to vector<1xi32>
    %squeeze3A_476 = vector.extract %slice3A_475[0] : i32 from vector<1xi32>
    %add3A_477 = arith.constant 0 : i32
    %add3A_478 = vector.broadcast %add3A_477 : i32 to vector<16xi32>
    %add3A_479 = arith.addi %add3A_478, %iota3A : vector<16xi32>
    %lt3A_480 = arith.cmpi slt, %add3A_479, %scan3A_26 : vector<16xi32>
    %add3A_481 = arith.constant 4096 : i32
    %add3A_482 = arith.addi %add3A_481, %squeeze3A_476 : i32
    %add3A_483 = vector.broadcast %add3A_482 : i32 to vector<16xi32>
    %add3A_484 = arith.addi %add3A_483, %add3A_479 : vector<16xi32>
    %add3A_485 = arith.constant 6144 : i32
    %add3A_486 = vector.broadcast %add3A_485 : i32 to vector<16xi32>
    %add3A_487 = arith.addi %add3A_486, %add3A_479 : vector<16xi32>
    %select_n3A_488 = arith.select %lt3A_480, %add3A_484, %add3A_487 : vector<16xi1>, vector<16xi32>
    %swap3A_489 = arith.constant 2 : i32
    %swap3A_490 = arith.index_cast %swap3A_489 : i32 to index
    %swap3A_491 = arith.constant 0 : index
    %swap3A_492 = tpu.vector_load %arg13[%swap3A_490, %swap3A_491] {strides = array<i32>} : memref<8x128xi32, #tpu.memory_space<vmem>>, vector<16xi32>,
    tpu.vector_store %arg13[%swap3A_490, %swap3A_491], %select_n3A_488 {strides = array<i32>} : memref<8x128xi32, #tpu.memory_space<vmem>>, vector<16xi32>,
    %add3A_493 = arith.constant 16 : i32
    %add3A_494 = vector.broadcast %add3A_493 : i32 to vector<16xi32>
    %add3A_495 = arith.addi %add3A_494, %iota3A : vector<16xi32>
    %lt3A_496 = arith.cmpi slt, %add3A_495, %scan3A_26 : vector<16xi32>
    %add3A_497 = arith.constant 4096 : i32
    %add3A_498 = arith.addi %add3A_497, %squeeze3A_476 : i32
    %add3A_499 = vector.broadcast %add3A_498 : i32 to vector<16xi32>
    %add3A_500 = arith.addi %add3A_499, %add3A_495 : vector<16xi32>
    %add3A_501 = arith.constant 6144 : i32
    %add3A_502 = vector.broadcast %add3A_501 : i32 to vector<16xi32>
    %add3A_503 = arith.addi %add3A_502, %add3A_495 : vector<16xi32>
    %select_n3A_504 = arith.select %lt3A_496, %add3A_500, %add3A_503 : vector<16xi1>, vector<16xi32>
    %swap3A_505 = arith.constant 2 : i32
    %swap3A_506 = arith.index_cast %swap3A_505 : i32 to index
    %swap3A_507 = arith.constant 16 : index
    %swap3A_508 = tpu.vector_load %arg13[%swap3A_506, %swap3A_507] {strides = array<i32>} : memref<8x128xi32, #tpu.memory_space<vmem>>, vector<16xi32>,
    tpu.vector_store %arg13[%swap3A_506, %swap3A_507], %select_n3A_504 {strides = array<i32>} : memref<8x128xi32, #tpu.memory_space<vmem>>, vector<16xi32>,
    %add3A_509 = arith.constant 32 : i32
    %add3A_510 = vector.broadcast %add3A_509 : i32 to vector<16xi32>
    %add3A_511 = arith.addi %add3A_510, %iota3A : vector<16xi32>
    %lt3A_512 = arith.cmpi slt, %add3A_511, %scan3A_26 : vector<16xi32>
    %add3A_513 = arith.constant 4096 : i32
    %add3A_514 = arith.addi %add3A_513, %squeeze3A_476 : i32
    %add3A_515 = vector.broadcast %add3A_514 : i32 to vector<16xi32>
    %add3A_516 = arith.addi %add3A_515, %add3A_511 : vector<16xi32>
    %add3A_517 = arith.constant 6144 : i32
    %add3A_518 = vector.broadcast %add3A_517 : i32 to vector<16xi32>
    %add3A_519 = arith.addi %add3A_518, %add3A_511 : vector<16xi32>
    %select_n3A_520 = arith.select %lt3A_512, %add3A_516, %add3A_519 : vector<16xi1>, vector<16xi32>
    %swap3A_521 = arith.constant 2 : i32
    %swap3A_522 = arith.index_cast %swap3A_521 : i32 to index
    %swap3A_523 = arith.constant 32 : index
    %swap3A_524 = tpu.vector_load %arg13[%swap3A_522, %swap3A_523] {strides = array<i32>} : memref<8x128xi32, #tpu.memory_space<vmem>>, vector<16xi32>,
    tpu.vector_store %arg13[%swap3A_522, %swap3A_523], %select_n3A_520 {strides = array<i32>} : memref<8x128xi32, #tpu.memory_space<vmem>>, vector<16xi32>,
    %add3A_525 = arith.constant 48 : i32
    %add3A_526 = vector.broadcast %add3A_525 : i32 to vector<16xi32>
    %add3A_527 = arith.addi %add3A_526, %iota3A : vector<16xi32>
    %lt3A_528 = arith.cmpi slt, %add3A_527, %scan3A_26 : vector<16xi32>
    %add3A_529 = arith.constant 4096 : i32
    %add3A_530 = arith.addi %add3A_529, %squeeze3A_476 : i32
    %add3A_531 = vector.broadcast %add3A_530 : i32 to vector<16xi32>
    %add3A_532 = arith.addi %add3A_531, %add3A_527 : vector<16xi32>
    %add3A_533 = arith.constant 6144 : i32
    %add3A_534 = vector.broadcast %add3A_533 : i32 to vector<16xi32>
    %add3A_535 = arith.addi %add3A_534, %add3A_527 : vector<16xi32>
    %select_n3A_536 = arith.select %lt3A_528, %add3A_532, %add3A_535 : vector<16xi1>, vector<16xi32>
    %swap3A_537 = arith.constant 2 : i32
    %swap3A_538 = arith.index_cast %swap3A_537 : i32 to index
    %swap3A_539 = arith.constant 48 : index
    %swap3A_540 = tpu.vector_load %arg13[%swap3A_538, %swap3A_539] {strides = array<i32>} : memref<8x128xi32, #tpu.memory_space<vmem>>, vector<16xi32>,
    tpu.vector_store %arg13[%swap3A_538, %swap3A_539], %select_n3A_536 {strides = array<i32>} : memref<8x128xi32, #tpu.memory_space<vmem>>, vector<16xi32>,
    %add3A_541 = arith.constant 64 : i32
    %add3A_542 = vector.broadcast %add3A_541 : i32 to vector<16xi32>
    %add3A_543 = arith.addi %add3A_542, %iota3A : vector<16xi32>
    %lt3A_544 = arith.cmpi slt, %add3A_543, %scan3A_26 : vector<16xi32>
    %add3A_545 = arith.constant 4096 : i32
    %add3A_546 = arith.addi %add3A_545, %squeeze3A_476 : i32
    %add3A_547 = vector.broadcast %add3A_546 : i32 to vector<16xi32>
    %add3A_548 = arith.addi %add3A_547, %add3A_543 : vector<16xi32>
    %add3A_549 = arith.constant 6144 : i32
    %add3A_550 = vector.broadcast %add3A_549 : i32 to vector<16xi32>
    %add3A_551 = arith.addi %add3A_550, %add3A_543 : vector<16xi32>
    %select_n3A_552 = arith.select %lt3A_544, %add3A_548, %add3A_551 : vector<16xi1>, vector<16xi32>
    %swap3A_553 = arith.constant 2 : i32
    %swap3A_554 = arith.index_cast %swap3A_553 : i32 to index
    %swap3A_555 = arith.constant 64 : index
    %swap3A_556 = tpu.vector_load %arg13[%swap3A_554, %swap3A_555] {strides = array<i32>} : memref<8x128xi32, #tpu.memory_space<vmem>>, vector<16xi32>,
    tpu.vector_store %arg13[%swap3A_554, %swap3A_555], %select_n3A_552 {strides = array<i32>} : memref<8x128xi32, #tpu.memory_space<vmem>>, vector<16xi32>,
    %add3A_557 = arith.constant 80 : i32
    %add3A_558 = vector.broadcast %add3A_557 : i32 to vector<16xi32>
    %add3A_559 = arith.addi %add3A_558, %iota3A : vector<16xi32>
    %lt3A_560 = arith.cmpi slt, %add3A_559, %scan3A_26 : vector<16xi32>
    %add3A_561 = arith.constant 4096 : i32
    %add3A_562 = arith.addi %add3A_561, %squeeze3A_476 : i32
    %add3A_563 = vector.broadcast %add3A_562 : i32 to vector<16xi32>
    %add3A_564 = arith.addi %add3A_563, %add3A_559 : vector<16xi32>
    %add3A_565 = arith.constant 6144 : i32
    %add3A_566 = vector.broadcast %add3A_565 : i32 to vector<16xi32>
    %add3A_567 = arith.addi %add3A_566, %add3A_559 : vector<16xi32>
    %select_n3A_568 = arith.select %lt3A_560, %add3A_564, %add3A_567 : vector<16xi1>, vector<16xi32>
    %swap3A_569 = arith.constant 2 : i32
    %swap3A_570 = arith.index_cast %swap3A_569 : i32 to index
    %swap3A_571 = arith.constant 80 : index
    %swap3A_572 = tpu.vector_load %arg13[%swap3A_570, %swap3A_571] {strides = array<i32>} : memref<8x128xi32, #tpu.memory_space<vmem>>, vector<16xi32>,
    tpu.vector_store %arg13[%swap3A_570, %swap3A_571], %select_n3A_568 {strides = array<i32>} : memref<8x128xi32, #tpu.memory_space<vmem>>, vector<16xi32>,
    %add3A_573 = arith.constant 96 : i32
    %add3A_574 = vector.broadcast %add3A_573 : i32 to vector<16xi32>
    %add3A_575 = arith.addi %add3A_574, %iota3A : vector<16xi32>
    %lt3A_576 = arith.cmpi slt, %add3A_575, %scan3A_26 : vector<16xi32>
    %add3A_577 = arith.constant 4096 : i32
    %add3A_578 = arith.addi %add3A_577, %squeeze3A_476 : i32
    %add3A_579 = vector.broadcast %add3A_578 : i32 to vector<16xi32>
    %add3A_580 = arith.addi %add3A_579, %add3A_575 : vector<16xi32>
    %add3A_581 = arith.constant 6144 : i32
    %add3A_582 = vector.broadcast %add3A_581 : i32 to vector<16xi32>
    %add3A_583 = arith.addi %add3A_582, %add3A_575 : vector<16xi32>
    %select_n3A_584 = arith.select %lt3A_576, %add3A_580, %add3A_583 : vector<16xi1>, vector<16xi32>
    %swap3A_585 = arith.constant 2 : i32
    %swap3A_586 = arith.index_cast %swap3A_585 : i32 to index
    %swap3A_587 = arith.constant 96 : index
    %swap3A_588 = tpu.vector_load %arg13[%swap3A_586, %swap3A_587] {strides = array<i32>} : memref<8x128xi32, #tpu.memory_space<vmem>>, vector<16xi32>,
    tpu.vector_store %arg13[%swap3A_586, %swap3A_587], %select_n3A_584 {strides = array<i32>} : memref<8x128xi32, #tpu.memory_space<vmem>>, vector<16xi32>,
    %add3A_589 = arith.constant 112 : i32
    %add3A_590 = vector.broadcast %add3A_589 : i32 to vector<16xi32>
    %add3A_591 = arith.addi %add3A_590, %iota3A : vector<16xi32>
    %lt3A_592 = arith.cmpi slt, %add3A_591, %scan3A_26 : vector<16xi32>
    %add3A_593 = arith.constant 4096 : i32
    %add3A_594 = arith.addi %add3A_593, %squeeze3A_476 : i32
    %add3A_595 = vector.broadcast %add3A_594 : i32 to vector<16xi32>
    %add3A_596 = arith.addi %add3A_595, %add3A_591 : vector<16xi32>
    %add3A_597 = arith.constant 6144 : i32
    %add3A_598 = vector.broadcast %add3A_597 : i32 to vector<16xi32>
    %add3A_599 = arith.addi %add3A_598, %add3A_591 : vector<16xi32>
    %select_n3A_600 = arith.select %lt3A_592, %add3A_596, %add3A_599 : vector<16xi1>, vector<16xi32>
    %swap3A_601 = arith.constant 2 : i32
    %swap3A_602 = arith.index_cast %swap3A_601 : i32 to index
    %swap3A_603 = arith.constant 112 : index
    %swap3A_604 = tpu.vector_load %arg13[%swap3A_602, %swap3A_603] {strides = array<i32>} : memref<8x128xi32, #tpu.memory_space<vmem>>, vector<16xi32>,
    tpu.vector_store %arg13[%swap3A_602, %swap3A_603], %select_n3A_600 {strides = array<i32>} : memref<8x128xi32, #tpu.memory_space<vmem>>, vector<16xi32>,
    %add3A_605 = arith.constant 128 : i32
    %add3A_606 = vector.broadcast %add3A_605 : i32 to vector<16xi32>
    %add3A_607 = arith.addi %add3A_606, %iota3A : vector<16xi32>
    %lt3A_608 = arith.cmpi slt, %add3A_607, %scan3A_26 : vector<16xi32>
    %add3A_609 = arith.constant 4096 : i32
    %add3A_610 = arith.addi %add3A_609, %squeeze3A_476 : i32
    %add3A_611 = vector.broadcast %add3A_610 : i32 to vector<16xi32>
    %add3A_612 = arith.addi %add3A_611, %add3A_607 : vector<16xi32>
    %add3A_613 = arith.constant 6144 : i32
    %add3A_614 = vector.broadcast %add3A_613 : i32 to vector<16xi32>
    %add3A_615 = arith.addi %add3A_614, %add3A_607 : vector<16xi32>
    %select_n3A_616 = arith.select %lt3A_608, %add3A_612, %add3A_615 : vector<16xi1>, vector<16xi32>
    %swap3A_617 = arith.constant 3 : i32
    %swap3A_618 = arith.index_cast %swap3A_617 : i32 to index
    %swap3A_619 = arith.constant 0 : index
    %swap3A_620 = tpu.vector_load %arg13[%swap3A_618, %swap3A_619] {strides = array<i32>} : memref<8x128xi32, #tpu.memory_space<vmem>>, vector<16xi32>,
    tpu.vector_store %arg13[%swap3A_618, %swap3A_619], %select_n3A_616 {strides = array<i32>} : memref<8x128xi32, #tpu.memory_space<vmem>>, vector<16xi32>,
    %add3A_621 = arith.constant 144 : i32
    %add3A_622 = vector.broadcast %add3A_621 : i32 to vector<16xi32>
    %add3A_623 = arith.addi %add3A_622, %iota3A : vector<16xi32>
    %lt3A_624 = arith.cmpi slt, %add3A_623, %scan3A_26 : vector<16xi32>
    %add3A_625 = arith.constant 4096 : i32
    %add3A_626 = arith.addi %add3A_625, %squeeze3A_476 : i32
    %add3A_627 = vector.broadcast %add3A_626 : i32 to vector<16xi32>
    %add3A_628 = arith.addi %add3A_627, %add3A_623 : vector<16xi32>
    %add3A_629 = arith.constant 6144 : i32
    %add3A_630 = vector.broadcast %add3A_629 : i32 to vector<16xi32>
    %add3A_631 = arith.addi %add3A_630, %add3A_623 : vector<16xi32>
    %select_n3A_632 = arith.select %lt3A_624, %add3A_628, %add3A_631 : vector<16xi1>, vector<16xi32>
    %swap3A_633 = arith.constant 3 : i32
    %swap3A_634 = arith.index_cast %swap3A_633 : i32 to index
    %swap3A_635 = arith.constant 16 : index
    %swap3A_636 = tpu.vector_load %arg13[%swap3A_634, %swap3A_635] {strides = array<i32>} : memref<8x128xi32, #tpu.memory_space<vmem>>, vector<16xi32>,
    tpu.vector_store %arg13[%swap3A_634, %swap3A_635], %select_n3A_632 {strides = array<i32>} : memref<8x128xi32, #tpu.memory_space<vmem>>, vector<16xi32>,
    %add3A_637 = arith.constant 160 : i32
    %add3A_638 = vector.broadcast %add3A_637 : i32 to vector<16xi32>
    %add3A_639 = arith.addi %add3A_638, %iota3A : vector<16xi32>
    %lt3A_640 = arith.cmpi slt, %add3A_639, %scan3A_26 : vector<16xi32>
    %add3A_641 = arith.constant 4096 : i32
    %add3A_642 = arith.addi %add3A_641, %squeeze3A_476 : i32
    %add3A_643 = vector.broadcast %add3A_642 : i32 to vector<16xi32>
    %add3A_644 = arith.addi %add3A_643, %add3A_639 : vector<16xi32>
    %add3A_645 = arith.constant 6144 : i32
    %add3A_646 = vector.broadcast %add3A_645 : i32 to vector<16xi32>
    %add3A_647 = arith.addi %add3A_646, %add3A_639 : vector<16xi32>
    %select_n3A_648 = arith.select %lt3A_640, %add3A_644, %add3A_647 : vector<16xi1>, vector<16xi32>
    %swap3A_649 = arith.constant 3 : i32
    %swap3A_650 = arith.index_cast %swap3A_649 : i32 to index
    %swap3A_651 = arith.constant 32 : index
    %swap3A_652 = tpu.vector_load %arg13[%swap3A_650, %swap3A_651] {strides = array<i32>} : memref<8x128xi32, #tpu.memory_space<vmem>>, vector<16xi32>,
    tpu.vector_store %arg13[%swap3A_650, %swap3A_651], %select_n3A_648 {strides = array<i32>} : memref<8x128xi32, #tpu.memory_space<vmem>>, vector<16xi32>,
    %add3A_653 = arith.constant 176 : i32
    %add3A_654 = vector.broadcast %add3A_653 : i32 to vector<16xi32>
    %add3A_655 = arith.addi %add3A_654, %iota3A : vector<16xi32>
    %lt3A_656 = arith.cmpi slt, %add3A_655, %scan3A_26 : vector<16xi32>
    %add3A_657 = arith.constant 4096 : i32
    %add3A_658 = arith.addi %add3A_657, %squeeze3A_476 : i32
    %add3A_659 = vector.broadcast %add3A_658 : i32 to vector<16xi32>
    %add3A_660 = arith.addi %add3A_659, %add3A_655 : vector<16xi32>
    %add3A_661 = arith.constant 6144 : i32
    %add3A_662 = vector.broadcast %add3A_661 : i32 to vector<16xi32>
    %add3A_663 = arith.addi %add3A_662, %add3A_655 : vector<16xi32>
    %select_n3A_664 = arith.select %lt3A_656, %add3A_660, %add3A_663 : vector<16xi1>, vector<16xi32>
    %swap3A_665 = arith.constant 3 : i32
    %swap3A_666 = arith.index_cast %swap3A_665 : i32 to index
    %swap3A_667 = arith.constant 48 : index
    %swap3A_668 = tpu.vector_load %arg13[%swap3A_666, %swap3A_667] {strides = array<i32>} : memref<8x128xi32, #tpu.memory_space<vmem>>, vector<16xi32>,
    tpu.vector_store %arg13[%swap3A_666, %swap3A_667], %select_n3A_664 {strides = array<i32>} : memref<8x128xi32, #tpu.memory_space<vmem>>, vector<16xi32>,
    %add3A_669 = arith.constant 192 : i32
    %add3A_670 = vector.broadcast %add3A_669 : i32 to vector<16xi32>
    %add3A_671 = arith.addi %add3A_670, %iota3A : vector<16xi32>
    %lt3A_672 = arith.cmpi slt, %add3A_671, %scan3A_26 : vector<16xi32>
    %add3A_673 = arith.constant 4096 : i32
    %add3A_674 = arith.addi %add3A_673, %squeeze3A_476 : i32
    %add3A_675 = vector.broadcast %add3A_674 : i32 to vector<16xi32>
    %add3A_676 = arith.addi %add3A_675, %add3A_671 : vector<16xi32>
    %add3A_677 = arith.constant 6144 : i32
    %add3A_678 = vector.broadcast %add3A_677 : i32 to vector<16xi32>
    %add3A_679 = arith.addi %add3A_678, %add3A_671 : vector<16xi32>
    %select_n3A_680 = arith.select %lt3A_672, %add3A_676, %add3A_679 : vector<16xi1>, vector<16xi32>
    %swap3A_681 = arith.constant 3 : i32
    %swap3A_682 = arith.index_cast %swap3A_681 : i32 to index
    %swap3A_683 = arith.constant 64 : index
    %swap3A_684 = tpu.vector_load %arg13[%swap3A_682, %swap3A_683] {strides = array<i32>} : memref<8x128xi32, #tpu.memory_space<vmem>>, vector<16xi32>,
    tpu.vector_store %arg13[%swap3A_682, %swap3A_683], %select_n3A_680 {strides = array<i32>} : memref<8x128xi32, #tpu.memory_space<vmem>>, vector<16xi32>,
    %add3A_685 = arith.constant 208 : i32
    %add3A_686 = vector.broadcast %add3A_685 : i32 to vector<16xi32>
    %add3A_687 = arith.addi %add3A_686, %iota3A : vector<16xi32>
    %lt3A_688 = arith.cmpi slt, %add3A_687, %scan3A_26 : vector<16xi32>
    %add3A_689 = arith.constant 4096 : i32
    %add3A_690 = arith.addi %add3A_689, %squeeze3A_476 : i32
    %add3A_691 = vector.broadcast %add3A_690 : i32 to vector<16xi32>
    %add3A_692 = arith.addi %add3A_691, %add3A_687 : vector<16xi32>
    %add3A_693 = arith.constant 6144 : i32
    %add3A_694 = vector.broadcast %add3A_693 : i32 to vector<16xi32>
    %add3A_695 = arith.addi %add3A_694, %add3A_687 : vector<16xi32>
    %select_n3A_696 = arith.select %lt3A_688, %add3A_692, %add3A_695 : vector<16xi1>, vector<16xi32>
    %swap3A_697 = arith.constant 3 : i32
    %swap3A_698 = arith.index_cast %swap3A_697 : i32 to index
    %swap3A_699 = arith.constant 80 : index
    %swap3A_700 = tpu.vector_load %arg13[%swap3A_698, %swap3A_699] {strides = array<i32>} : memref<8x128xi32, #tpu.memory_space<vmem>>, vector<16xi32>,
    tpu.vector_store %arg13[%swap3A_698, %swap3A_699], %select_n3A_696 {strides = array<i32>} : memref<8x128xi32, #tpu.memory_space<vmem>>, vector<16xi32>,
    %add3A_701 = arith.constant 224 : i32
    %add3A_702 = vector.broadcast %add3A_701 : i32 to vector<16xi32>
    %add3A_703 = arith.addi %add3A_702, %iota3A : vector<16xi32>
    %lt3A_704 = arith.cmpi slt, %add3A_703, %scan3A_26 : vector<16xi32>
    %add3A_705 = arith.constant 4096 : i32
    %add3A_706 = arith.addi %add3A_705, %squeeze3A_476 : i32
    %add3A_707 = vector.broadcast %add3A_706 : i32 to vector<16xi32>
    %add3A_708 = arith.addi %add3A_707, %add3A_703 : vector<16xi32>
    %add3A_709 = arith.constant 6144 : i32
    %add3A_710 = vector.broadcast %add3A_709 : i32 to vector<16xi32>
    %add3A_711 = arith.addi %add3A_710, %add3A_703 : vector<16xi32>
    %select_n3A_712 = arith.select %lt3A_704, %add3A_708, %add3A_711 : vector<16xi1>, vector<16xi32>
    %swap3A_713 = arith.constant 3 : i32
    %swap3A_714 = arith.index_cast %swap3A_713 : i32 to index
    %swap3A_715 = arith.constant 96 : index
    %swap3A_716 = tpu.vector_load %arg13[%swap3A_714, %swap3A_715] {strides = array<i32>} : memref<8x128xi32, #tpu.memory_space<vmem>>, vector<16xi32>,
    tpu.vector_store %arg13[%swap3A_714, %swap3A_715], %select_n3A_712 {strides = array<i32>} : memref<8x128xi32, #tpu.memory_space<vmem>>, vector<16xi32>,
    %add3A_717 = arith.constant 240 : i32
    %add3A_718 = vector.broadcast %add3A_717 : i32 to vector<16xi32>
    %add3A_719 = arith.addi %add3A_718, %iota3A : vector<16xi32>
    %lt3A_720 = arith.cmpi slt, %add3A_719, %scan3A_26 : vector<16xi32>
    %add3A_721 = arith.constant 4096 : i32
    %add3A_722 = arith.addi %add3A_721, %squeeze3A_476 : i32
    %add3A_723 = vector.broadcast %add3A_722 : i32 to vector<16xi32>
    %add3A_724 = arith.addi %add3A_723, %add3A_719 : vector<16xi32>
    %add3A_725 = arith.constant 6144 : i32
    %add3A_726 = vector.broadcast %add3A_725 : i32 to vector<16xi32>
    %add3A_727 = arith.addi %add3A_726, %add3A_719 : vector<16xi32>
    %select_n3A_728 = arith.select %lt3A_720, %add3A_724, %add3A_727 : vector<16xi1>, vector<16xi32>
    %swap3A_729 = arith.constant 3 : i32
    %swap3A_730 = arith.index_cast %swap3A_729 : i32 to index
    %swap3A_731 = arith.constant 112 : index
    %swap3A_732 = tpu.vector_load %arg13[%swap3A_730, %swap3A_731] {strides = array<i32>} : memref<8x128xi32, #tpu.memory_space<vmem>>, vector<16xi32>,
    tpu.vector_store %arg13[%swap3A_730, %swap3A_731], %select_n3A_728 {strides = array<i32>} : memref<8x128xi32, #tpu.memory_space<vmem>>, vector<16xi32>,
    %slice3A_733 = vector.extract_strided_slice %add3A_219 {offsets = [2], sizes = [1], strides = [1]} : vector<16xi32> to vector<1xi32>
    %squeeze3A_734 = vector.extract %slice3A_733[0] : i32 from vector<1xi32>
    %add3A_735 = arith.constant 0 : i32
    %add3A_736 = vector.broadcast %add3A_735 : i32 to vector<16xi32>
    %add3A_737 = arith.addi %add3A_736, %iota3A : vector<16xi32>
    %lt3A_738 = arith.cmpi slt, %add3A_737, %scan3A_34 : vector<16xi32>
    %add3A_739 = arith.constant 8192 : i32
    %add3A_740 = arith.addi %add3A_739, %squeeze3A_734 : i32
    %add3A_741 = vector.broadcast %add3A_740 : i32 to vector<16xi32>
    %add3A_742 = arith.addi %add3A_741, %add3A_737 : vector<16xi32>
    %add3A_743 = arith.constant 10240 : i32
    %add3A_744 = vector.broadcast %add3A_743 : i32 to vector<16xi32>
    %add3A_745 = arith.addi %add3A_744, %add3A_737 : vector<16xi32>
    %select_n3A_746 = arith.select %lt3A_738, %add3A_742, %add3A_745 : vector<16xi1>, vector<16xi32>
    %swap3A_747 = arith.constant 4 : i32
    %swap3A_748 = arith.index_cast %swap3A_747 : i32 to index
    %swap3A_749 = arith.constant 0 : index
    %swap3A_750 = tpu.vector_load %arg13[%swap3A_748, %swap3A_749] {strides = array<i32>} : memref<8x128xi32, #tpu.memory_space<vmem>>, vector<16xi32>,
    tpu.vector_store %arg13[%swap3A_748, %swap3A_749], %select_n3A_746 {strides = array<i32>} : memref<8x128xi32, #tpu.memory_space<vmem>>, vector<16xi32>,
    %add3A_751 = arith.constant 16 : i32
    %add3A_752 = vector.broadcast %add3A_751 : i32 to vector<16xi32>
    %add3A_753 = arith.addi %add3A_752, %iota3A : vector<16xi32>
    %lt3A_754 = arith.cmpi slt, %add3A_753, %scan3A_34 : vector<16xi32>
    %add3A_755 = arith.constant 8192 : i32
    %add3A_756 = arith.addi %add3A_755, %squeeze3A_734 : i32
    %add3A_757 = vector.broadcast %add3A_756 : i32 to vector<16xi32>
    %add3A_758 = arith.addi %add3A_757, %add3A_753 : vector<16xi32>
    %add3A_759 = arith.constant 10240 : i32
    %add3A_760 = vector.broadcast %add3A_759 : i32 to vector<16xi32>
    %add3A_761 = arith.addi %add3A_760, %add3A_753 : vector<16xi32>
    %select_n3A_762 = arith.select %lt3A_754, %add3A_758, %add3A_761 : vector<16xi1>, vector<16xi32>
    %swap3A_763 = arith.constant 4 : i32
    %swap3A_764 = arith.index_cast %swap3A_763 : i32 to index
    %swap3A_765 = arith.constant 16 : index
    %swap3A_766 = tpu.vector_load %arg13[%swap3A_764, %swap3A_765] {strides = array<i32>} : memref<8x128xi32, #tpu.memory_space<vmem>>, vector<16xi32>,
    tpu.vector_store %arg13[%swap3A_764, %swap3A_765], %select_n3A_762 {strides = array<i32>} : memref<8x128xi32, #tpu.memory_space<vmem>>, vector<16xi32>,
    %add3A_767 = arith.constant 32 : i32
    %add3A_768 = vector.broadcast %add3A_767 : i32 to vector<16xi32>
    %add3A_769 = arith.addi %add3A_768, %iota3A : vector<16xi32>
    %lt3A_770 = arith.cmpi slt, %add3A_769, %scan3A_34 : vector<16xi32>
    %add3A_771 = arith.constant 8192 : i32
    %add3A_772 = arith.addi %add3A_771, %squeeze3A_734 : i32
    %add3A_773 = vector.broadcast %add3A_772 : i32 to vector<16xi32>
    %add3A_774 = arith.addi %add3A_773, %add3A_769 : vector<16xi32>
    %add3A_775 = arith.constant 10240 : i32
    %add3A_776 = vector.broadcast %add3A_775 : i32 to vector<16xi32>
    %add3A_777 = arith.addi %add3A_776, %add3A_769 : vector<16xi32>
    %select_n3A_778 = arith.select %lt3A_770, %add3A_774, %add3A_777 : vector<16xi1>, vector<16xi32>
    %swap3A_779 = arith.constant 4 : i32
    %swap3A_780 = arith.index_cast %swap3A_779 : i32 to index
    %swap3A_781 = arith.constant 32 : index
    %swap3A_782 = tpu.vector_load %arg13[%swap3A_780, %swap3A_781] {strides = array<i32>} : memref<8x128xi32, #tpu.memory_space<vmem>>, vector<16xi32>,
    tpu.vector_store %arg13[%swap3A_780, %swap3A_781], %select_n3A_778 {strides = array<i32>} : memref<8x128xi32, #tpu.memory_space<vmem>>, vector<16xi32>,
    %add3A_783 = arith.constant 48 : i32
    %add3A_784 = vector.broadcast %add3A_783 : i32 to vector<16xi32>
    %add3A_785 = arith.addi %add3A_784, %iota3A : vector<16xi32>
    %lt3A_786 = arith.cmpi slt, %add3A_785, %scan3A_34 : vector<16xi32>
    %add3A_787 = arith.constant 8192 : i32
    %add3A_788 = arith.addi %add3A_787, %squeeze3A_734 : i32
    %add3A_789 = vector.broadcast %add3A_788 : i32 to vector<16xi32>
    %add3A_790 = arith.addi %add3A_789, %add3A_785 : vector<16xi32>
    %add3A_791 = arith.constant 10240 : i32
    %add3A_792 = vector.broadcast %add3A_791 : i32 to vector<16xi32>
    %add3A_793 = arith.addi %add3A_792, %add3A_785 : vector<16xi32>
    %select_n3A_794 = arith.select %lt3A_786, %add3A_790, %add3A_793 : vector<16xi1>, vector<16xi32>
    %swap3A_795 = arith.constant 4 : i32
    %swap3A_796 = arith.index_cast %swap3A_795 : i32 to index
    %swap3A_797 = arith.constant 48 : index
    %swap3A_798 = tpu.vector_load %arg13[%swap3A_796, %swap3A_797] {strides = array<i32>} : memref<8x128xi32, #tpu.memory_space<vmem>>, vector<16xi32>,
    tpu.vector_store %arg13[%swap3A_796, %swap3A_797], %select_n3A_794 {strides = array<i32>} : memref<8x128xi32, #tpu.memory_space<vmem>>, vector<16xi32>,
    %add3A_799 = arith.constant 64 : i32
    %add3A_800 = vector.broadcast %add3A_799 : i32 to vector<16xi32>
    %add3A_801 = arith.addi %add3A_800, %iota3A : vector<16xi32>
    %lt3A_802 = arith.cmpi slt, %add3A_801, %scan3A_34 : vector<16xi32>
    %add3A_803 = arith.constant 8192 : i32
    %add3A_804 = arith.addi %add3A_803, %squeeze3A_734 : i32
    %add3A_805 = vector.broadcast %add3A_804 : i32 to vector<16xi32>
    %add3A_806 = arith.addi %add3A_805, %add3A_801 : vector<16xi32>
    %add3A_807 = arith.constant 10240 : i32
    %add3A_808 = vector.broadcast %add3A_807 : i32 to vector<16xi32>
    %add3A_809 = arith.addi %add3A_808, %add3A_801 : vector<16xi32>
    %select_n3A_810 = arith.select %lt3A_802, %add3A_806, %add3A_809 : vector<16xi1>, vector<16xi32>
    %swap3A_811 = arith.constant 4 : i32
    %swap3A_812 = arith.index_cast %swap3A_811 : i32 to index
    %swap3A_813 = arith.constant 64 : index
    %swap3A_814 = tpu.vector_load %arg13[%swap3A_812, %swap3A_813] {strides = array<i32>} : memref<8x128xi32, #tpu.memory_space<vmem>>, vector<16xi32>,
    tpu.vector_store %arg13[%swap3A_812, %swap3A_813], %select_n3A_810 {strides = array<i32>} : memref<8x128xi32, #tpu.memory_space<vmem>>, vector<16xi32>,
    %add3A_815 = arith.constant 80 : i32
    %add3A_816 = vector.broadcast %add3A_815 : i32 to vector<16xi32>
    %add3A_817 = arith.addi %add3A_816, %iota3A : vector<16xi32>
    %lt3A_818 = arith.cmpi slt, %add3A_817, %scan3A_34 : vector<16xi32>
    %add3A_819 = arith.constant 8192 : i32
    %add3A_820 = arith.addi %add3A_819, %squeeze3A_734 : i32
    %add3A_821 = vector.broadcast %add3A_820 : i32 to vector<16xi32>
    %add3A_822 = arith.addi %add3A_821, %add3A_817 : vector<16xi32>
    %add3A_823 = arith.constant 10240 : i32
    %add3A_824 = vector.broadcast %add3A_823 : i32 to vector<16xi32>
    %add3A_825 = arith.addi %add3A_824, %add3A_817 : vector<16xi32>
    %select_n3A_826 = arith.select %lt3A_818, %add3A_822, %add3A_825 : vector<16xi1>, vector<16xi32>
    %swap3A_827 = arith.constant 4 : i32
    %swap3A_828 = arith.index_cast %swap3A_827 : i32 to index
    %swap3A_829 = arith.constant 80 : index
    %swap3A_830 = tpu.vector_load %arg13[%swap3A_828, %swap3A_829] {strides = array<i32>} : memref<8x128xi32, #tpu.memory_space<vmem>>, vector<16xi32>,
    tpu.vector_store %arg13[%swap3A_828, %swap3A_829], %select_n3A_826 {strides = array<i32>} : memref<8x128xi32, #tpu.memory_space<vmem>>, vector<16xi32>,
    %add3A_831 = arith.constant 96 : i32
    %add3A_832 = vector.broadcast %add3A_831 : i32 to vector<16xi32>
    %add3A_833 = arith.addi %add3A_832, %iota3A : vector<16xi32>
    %lt3A_834 = arith.cmpi slt, %add3A_833, %scan3A_34 : vector<16xi32>
    %add3A_835 = arith.constant 8192 : i32
    %add3A_836 = arith.addi %add3A_835, %squeeze3A_734 : i32
    %add3A_837 = vector.broadcast %add3A_836 : i32 to vector<16xi32>
    %add3A_838 = arith.addi %add3A_837, %add3A_833 : vector<16xi32>
    %add3A_839 = arith.constant 10240 : i32
    %add3A_840 = vector.broadcast %add3A_839 : i32 to vector<16xi32>
    %add3A_841 = arith.addi %add3A_840, %add3A_833 : vector<16xi32>
    %select_n3A_842 = arith.select %lt3A_834, %add3A_838, %add3A_841 : vector<16xi1>, vector<16xi32>
    %swap3A_843 = arith.constant 4 : i32
    %swap3A_844 = arith.index_cast %swap3A_843 : i32 to index
    %swap3A_845 = arith.constant 96 : index
    %swap3A_846 = tpu.vector_load %arg13[%swap3A_844, %swap3A_845] {strides = array<i32>} : memref<8x128xi32, #tpu.memory_space<vmem>>, vector<16xi32>,
    tpu.vector_store %arg13[%swap3A_844, %swap3A_845], %select_n3A_842 {strides = array<i32>} : memref<8x128xi32, #tpu.memory_space<vmem>>, vector<16xi32>,
    %add3A_847 = arith.constant 112 : i32
    %add3A_848 = vector.broadcast %add3A_847 : i32 to vector<16xi32>
    %add3A_849 = arith.addi %add3A_848, %iota3A : vector<16xi32>
    %lt3A_850 = arith.cmpi slt, %add3A_849, %scan3A_34 : vector<16xi32>
    %add3A_851 = arith.constant 8192 : i32
    %add3A_852 = arith.addi %add3A_851, %squeeze3A_734 : i32
    %add3A_853 = vector.broadcast %add3A_852 : i32 to vector<16xi32>
    %add3A_854 = arith.addi %add3A_853, %add3A_849 : vector<16xi32>
    %add3A_855 = arith.constant 10240 : i32
    %add3A_856 = vector.broadcast %add3A_855 : i32 to vector<16xi32>
    %add3A_857 = arith.addi %add3A_856, %add3A_849 : vector<16xi32>
    %select_n3A_858 = arith.select %lt3A_850, %add3A_854, %add3A_857 : vector<16xi1>, vector<16xi32>
    %swap3A_859 = arith.constant 4 : i32
    %swap3A_860 = arith.index_cast %swap3A_859 : i32 to index
    %swap3A_861 = arith.constant 112 : index
    %swap3A_862 = tpu.vector_load %arg13[%swap3A_860, %swap3A_861] {strides = array<i32>} : memref<8x128xi32, #tpu.memory_space<vmem>>, vector<16xi32>,
    tpu.vector_store %arg13[%swap3A_860, %swap3A_861], %select_n3A_858 {strides = array<i32>} : memref<8x128xi32, #tpu.memory_space<vmem>>, vector<16xi32>,
    %add3A_863 = arith.constant 128 : i32
    %add3A_864 = vector.broadcast %add3A_863 : i32 to vector<16xi32>
    %add3A_865 = arith.addi %add3A_864, %iota3A : vector<16xi32>
    %lt3A_866 = arith.cmpi slt, %add3A_865, %scan3A_34 : vector<16xi32>
    %add3A_867 = arith.constant 8192 : i32
    %add3A_868 = arith.addi %add3A_867, %squeeze3A_734 : i32
    %add3A_869 = vector.broadcast %add3A_868 : i32 to vector<16xi32>
    %add3A_870 = arith.addi %add3A_869, %add3A_865 : vector<16xi32>
    %add3A_871 = arith.constant 10240 : i32
    %add3A_872 = vector.broadcast %add3A_871 : i32 to vector<16xi32>
    %add3A_873 = arith.addi %add3A_872, %add3A_865 : vector<16xi32>
    %select_n3A_874 = arith.select %lt3A_866, %add3A_870, %add3A_873 : vector<16xi1>, vector<16xi32>
    %swap3A_875 = arith.constant 5 : i32
    %swap3A_876 = arith.index_cast %swap3A_875 : i32 to index
    %swap3A_877 = arith.constant 0 : index
    %swap3A_878 = tpu.vector_load %arg13[%swap3A_876, %swap3A_877] {strides = array<i32>} : memref<8x128xi32, #tpu.memory_space<vmem>>, vector<16xi32>,
    tpu.vector_store %arg13[%swap3A_876, %swap3A_877], %select_n3A_874 {strides = array<i32>} : memref<8x128xi32, #tpu.memory_space<vmem>>, vector<16xi32>,
    %add3A_879 = arith.constant 144 : i32
    %add3A_880 = vector.broadcast %add3A_879 : i32 to vector<16xi32>
    %add3A_881 = arith.addi %add3A_880, %iota3A : vector<16xi32>
    %lt3A_882 = arith.cmpi slt, %add3A_881, %scan3A_34 : vector<16xi32>
    %add3A_883 = arith.constant 8192 : i32
    %add3A_884 = arith.addi %add3A_883, %squeeze3A_734 : i32
    %add3A_885 = vector.broadcast %add3A_884 : i32 to vector<16xi32>
    %add3A_886 = arith.addi %add3A_885, %add3A_881 : vector<16xi32>
    %add3A_887 = arith.constant 10240 : i32
    %add3A_888 = vector.broadcast %add3A_887 : i32 to vector<16xi32>
    %add3A_889 = arith.addi %add3A_888, %add3A_881 : vector<16xi32>
    %select_n3A_890 = arith.select %lt3A_882, %add3A_886, %add3A_889 : vector<16xi1>, vector<16xi32>
    %swap3A_891 = arith.constant 5 : i32
    %swap3A_892 = arith.index_cast %swap3A_891 : i32 to index
    %swap3A_893 = arith.constant 16 : index
    %swap3A_894 = tpu.vector_load %arg13[%swap3A_892, %swap3A_893] {strides = array<i32>} : memref<8x128xi32, #tpu.memory_space<vmem>>, vector<16xi32>,
    tpu.vector_store %arg13[%swap3A_892, %swap3A_893], %select_n3A_890 {strides = array<i32>} : memref<8x128xi32, #tpu.memory_space<vmem>>, vector<16xi32>,
    %add3A_895 = arith.constant 160 : i32
    %add3A_896 = vector.broadcast %add3A_895 : i32 to vector<16xi32>
    %add3A_897 = arith.addi %add3A_896, %iota3A : vector<16xi32>
    %lt3A_898 = arith.cmpi slt, %add3A_897, %scan3A_34 : vector<16xi32>
    %add3A_899 = arith.constant 8192 : i32
    %add3A_900 = arith.addi %add3A_899, %squeeze3A_734 : i32
    %add3A_901 = vector.broadcast %add3A_900 : i32 to vector<16xi32>
    %add3A_902 = arith.addi %add3A_901, %add3A_897 : vector<16xi32>
    %add3A_903 = arith.constant 10240 : i32
    %add3A_904 = vector.broadcast %add3A_903 : i32 to vector<16xi32>
    %add3A_905 = arith.addi %add3A_904, %add3A_897 : vector<16xi32>
    %select_n3A_906 = arith.select %lt3A_898, %add3A_902, %add3A_905 : vector<16xi1>, vector<16xi32>
    %swap3A_907 = arith.constant 5 : i32
    %swap3A_908 = arith.index_cast %swap3A_907 : i32 to index
    %swap3A_909 = arith.constant 32 : index
    %swap3A_910 = tpu.vector_load %arg13[%swap3A_908, %swap3A_909] {strides = array<i32>} : memref<8x128xi32, #tpu.memory_space<vmem>>, vector<16xi32>,
    tpu.vector_store %arg13[%swap3A_908, %swap3A_909], %select_n3A_906 {strides = array<i32>} : memref<8x128xi32, #tpu.memory_space<vmem>>, vector<16xi32>,
    %add3A_911 = arith.constant 176 : i32
    %add3A_912 = vector.broadcast %add3A_911 : i32 to vector<16xi32>
    %add3A_913 = arith.addi %add3A_912, %iota3A : vector<16xi32>
    %lt3A_914 = arith.cmpi slt, %add3A_913, %scan3A_34 : vector<16xi32>
    %add3A_915 = arith.constant 8192 : i32
    %add3A_916 = arith.addi %add3A_915, %squeeze3A_734 : i32
    %add3A_917 = vector.broadcast %add3A_916 : i32 to vector<16xi32>
    %add3A_918 = arith.addi %add3A_917, %add3A_913 : vector<16xi32>
    %add3A_919 = arith.constant 10240 : i32
    %add3A_920 = vector.broadcast %add3A_919 : i32 to vector<16xi32>
    %add3A_921 = arith.addi %add3A_920, %add3A_913 : vector<16xi32>
    %select_n3A_922 = arith.select %lt3A_914, %add3A_918, %add3A_921 : vector<16xi1>, vector<16xi32>
    %swap3A_923 = arith.constant 5 : i32
    %swap3A_924 = arith.index_cast %swap3A_923 : i32 to index
    %swap3A_925 = arith.constant 48 : index
    %swap3A_926 = tpu.vector_load %arg13[%swap3A_924, %swap3A_925] {strides = array<i32>} : memref<8x128xi32, #tpu.memory_space<vmem>>, vector<16xi32>,
    tpu.vector_store %arg13[%swap3A_924, %swap3A_925], %select_n3A_922 {strides = array<i32>} : memref<8x128xi32, #tpu.memory_space<vmem>>, vector<16xi32>,
    %add3A_927 = arith.constant 192 : i32
    %add3A_928 = vector.broadcast %add3A_927 : i32 to vector<16xi32>
    %add3A_929 = arith.addi %add3A_928, %iota3A : vector<16xi32>
    %lt3A_930 = arith.cmpi slt, %add3A_929, %scan3A_34 : vector<16xi32>
    %add3A_931 = arith.constant 8192 : i32
    %add3A_932 = arith.addi %add3A_931, %squeeze3A_734 : i32
    %add3A_933 = vector.broadcast %add3A_932 : i32 to vector<16xi32>
    %add3A_934 = arith.addi %add3A_933, %add3A_929 : vector<16xi32>
    %add3A_935 = arith.constant 10240 : i32
    %add3A_936 = vector.broadcast %add3A_935 : i32 to vector<16xi32>
    %add3A_937 = arith.addi %add3A_936, %add3A_929 : vector<16xi32>
    %select_n3A_938 = arith.select %lt3A_930, %add3A_934, %add3A_937 : vector<16xi1>, vector<16xi32>
    %swap3A_939 = arith.constant 5 : i32
    %swap3A_940 = arith.index_cast %swap3A_939 : i32 to index
    %swap3A_941 = arith.constant 64 : index
    %swap3A_942 = tpu.vector_load %arg13[%swap3A_940, %swap3A_941] {strides = array<i32>} : memref<8x128xi32, #tpu.memory_space<vmem>>, vector<16xi32>,
    tpu.vector_store %arg13[%swap3A_940, %swap3A_941], %select_n3A_938 {strides = array<i32>} : memref<8x128xi32, #tpu.memory_space<vmem>>, vector<16xi32>,
    %add3A_943 = arith.constant 208 : i32
    %add3A_944 = vector.broadcast %add3A_943 : i32 to vector<16xi32>
    %add3A_945 = arith.addi %add3A_944, %iota3A : vector<16xi32>
    %lt3A_946 = arith.cmpi slt, %add3A_945, %scan3A_34 : vector<16xi32>
    %add3A_947 = arith.constant 8192 : i32
    %add3A_948 = arith.addi %add3A_947, %squeeze3A_734 : i32
    %add3A_949 = vector.broadcast %add3A_948 : i32 to vector<16xi32>
    %add3A_950 = arith.addi %add3A_949, %add3A_945 : vector<16xi32>
    %add3A_951 = arith.constant 10240 : i32
    %add3A_952 = vector.broadcast %add3A_951 : i32 to vector<16xi32>
    %add3A_953 = arith.addi %add3A_952, %add3A_945 : vector<16xi32>
    %select_n3A_954 = arith.select %lt3A_946, %add3A_950, %add3A_953 : vector<16xi1>, vector<16xi32>
    %swap3A_955 = arith.constant 5 : i32
    %swap3A_956 = arith.index_cast %swap3A_955 : i32 to index
    %swap3A_957 = arith.constant 80 : index
    %swap3A_958 = tpu.vector_load %arg13[%swap3A_956, %swap3A_957] {strides = array<i32>} : memref<8x128xi32, #tpu.memory_space<vmem>>, vector<16xi32>,
    tpu.vector_store %arg13[%swap3A_956, %swap3A_957], %select_n3A_954 {strides = array<i32>} : memref<8x128xi32, #tpu.memory_space<vmem>>, vector<16xi32>,
    %add3A_959 = arith.constant 224 : i32
    %add3A_960 = vector.broadcast %add3A_959 : i32 to vector<16xi32>
    %add3A_961 = arith.addi %add3A_960, %iota3A : vector<16xi32>
    %lt3A_962 = arith.cmpi slt, %add3A_961, %scan3A_34 : vector<16xi32>
    %add3A_963 = arith.constant 8192 : i32
    %add3A_964 = arith.addi %add3A_963, %squeeze3A_734 : i32
    %add3A_965 = vector.broadcast %add3A_964 : i32 to vector<16xi32>
    %add3A_966 = arith.addi %add3A_965, %add3A_961 : vector<16xi32>
    %add3A_967 = arith.constant 10240 : i32
    %add3A_968 = vector.broadcast %add3A_967 : i32 to vector<16xi32>
    %add3A_969 = arith.addi %add3A_968, %add3A_961 : vector<16xi32>
    %select_n3A_970 = arith.select %lt3A_962, %add3A_966, %add3A_969 : vector<16xi1>, vector<16xi32>
    %swap3A_971 = arith.constant 5 : i32
    %swap3A_972 = arith.index_cast %swap3A_971 : i32 to index
    %swap3A_973 = arith.constant 96 : index
    %swap3A_974 = tpu.vector_load %arg13[%swap3A_972, %swap3A_973] {strides = array<i32>} : memref<8x128xi32, #tpu.memory_space<vmem>>, vector<16xi32>,
    tpu.vector_store %arg13[%swap3A_972, %swap3A_973], %select_n3A_970 {strides = array<i32>} : memref<8x128xi32, #tpu.memory_space<vmem>>, vector<16xi32>,
    %add3A_975 = arith.constant 240 : i32
    %add3A_976 = vector.broadcast %add3A_975 : i32 to vector<16xi32>
    %add3A_977 = arith.addi %add3A_976, %iota3A : vector<16xi32>
    %lt3A_978 = arith.cmpi slt, %add3A_977, %scan3A_34 : vector<16xi32>
    %add3A_979 = arith.constant 8192 : i32
    %add3A_980 = arith.addi %add3A_979, %squeeze3A_734 : i32
    %add3A_981 = vector.broadcast %add3A_980 : i32 to vector<16xi32>
    %add3A_982 = arith.addi %add3A_981, %add3A_977 : vector<16xi32>
    %add3A_983 = arith.constant 10240 : i32
    %add3A_984 = vector.broadcast %add3A_983 : i32 to vector<16xi32>
    %add3A_985 = arith.addi %add3A_984, %add3A_977 : vector<16xi32>
    %select_n3A_986 = arith.select %lt3A_978, %add3A_982, %add3A_985 : vector<16xi1>, vector<16xi32>
    %swap3A_987 = arith.constant 5 : i32
    %swap3A_988 = arith.index_cast %swap3A_987 : i32 to index
    %swap3A_989 = arith.constant 112 : index
    %swap3A_990 = tpu.vector_load %arg13[%swap3A_988, %swap3A_989] {strides = array<i32>} : memref<8x128xi32, #tpu.memory_space<vmem>>, vector<16xi32>,
    tpu.vector_store %arg13[%swap3A_988, %swap3A_989], %select_n3A_986 {strides = array<i32>} : memref<8x128xi32, #tpu.memory_space<vmem>>, vector<16xi32>,
    %slice3A_991 = vector.extract_strided_slice %add3A_219 {offsets = [3], sizes = [1], strides = [1]} : vector<16xi32> to vector<1xi32>
    %squeeze3A_992 = vector.extract %slice3A_991[0] : i32 from vector<1xi32>
    %add3A_993 = arith.constant 0 : i32
    %add3A_994 = vector.broadcast %add3A_993 : i32 to vector<16xi32>
    %add3A_995 = arith.addi %add3A_994, %iota3A : vector<16xi32>
    %lt3A_996 = arith.cmpi slt, %add3A_995, %scan3A_42 : vector<16xi32>
    %add3A_997 = arith.constant 12288 : i32
    %add3A_998 = arith.addi %add3A_997, %squeeze3A_992 : i32
    %add3A_999 = vector.broadcast %add3A_998 : i32 to vector<16xi32>
    %add3A_1000 = arith.addi %add3A_999, %add3A_995 : vector<16xi32>
    %add3A_1001 = arith.constant 14336 : i32
    %add3A_1002 = vector.broadcast %add3A_1001 : i32 to vector<16xi32>
    %add3A_1003 = arith.addi %add3A_1002, %add3A_995 : vector<16xi32>
    %select_n3A_1004 = arith.select %lt3A_996, %add3A_1000, %add3A_1003 : vector<16xi1>, vector<16xi32>
    %swap3A_1005 = arith.constant 6 : i32
    %swap3A_1006 = arith.index_cast %swap3A_1005 : i32 to index
    %swap3A_1007 = arith.constant 0 : index
    %swap3A_1008 = tpu.vector_load %arg13[%swap3A_1006, %swap3A_1007] {strides = array<i32>} : memref<8x128xi32, #tpu.memory_space<vmem>>, vector<16xi32>,
    tpu.vector_store %arg13[%swap3A_1006, %swap3A_1007], %select_n3A_1004 {strides = array<i32>} : memref<8x128xi32, #tpu.memory_space<vmem>>, vector<16xi32>,
    %add3A_1009 = arith.constant 16 : i32
    %add3A_1010 = vector.broadcast %add3A_1009 : i32 to vector<16xi32>
    %add3A_1011 = arith.addi %add3A_1010, %iota3A : vector<16xi32>
    %lt3A_1012 = arith.cmpi slt, %add3A_1011, %scan3A_42 : vector<16xi32>
    %add3A_1013 = arith.constant 12288 : i32
    %add3A_1014 = arith.addi %add3A_1013, %squeeze3A_992 : i32
    %add3A_1015 = vector.broadcast %add3A_1014 : i32 to vector<16xi32>
    %add3A_1016 = arith.addi %add3A_1015, %add3A_1011 : vector<16xi32>
    %add3A_1017 = arith.constant 14336 : i32
    %add3A_1018 = vector.broadcast %add3A_1017 : i32 to vector<16xi32>
    %add3A_1019 = arith.addi %add3A_1018, %add3A_1011 : vector<16xi32>
    %select_n3A_1020 = arith.select %lt3A_1012, %add3A_1016, %add3A_1019 : vector<16xi1>, vector<16xi32>
    %swap3A_1021 = arith.constant 6 : i32
    %swap3A_1022 = arith.index_cast %swap3A_1021 : i32 to index
    %swap3A_1023 = arith.constant 16 : index
    %swap3A_1024 = tpu.vector_load %arg13[%swap3A_1022, %swap3A_1023] {strides = array<i32>} : memref<8x128xi32, #tpu.memory_space<vmem>>, vector<16xi32>,
    tpu.vector_store %arg13[%swap3A_1022, %swap3A_1023], %select_n3A_1020 {strides = array<i32>} : memref<8x128xi32, #tpu.memory_space<vmem>>, vector<16xi32>,
    %add3A_1025 = arith.constant 32 : i32
    %add3A_1026 = vector.broadcast %add3A_1025 : i32 to vector<16xi32>
    %add3A_1027 = arith.addi %add3A_1026, %iota3A : vector<16xi32>
    %lt3A_1028 = arith.cmpi slt, %add3A_1027, %scan3A_42 : vector<16xi32>
    %add3A_1029 = arith.constant 12288 : i32
    %add3A_1030 = arith.addi %add3A_1029, %squeeze3A_992 : i32
    %add3A_1031 = vector.broadcast %add3A_1030 : i32 to vector<16xi32>
    %add3A_1032 = arith.addi %add3A_1031, %add3A_1027 : vector<16xi32>
    %add3A_1033 = arith.constant 14336 : i32
    %add3A_1034 = vector.broadcast %add3A_1033 : i32 to vector<16xi32>
    %add3A_1035 = arith.addi %add3A_1034, %add3A_1027 : vector<16xi32>
    %select_n3A_1036 = arith.select %lt3A_1028, %add3A_1032, %add3A_1035 : vector<16xi1>, vector<16xi32>
    %swap3A_1037 = arith.constant 6 : i32
    %swap3A_1038 = arith.index_cast %swap3A_1037 : i32 to index
    %swap3A_1039 = arith.constant 32 : index
    %swap3A_1040 = tpu.vector_load %arg13[%swap3A_1038, %swap3A_1039] {strides = array<i32>} : memref<8x128xi32, #tpu.memory_space<vmem>>, vector<16xi32>,
    tpu.vector_store %arg13[%swap3A_1038, %swap3A_1039], %select_n3A_1036 {strides = array<i32>} : memref<8x128xi32, #tpu.memory_space<vmem>>, vector<16xi32>,
    %add3A_1041 = arith.constant 48 : i32
    %add3A_1042 = vector.broadcast %add3A_1041 : i32 to vector<16xi32>
    %add3A_1043 = arith.addi %add3A_1042, %iota3A : vector<16xi32>
    %lt3A_1044 = arith.cmpi slt, %add3A_1043, %scan3A_42 : vector<16xi32>
    %add3A_1045 = arith.constant 12288 : i32
    %add3A_1046 = arith.addi %add3A_1045, %squeeze3A_992 : i32
    %add3A_1047 = vector.broadcast %add3A_1046 : i32 to vector<16xi32>
    %add3A_1048 = arith.addi %add3A_1047, %add3A_1043 : vector<16xi32>
    %add3A_1049 = arith.constant 14336 : i32
    %add3A_1050 = vector.broadcast %add3A_1049 : i32 to vector<16xi32>
    %add3A_1051 = arith.addi %add3A_1050, %add3A_1043 : vector<16xi32>
    %select_n3A_1052 = arith.select %lt3A_1044, %add3A_1048, %add3A_1051 : vector<16xi1>, vector<16xi32>
    %swap3A_1053 = arith.constant 6 : i32
    %swap3A_1054 = arith.index_cast %swap3A_1053 : i32 to index
    %swap3A_1055 = arith.constant 48 : index
    %swap3A_1056 = tpu.vector_load %arg13[%swap3A_1054, %swap3A_1055] {strides = array<i32>} : memref<8x128xi32, #tpu.memory_space<vmem>>, vector<16xi32>,
    tpu.vector_store %arg13[%swap3A_1054, %swap3A_1055], %select_n3A_1052 {strides = array<i32>} : memref<8x128xi32, #tpu.memory_space<vmem>>, vector<16xi32>,
    %add3A_1057 = arith.constant 64 : i32
    %add3A_1058 = vector.broadcast %add3A_1057 : i32 to vector<16xi32>
    %add3A_1059 = arith.addi %add3A_1058, %iota3A : vector<16xi32>
    %lt3A_1060 = arith.cmpi slt, %add3A_1059, %scan3A_42 : vector<16xi32>
    %add3A_1061 = arith.constant 12288 : i32
    %add3A_1062 = arith.addi %add3A_1061, %squeeze3A_992 : i32
    %add3A_1063 = vector.broadcast %add3A_1062 : i32 to vector<16xi32>
    %add3A_1064 = arith.addi %add3A_1063, %add3A_1059 : vector<16xi32>
    %add3A_1065 = arith.constant 14336 : i32
    %add3A_1066 = vector.broadcast %add3A_1065 : i32 to vector<16xi32>
    %add3A_1067 = arith.addi %add3A_1066, %add3A_1059 : vector<16xi32>
    %select_n3A_1068 = arith.select %lt3A_1060, %add3A_1064, %add3A_1067 : vector<16xi1>, vector<16xi32>
    %swap3A_1069 = arith.constant 6 : i32
    %swap3A_1070 = arith.index_cast %swap3A_1069 : i32 to index
    %swap3A_1071 = arith.constant 64 : index
    %swap3A_1072 = tpu.vector_load %arg13[%swap3A_1070, %swap3A_1071] {strides = array<i32>} : memref<8x128xi32, #tpu.memory_space<vmem>>, vector<16xi32>,
    tpu.vector_store %arg13[%swap3A_1070, %swap3A_1071], %select_n3A_1068 {strides = array<i32>} : memref<8x128xi32, #tpu.memory_space<vmem>>, vector<16xi32>,
    %add3A_1073 = arith.constant 80 : i32
    %add3A_1074 = vector.broadcast %add3A_1073 : i32 to vector<16xi32>
    %add3A_1075 = arith.addi %add3A_1074, %iota3A : vector<16xi32>
    %lt3A_1076 = arith.cmpi slt, %add3A_1075, %scan3A_42 : vector<16xi32>
    %add3A_1077 = arith.constant 12288 : i32
    %add3A_1078 = arith.addi %add3A_1077, %squeeze3A_992 : i32
    %add3A_1079 = vector.broadcast %add3A_1078 : i32 to vector<16xi32>
    %add3A_1080 = arith.addi %add3A_1079, %add3A_1075 : vector<16xi32>
    %add3A_1081 = arith.constant 14336 : i32
    %add3A_1082 = vector.broadcast %add3A_1081 : i32 to vector<16xi32>
    %add3A_1083 = arith.addi %add3A_1082, %add3A_1075 : vector<16xi32>
    %select_n3A_1084 = arith.select %lt3A_1076, %add3A_1080, %add3A_1083 : vector<16xi1>, vector<16xi32>
    %swap3A_1085 = arith.constant 6 : i32
    %swap3A_1086 = arith.index_cast %swap3A_1085 : i32 to index
    %swap3A_1087 = arith.constant 80 : index
    %swap3A_1088 = tpu.vector_load %arg13[%swap3A_1086, %swap3A_1087] {strides = array<i32>} : memref<8x128xi32, #tpu.memory_space<vmem>>, vector<16xi32>,
    tpu.vector_store %arg13[%swap3A_1086, %swap3A_1087], %select_n3A_1084 {strides = array<i32>} : memref<8x128xi32, #tpu.memory_space<vmem>>, vector<16xi32>,
    %add3A_1089 = arith.constant 96 : i32
    %add3A_1090 = vector.broadcast %add3A_1089 : i32 to vector<16xi32>
    %add3A_1091 = arith.addi %add3A_1090, %iota3A : vector<16xi32>
    %lt3A_1092 = arith.cmpi slt, %add3A_1091, %scan3A_42 : vector<16xi32>
    %add3A_1093 = arith.constant 12288 : i32
    %add3A_1094 = arith.addi %add3A_1093, %squeeze3A_992 : i32
    %add3A_1095 = vector.broadcast %add3A_1094 : i32 to vector<16xi32>
    %add3A_1096 = arith.addi %add3A_1095, %add3A_1091 : vector<16xi32>
    %add3A_1097 = arith.constant 14336 : i32
    %add3A_1098 = vector.broadcast %add3A_1097 : i32 to vector<16xi32>
    %add3A_1099 = arith.addi %add3A_1098, %add3A_1091 : vector<16xi32>
    %select_n3A_1100 = arith.select %lt3A_1092, %add3A_1096, %add3A_1099 : vector<16xi1>, vector<16xi32>
    %swap3A_1101 = arith.constant 6 : i32
    %swap3A_1102 = arith.index_cast %swap3A_1101 : i32 to index
    %swap3A_1103 = arith.constant 96 : index
    %swap3A_1104 = tpu.vector_load %arg13[%swap3A_1102, %swap3A_1103] {strides = array<i32>} : memref<8x128xi32, #tpu.memory_space<vmem>>, vector<16xi32>,
    tpu.vector_store %arg13[%swap3A_1102, %swap3A_1103], %select_n3A_1100 {strides = array<i32>} : memref<8x128xi32, #tpu.memory_space<vmem>>, vector<16xi32>,
    %add3A_1105 = arith.constant 112 : i32
    %add3A_1106 = vector.broadcast %add3A_1105 : i32 to vector<16xi32>
    %add3A_1107 = arith.addi %add3A_1106, %iota3A : vector<16xi32>
    %lt3A_1108 = arith.cmpi slt, %add3A_1107, %scan3A_42 : vector<16xi32>
    %add3A_1109 = arith.constant 12288 : i32
    %add3A_1110 = arith.addi %add3A_1109, %squeeze3A_992 : i32
    %add3A_1111 = vector.broadcast %add3A_1110 : i32 to vector<16xi32>
    %add3A_1112 = arith.addi %add3A_1111, %add3A_1107 : vector<16xi32>
    %add3A_1113 = arith.constant 14336 : i32
    %add3A_1114 = vector.broadcast %add3A_1113 : i32 to vector<16xi32>
    %add3A_1115 = arith.addi %add3A_1114, %add3A_1107 : vector<16xi32>
    %select_n3A_1116 = arith.select %lt3A_1108, %add3A_1112, %add3A_1115 : vector<16xi1>, vector<16xi32>
    %swap3A_1117 = arith.constant 6 : i32
    %swap3A_1118 = arith.index_cast %swap3A_1117 : i32 to index
    %swap3A_1119 = arith.constant 112 : index
    %swap3A_1120 = tpu.vector_load %arg13[%swap3A_1118, %swap3A_1119] {strides = array<i32>} : memref<8x128xi32, #tpu.memory_space<vmem>>, vector<16xi32>,
    tpu.vector_store %arg13[%swap3A_1118, %swap3A_1119], %select_n3A_1116 {strides = array<i32>} : memref<8x128xi32, #tpu.memory_space<vmem>>, vector<16xi32>,
    %add3A_1121 = arith.constant 128 : i32
    %add3A_1122 = vector.broadcast %add3A_1121 : i32 to vector<16xi32>
    %add3A_1123 = arith.addi %add3A_1122, %iota3A : vector<16xi32>
    %lt3A_1124 = arith.cmpi slt, %add3A_1123, %scan3A_42 : vector<16xi32>
    %add3A_1125 = arith.constant 12288 : i32
    %add3A_1126 = arith.addi %add3A_1125, %squeeze3A_992 : i32
    %add3A_1127 = vector.broadcast %add3A_1126 : i32 to vector<16xi32>
    %add3A_1128 = arith.addi %add3A_1127, %add3A_1123 : vector<16xi32>
    %add3A_1129 = arith.constant 14336 : i32
    %add3A_1130 = vector.broadcast %add3A_1129 : i32 to vector<16xi32>
    %add3A_1131 = arith.addi %add3A_1130, %add3A_1123 : vector<16xi32>
    %select_n3A_1132 = arith.select %lt3A_1124, %add3A_1128, %add3A_1131 : vector<16xi1>, vector<16xi32>
    %swap3A_1133 = arith.constant 7 : i32
    %swap3A_1134 = arith.index_cast %swap3A_1133 : i32 to index
    %swap3A_1135 = arith.constant 0 : index
    %swap3A_1136 = tpu.vector_load %arg13[%swap3A_1134, %swap3A_1135] {strides = array<i32>} : memref<8x128xi32, #tpu.memory_space<vmem>>, vector<16xi32>,
    tpu.vector_store %arg13[%swap3A_1134, %swap3A_1135], %select_n3A_1132 {strides = array<i32>} : memref<8x128xi32, #tpu.memory_space<vmem>>, vector<16xi32>,
    %add3A_1137 = arith.constant 144 : i32
    %add3A_1138 = vector.broadcast %add3A_1137 : i32 to vector<16xi32>
    %add3A_1139 = arith.addi %add3A_1138, %iota3A : vector<16xi32>
    %lt3A_1140 = arith.cmpi slt, %add3A_1139, %scan3A_42 : vector<16xi32>
    %add3A_1141 = arith.constant 12288 : i32
    %add3A_1142 = arith.addi %add3A_1141, %squeeze3A_992 : i32
    %add3A_1143 = vector.broadcast %add3A_1142 : i32 to vector<16xi32>
    %add3A_1144 = arith.addi %add3A_1143, %add3A_1139 : vector<16xi32>
    %add3A_1145 = arith.constant 14336 : i32
    %add3A_1146 = vector.broadcast %add3A_1145 : i32 to vector<16xi32>
    %add3A_1147 = arith.addi %add3A_1146, %add3A_1139 : vector<16xi32>
    %select_n3A_1148 = arith.select %lt3A_1140, %add3A_1144, %add3A_1147 : vector<16xi1>, vector<16xi32>
    %swap3A_1149 = arith.constant 7 : i32
    %swap3A_1150 = arith.index_cast %swap3A_1149 : i32 to index
    %swap3A_1151 = arith.constant 16 : index
    %swap3A_1152 = tpu.vector_load %arg13[%swap3A_1150, %swap3A_1151] {strides = array<i32>} : memref<8x128xi32, #tpu.memory_space<vmem>>, vector<16xi32>,
    tpu.vector_store %arg13[%swap3A_1150, %swap3A_1151], %select_n3A_1148 {strides = array<i32>} : memref<8x128xi32, #tpu.memory_space<vmem>>, vector<16xi32>,
    %add3A_1153 = arith.constant 160 : i32
    %add3A_1154 = vector.broadcast %add3A_1153 : i32 to vector<16xi32>
    %add3A_1155 = arith.addi %add3A_1154, %iota3A : vector<16xi32>
    %lt3A_1156 = arith.cmpi slt, %add3A_1155, %scan3A_42 : vector<16xi32>
    %add3A_1157 = arith.constant 12288 : i32
    %add3A_1158 = arith.addi %add3A_1157, %squeeze3A_992 : i32
    %add3A_1159 = vector.broadcast %add3A_1158 : i32 to vector<16xi32>
    %add3A_1160 = arith.addi %add3A_1159, %add3A_1155 : vector<16xi32>
    %add3A_1161 = arith.constant 14336 : i32
    %add3A_1162 = vector.broadcast %add3A_1161 : i32 to vector<16xi32>
    %add3A_1163 = arith.addi %add3A_1162, %add3A_1155 : vector<16xi32>
    %select_n3A_1164 = arith.select %lt3A_1156, %add3A_1160, %add3A_1163 : vector<16xi1>, vector<16xi32>
    %swap3A_1165 = arith.constant 7 : i32
    %swap3A_1166 = arith.index_cast %swap3A_1165 : i32 to index
    %swap3A_1167 = arith.constant 32 : index
    %swap3A_1168 = tpu.vector_load %arg13[%swap3A_1166, %swap3A_1167] {strides = array<i32>} : memref<8x128xi32, #tpu.memory_space<vmem>>, vector<16xi32>,
    tpu.vector_store %arg13[%swap3A_1166, %swap3A_1167], %select_n3A_1164 {strides = array<i32>} : memref<8x128xi32, #tpu.memory_space<vmem>>, vector<16xi32>,
    %add3A_1169 = arith.constant 176 : i32
    %add3A_1170 = vector.broadcast %add3A_1169 : i32 to vector<16xi32>
    %add3A_1171 = arith.addi %add3A_1170, %iota3A : vector<16xi32>
    %lt3A_1172 = arith.cmpi slt, %add3A_1171, %scan3A_42 : vector<16xi32>
    %add3A_1173 = arith.constant 12288 : i32
    %add3A_1174 = arith.addi %add3A_1173, %squeeze3A_992 : i32
    %add3A_1175 = vector.broadcast %add3A_1174 : i32 to vector<16xi32>
    %add3A_1176 = arith.addi %add3A_1175, %add3A_1171 : vector<16xi32>
    %add3A_1177 = arith.constant 14336 : i32
    %add3A_1178 = vector.broadcast %add3A_1177 : i32 to vector<16xi32>
    %add3A_1179 = arith.addi %add3A_1178, %add3A_1171 : vector<16xi32>
    %select_n3A_1180 = arith.select %lt3A_1172, %add3A_1176, %add3A_1179 : vector<16xi1>, vector<16xi32>
    %swap3A_1181 = arith.constant 7 : i32
    %swap3A_1182 = arith.index_cast %swap3A_1181 : i32 to index
    %swap3A_1183 = arith.constant 48 : index
    %swap3A_1184 = tpu.vector_load %arg13[%swap3A_1182, %swap3A_1183] {strides = array<i32>} : memref<8x128xi32, #tpu.memory_space<vmem>>, vector<16xi32>,
    tpu.vector_store %arg13[%swap3A_1182, %swap3A_1183], %select_n3A_1180 {strides = array<i32>} : memref<8x128xi32, #tpu.memory_space<vmem>>, vector<16xi32>,
    %add3A_1185 = arith.constant 192 : i32
    %add3A_1186 = vector.broadcast %add3A_1185 : i32 to vector<16xi32>
    %add3A_1187 = arith.addi %add3A_1186, %iota3A : vector<16xi32>
    %lt3A_1188 = arith.cmpi slt, %add3A_1187, %scan3A_42 : vector<16xi32>
    %add3A_1189 = arith.constant 12288 : i32
    %add3A_1190 = arith.addi %add3A_1189, %squeeze3A_992 : i32
    %add3A_1191 = vector.broadcast %add3A_1190 : i32 to vector<16xi32>
    %add3A_1192 = arith.addi %add3A_1191, %add3A_1187 : vector<16xi32>
    %add3A_1193 = arith.constant 14336 : i32
    %add3A_1194 = vector.broadcast %add3A_1193 : i32 to vector<16xi32>
    %add3A_1195 = arith.addi %add3A_1194, %add3A_1187 : vector<16xi32>
    %select_n3A_1196 = arith.select %lt3A_1188, %add3A_1192, %add3A_1195 : vector<16xi1>, vector<16xi32>
    %swap3A_1197 = arith.constant 7 : i32
    %swap3A_1198 = arith.index_cast %swap3A_1197 : i32 to index
    %swap3A_1199 = arith.constant 64 : index
    %swap3A_1200 = tpu.vector_load %arg13[%swap3A_1198, %swap3A_1199] {strides = array<i32>} : memref<8x128xi32, #tpu.memory_space<vmem>>, vector<16xi32>,
    tpu.vector_store %arg13[%swap3A_1198, %swap3A_1199], %select_n3A_1196 {strides = array<i32>} : memref<8x128xi32, #tpu.memory_space<vmem>>, vector<16xi32>,
    %add3A_1201 = arith.constant 208 : i32
    %add3A_1202 = vector.broadcast %add3A_1201 : i32 to vector<16xi32>
    %add3A_1203 = arith.addi %add3A_1202, %iota3A : vector<16xi32>
    %lt3A_1204 = arith.cmpi slt, %add3A_1203, %scan3A_42 : vector<16xi32>
    %add3A_1205 = arith.constant 12288 : i32
    %add3A_1206 = arith.addi %add3A_1205, %squeeze3A_992 : i32
    %add3A_1207 = vector.broadcast %add3A_1206 : i32 to vector<16xi32>
    %add3A_1208 = arith.addi %add3A_1207, %add3A_1203 : vector<16xi32>
    %add3A_1209 = arith.constant 14336 : i32
    %add3A_1210 = vector.broadcast %add3A_1209 : i32 to vector<16xi32>
    %add3A_1211 = arith.addi %add3A_1210, %add3A_1203 : vector<16xi32>
    %select_n3A_1212 = arith.select %lt3A_1204, %add3A_1208, %add3A_1211 : vector<16xi1>, vector<16xi32>
    %swap3A_1213 = arith.constant 7 : i32
    %swap3A_1214 = arith.index_cast %swap3A_1213 : i32 to index
    %swap3A_1215 = arith.constant 80 : index
    %swap3A_1216 = tpu.vector_load %arg13[%swap3A_1214, %swap3A_1215] {strides = array<i32>} : memref<8x128xi32, #tpu.memory_space<vmem>>, vector<16xi32>,
    tpu.vector_store %arg13[%swap3A_1214, %swap3A_1215], %select_n3A_1212 {strides = array<i32>} : memref<8x128xi32, #tpu.memory_space<vmem>>, vector<16xi32>,
    %add3A_1217 = arith.constant 224 : i32
    %add3A_1218 = vector.broadcast %add3A_1217 : i32 to vector<16xi32>
    %add3A_1219 = arith.addi %add3A_1218, %iota3A : vector<16xi32>
    %lt3A_1220 = arith.cmpi slt, %add3A_1219, %scan3A_42 : vector<16xi32>
    %add3A_1221 = arith.constant 12288 : i32
    %add3A_1222 = arith.addi %add3A_1221, %squeeze3A_992 : i32
    %add3A_1223 = vector.broadcast %add3A_1222 : i32 to vector<16xi32>
    %add3A_1224 = arith.addi %add3A_1223, %add3A_1219 : vector<16xi32>
    %add3A_1225 = arith.constant 14336 : i32
    %add3A_1226 = vector.broadcast %add3A_1225 : i32 to vector<16xi32>
    %add3A_1227 = arith.addi %add3A_1226, %add3A_1219 : vector<16xi32>
    %select_n3A_1228 = arith.select %lt3A_1220, %add3A_1224, %add3A_1227 : vector<16xi1>, vector<16xi32>
    %swap3A_1229 = arith.constant 7 : i32
    %swap3A_1230 = arith.index_cast %swap3A_1229 : i32 to index
    %swap3A_1231 = arith.constant 96 : index
    %swap3A_1232 = tpu.vector_load %arg13[%swap3A_1230, %swap3A_1231] {strides = array<i32>} : memref<8x128xi32, #tpu.memory_space<vmem>>, vector<16xi32>,
    tpu.vector_store %arg13[%swap3A_1230, %swap3A_1231], %select_n3A_1228 {strides = array<i32>} : memref<8x128xi32, #tpu.memory_space<vmem>>, vector<16xi32>,
    %add3A_1233 = arith.constant 240 : i32
    %add3A_1234 = vector.broadcast %add3A_1233 : i32 to vector<16xi32>
    %add3A_1235 = arith.addi %add3A_1234, %iota3A : vector<16xi32>
    %lt3A_1236 = arith.cmpi slt, %add3A_1235, %scan3A_42 : vector<16xi32>
    %add3A_1237 = arith.constant 12288 : i32
    %add3A_1238 = arith.addi %add3A_1237, %squeeze3A_992 : i32
    %add3A_1239 = vector.broadcast %add3A_1238 : i32 to vector<16xi32>
    %add3A_1240 = arith.addi %add3A_1239, %add3A_1235 : vector<16xi32>
    %add3A_1241 = arith.constant 14336 : i32
    %add3A_1242 = vector.broadcast %add3A_1241 : i32 to vector<16xi32>
    %add3A_1243 = arith.addi %add3A_1242, %add3A_1235 : vector<16xi32>
    %select_n3A_1244 = arith.select %lt3A_1236, %add3A_1240, %add3A_1243 : vector<16xi1>, vector<16xi32>
    %swap3A_1245 = arith.constant 7 : i32
    %swap3A_1246 = arith.index_cast %swap3A_1245 : i32 to index
    %swap3A_1247 = arith.constant 112 : index
    %swap3A_1248 = tpu.vector_load %arg13[%swap3A_1246, %swap3A_1247] {strides = array<i32>} : memref<8x128xi32, #tpu.memory_space<vmem>>, vector<16xi32>,
    tpu.vector_store %arg13[%swap3A_1246, %swap3A_1247], %select_n3A_1244 {strides = array<i32>} : memref<8x128xi32, #tpu.memory_space<vmem>>, vector<16xi32>,
    %dma_start3A_1249 = arith.constant 0 : i32
    %dma_start3A_1250 = arith.constant 0 : i32
    %dma_start3A_1251 = arith.constant 0 : i32
    %dma_start3A_1252 = tpu.memref_slice %arg10[%dma_start3A_1249, %dma_start3A_1251] : memref<8x128xi32, #tpu.memory_space<vmem>> -> memref<1x128xi32, #tpu.memory_space<vmem>>
    %dma_start3A_1253 = tpu.memref_squeeze %dma_start3A_1252 : memref<1x128xi32, #tpu.memory_space<vmem>> -> memref<128xi32, #tpu.memory_space<vmem>>
    %dma_start3A_1254 = arith.constant 0 : i32
    %dma_start3A_1255 = tpu.memref_slice %arg13[%dma_start3A_1250, %dma_start3A_1254] : memref<8x128xi32, #tpu.memory_space<vmem>> -> memref<1x128xi32, #tpu.memory_space<vmem>>
    %dma_start3A_1256 = tpu.memref_squeeze %dma_start3A_1255 : memref<1x128xi32, #tpu.memory_space<vmem>> -> memref<128xi32, #tpu.memory_space<vmem>>
    %dma_start3A_1257 = arith.constant 0 : i32
    %dma_start3A_1258 = tpu.memref_slice %arg17[%dma_start3A_1257] : memref<16384xi32, #tpu.memory_space<vmem_shared>> -> memref<16384xi32, #tpu.memory_space<vmem_shared>>
    tpu.enqueue_indirect_dma source(%dma_start3A_1253 : memref<128xi32, #tpu.memory_space<vmem>>) target(%dma_start3A_1258 : memref<16384xi32, #tpu.memory_space<vmem_shared>>) offsets(%dma_start3A_1256 : memref<128xi32, #tpu.memory_space<vmem>>) semaphore(%arg21 : memref<!tpu.dma_semaphore, #tpu.memory_space<semaphore_mem>>)
    %dma_start3A_1259 = arith.constant 0 : i32
    %dma_start3A_1260 = arith.constant 0 : i32
    %dma_start3A_1261 = arith.constant 0 : i32
    %dma_start3A_1262 = tpu.memref_slice %arg11[%dma_start3A_1259, %dma_start3A_1261] : memref<8x128xf32, #tpu.memory_space<vmem>> -> memref<1x128xf32, #tpu.memory_space<vmem>>
    %dma_start3A_1263 = tpu.memref_squeeze %dma_start3A_1262 : memref<1x128xf32, #tpu.memory_space<vmem>> -> memref<128xf32, #tpu.memory_space<vmem>>
    %dma_start3A_1264 = arith.constant 0 : i32
    %dma_start3A_1265 = tpu.memref_slice %arg13[%dma_start3A_1260, %dma_start3A_1264] : memref<8x128xi32, #tpu.memory_space<vmem>> -> memref<1x128xi32, #tpu.memory_space<vmem>>
    %dma_start3A_1266 = tpu.memref_squeeze %dma_start3A_1265 : memref<1x128xi32, #tpu.memory_space<vmem>> -> memref<128xi32, #tpu.memory_space<vmem>>
    %dma_start3A_1267 = arith.constant 0 : i32
    %dma_start3A_1268 = tpu.memref_slice %arg18[%dma_start3A_1267] : memref<16384xf32, #tpu.memory_space<vmem_shared>> -> memref<16384xf32, #tpu.memory_space<vmem_shared>>
    tpu.enqueue_indirect_dma source(%dma_start3A_1263 : memref<128xf32, #tpu.memory_space<vmem>>) target(%dma_start3A_1268 : memref<16384xf32, #tpu.memory_space<vmem_shared>>) offsets(%dma_start3A_1266 : memref<128xi32, #tpu.memory_space<vmem>>) semaphore(%arg21 : memref<!tpu.dma_semaphore, #tpu.memory_space<semaphore_mem>>)
    %dma_start3A_1269 = arith.constant 0 : i32
    %dma_start3A_1270 = arith.constant 0 : i32
    %dma_start3A_1271 = arith.constant 0 : i32
    %dma_start3A_1272 = tpu.memref_slice %arg12[%dma_start3A_1269, %dma_start3A_1271] : memref<8x128xf32, #tpu.memory_space<vmem>> -> memref<1x128xf32, #tpu.memory_space<vmem>>
    %dma_start3A_1273 = tpu.memref_squeeze %dma_start3A_1272 : memref<1x128xf32, #tpu.memory_space<vmem>> -> memref<128xf32, #tpu.memory_space<vmem>>
    %dma_start3A_1274 = arith.constant 0 : i32
    %dma_start3A_1275 = tpu.memref_slice %arg13[%dma_start3A_1270, %dma_start3A_1274] : memref<8x128xi32, #tpu.memory_space<vmem>> -> memref<1x128xi32, #tpu.memory_space<vmem>>
    %dma_start3A_1276 = tpu.memref_squeeze %dma_start3A_1275 : memref<1x128xi32, #tpu.memory_space<vmem>> -> memref<128xi32, #tpu.memory_space<vmem>>
    %dma_start3A_1277 = arith.constant 0 : i32
    %dma_start3A_1278 = tpu.memref_slice %arg19[%dma_start3A_1277] : memref<16384xf32, #tpu.memory_space<vmem_shared>> -> memref<16384xf32, #tpu.memory_space<vmem_shared>>
    tpu.enqueue_indirect_dma source(%dma_start3A_1273 : memref<128xf32, #tpu.memory_space<vmem>>) target(%dma_start3A_1278 : memref<16384xf32, #tpu.memory_space<vmem_shared>>) offsets(%dma_start3A_1276 : memref<128xi32, #tpu.memory_space<vmem>>) semaphore(%arg21 : memref<!tpu.dma_semaphore, #tpu.memory_space<semaphore_mem>>)
    %dma_start3A_1279 = arith.constant 1 : i32
    %dma_start3A_1280 = arith.constant 1 : i32
    %dma_start3A_1281 = arith.constant 0 : i32
    %dma_start3A_1282 = tpu.memref_slice %arg10[%dma_start3A_1279, %dma_start3A_1281] : memref<8x128xi32, #tpu.memory_space<vmem>> -> memref<1x128xi32, #tpu.memory_space<vmem>>
    %dma_start3A_1283 = tpu.memref_squeeze %dma_start3A_1282 : memref<1x128xi32, #tpu.memory_space<vmem>> -> memref<128xi32, #tpu.memory_space<vmem>>
    %dma_start3A_1284 = arith.constant 0 : i32
    %dma_start3A_1285 = tpu.memref_slice %arg13[%dma_start3A_1280, %dma_start3A_1284] : memref<8x128xi32, #tpu.memory_space<vmem>> -> memref<1x128xi32, #tpu.memory_space<vmem>>
    %dma_start3A_1286 = tpu.memref_squeeze %dma_start3A_1285 : memref<1x128xi32, #tpu.memory_space<vmem>> -> memref<128xi32, #tpu.memory_space<vmem>>
    %dma_start3A_1287 = arith.constant 0 : i32
    %dma_start3A_1288 = tpu.memref_slice %arg17[%dma_start3A_1287] : memref<16384xi32, #tpu.memory_space<vmem_shared>> -> memref<16384xi32, #tpu.memory_space<vmem_shared>>
    tpu.enqueue_indirect_dma source(%dma_start3A_1283 : memref<128xi32, #tpu.memory_space<vmem>>) target(%dma_start3A_1288 : memref<16384xi32, #tpu.memory_space<vmem_shared>>) offsets(%dma_start3A_1286 : memref<128xi32, #tpu.memory_space<vmem>>) semaphore(%arg21 : memref<!tpu.dma_semaphore, #tpu.memory_space<semaphore_mem>>)
    %dma_start3A_1289 = arith.constant 1 : i32
    %dma_start3A_1290 = arith.constant 1 : i32
    %dma_start3A_1291 = arith.constant 0 : i32
    %dma_start3A_1292 = tpu.memref_slice %arg11[%dma_start3A_1289, %dma_start3A_1291] : memref<8x128xf32, #tpu.memory_space<vmem>> -> memref<1x128xf32, #tpu.memory_space<vmem>>
    %dma_start3A_1293 = tpu.memref_squeeze %dma_start3A_1292 : memref<1x128xf32, #tpu.memory_space<vmem>> -> memref<128xf32, #tpu.memory_space<vmem>>
    %dma_start3A_1294 = arith.constant 0 : i32
    %dma_start3A_1295 = tpu.memref_slice %arg13[%dma_start3A_1290, %dma_start3A_1294] : memref<8x128xi32, #tpu.memory_space<vmem>> -> memref<1x128xi32, #tpu.memory_space<vmem>>
    %dma_start3A_1296 = tpu.memref_squeeze %dma_start3A_1295 : memref<1x128xi32, #tpu.memory_space<vmem>> -> memref<128xi32, #tpu.memory_space<vmem>>
    %dma_start3A_1297 = arith.constant 0 : i32
    %dma_start3A_1298 = tpu.memref_slice %arg18[%dma_start3A_1297] : memref<16384xf32, #tpu.memory_space<vmem_shared>> -> memref<16384xf32, #tpu.memory_space<vmem_shared>>
    tpu.enqueue_indirect_dma source(%dma_start3A_1293 : memref<128xf32, #tpu.memory_space<vmem>>) target(%dma_start3A_1298 : memref<16384xf32, #tpu.memory_space<vmem_shared>>) offsets(%dma_start3A_1296 : memref<128xi32, #tpu.memory_space<vmem>>) semaphore(%arg21 : memref<!tpu.dma_semaphore, #tpu.memory_space<semaphore_mem>>)
    %dma_start3A_1299 = arith.constant 1 : i32
    %dma_start3A_1300 = arith.constant 1 : i32
    %dma_start3A_1301 = arith.constant 0 : i32
    %dma_start3A_1302 = tpu.memref_slice %arg12[%dma_start3A_1299, %dma_start3A_1301] : memref<8x128xf32, #tpu.memory_space<vmem>> -> memref<1x128xf32, #tpu.memory_space<vmem>>
    %dma_start3A_1303 = tpu.memref_squeeze %dma_start3A_1302 : memref<1x128xf32, #tpu.memory_space<vmem>> -> memref<128xf32, #tpu.memory_space<vmem>>
    %dma_start3A_1304 = arith.constant 0 : i32
    %dma_start3A_1305 = tpu.memref_slice %arg13[%dma_start3A_1300, %dma_start3A_1304] : memref<8x128xi32, #tpu.memory_space<vmem>> -> memref<1x128xi32, #tpu.memory_space<vmem>>
    %dma_start3A_1306 = tpu.memref_squeeze %dma_start3A_1305 : memref<1x128xi32, #tpu.memory_space<vmem>> -> memref<128xi32, #tpu.memory_space<vmem>>
    %dma_start3A_1307 = arith.constant 0 : i32
    %dma_start3A_1308 = tpu.memref_slice %arg19[%dma_start3A_1307] : memref<16384xf32, #tpu.memory_space<vmem_shared>> -> memref<16384xf32, #tpu.memory_space<vmem_shared>>
    tpu.enqueue_indirect_dma source(%dma_start3A_1303 : memref<128xf32, #tpu.memory_space<vmem>>) target(%dma_start3A_1308 : memref<16384xf32, #tpu.memory_space<vmem_shared>>) offsets(%dma_start3A_1306 : memref<128xi32, #tpu.memory_space<vmem>>) semaphore(%arg21 : memref<!tpu.dma_semaphore, #tpu.memory_space<semaphore_mem>>)
    %dma_start3A_1309 = arith.constant 2 : i32
    %dma_start3A_1310 = arith.constant 2 : i32
    %dma_start3A_1311 = arith.constant 0 : i32
    %dma_start3A_1312 = tpu.memref_slice %arg10[%dma_start3A_1309, %dma_start3A_1311] : memref<8x128xi32, #tpu.memory_space<vmem>> -> memref<1x128xi32, #tpu.memory_space<vmem>>
    %dma_start3A_1313 = tpu.memref_squeeze %dma_start3A_1312 : memref<1x128xi32, #tpu.memory_space<vmem>> -> memref<128xi32, #tpu.memory_space<vmem>>
    %dma_start3A_1314 = arith.constant 0 : i32
    %dma_start3A_1315 = tpu.memref_slice %arg13[%dma_start3A_1310, %dma_start3A_1314] : memref<8x128xi32, #tpu.memory_space<vmem>> -> memref<1x128xi32, #tpu.memory_space<vmem>>
    %dma_start3A_1316 = tpu.memref_squeeze %dma_start3A_1315 : memref<1x128xi32, #tpu.memory_space<vmem>> -> memref<128xi32, #tpu.memory_space<vmem>>
    %dma_start3A_1317 = arith.constant 0 : i32
    %dma_start3A_1318 = tpu.memref_slice %arg17[%dma_start3A_1317] : memref<16384xi32, #tpu.memory_space<vmem_shared>> -> memref<16384xi32, #tpu.memory_space<vmem_shared>>
    tpu.enqueue_indirect_dma source(%dma_start3A_1313 : memref<128xi32, #tpu.memory_space<vmem>>) target(%dma_start3A_1318 : memref<16384xi32, #tpu.memory_space<vmem_shared>>) offsets(%dma_start3A_1316 : memref<128xi32, #tpu.memory_space<vmem>>) semaphore(%arg21 : memref<!tpu.dma_semaphore, #tpu.memory_space<semaphore_mem>>)
    %dma_start3A_1319 = arith.constant 2 : i32
    %dma_start3A_1320 = arith.constant 2 : i32
    %dma_start3A_1321 = arith.constant 0 : i32
    %dma_start3A_1322 = tpu.memref_slice %arg11[%dma_start3A_1319, %dma_start3A_1321] : memref<8x128xf32, #tpu.memory_space<vmem>> -> memref<1x128xf32, #tpu.memory_space<vmem>>
    %dma_start3A_1323 = tpu.memref_squeeze %dma_start3A_1322 : memref<1x128xf32, #tpu.memory_space<vmem>> -> memref<128xf32, #tpu.memory_space<vmem>>
    %dma_start3A_1324 = arith.constant 0 : i32
    %dma_start3A_1325 = tpu.memref_slice %arg13[%dma_start3A_1320, %dma_start3A_1324] : memref<8x128xi32, #tpu.memory_space<vmem>> -> memref<1x128xi32, #tpu.memory_space<vmem>>
    %dma_start3A_1326 = tpu.memref_squeeze %dma_start3A_1325 : memref<1x128xi32, #tpu.memory_space<vmem>> -> memref<128xi32, #tpu.memory_space<vmem>>
    %dma_start3A_1327 = arith.constant 0 : i32
    %dma_start3A_1328 = tpu.memref_slice %arg18[%dma_start3A_1327] : memref<16384xf32, #tpu.memory_space<vmem_shared>> -> memref<16384xf32, #tpu.memory_space<vmem_shared>>
    tpu.enqueue_indirect_dma source(%dma_start3A_1323 : memref<128xf32, #tpu.memory_space<vmem>>) target(%dma_start3A_1328 : memref<16384xf32, #tpu.memory_space<vmem_shared>>) offsets(%dma_start3A_1326 : memref<128xi32, #tpu.memory_space<vmem>>) semaphore(%arg21 : memref<!tpu.dma_semaphore, #tpu.memory_space<semaphore_mem>>)
    %dma_start3A_1329 = arith.constant 2 : i32
    %dma_start3A_1330 = arith.constant 2 : i32
    %dma_start3A_1331 = arith.constant 0 : i32
    %dma_start3A_1332 = tpu.memref_slice %arg12[%dma_start3A_1329, %dma_start3A_1331] : memref<8x128xf32, #tpu.memory_space<vmem>> -> memref<1x128xf32, #tpu.memory_space<vmem>>
    %dma_start3A_1333 = tpu.memref_squeeze %dma_start3A_1332 : memref<1x128xf32, #tpu.memory_space<vmem>> -> memref<128xf32, #tpu.memory_space<vmem>>
    %dma_start3A_1334 = arith.constant 0 : i32
    %dma_start3A_1335 = tpu.memref_slice %arg13[%dma_start3A_1330, %dma_start3A_1334] : memref<8x128xi32, #tpu.memory_space<vmem>> -> memref<1x128xi32, #tpu.memory_space<vmem>>
    %dma_start3A_1336 = tpu.memref_squeeze %dma_start3A_1335 : memref<1x128xi32, #tpu.memory_space<vmem>> -> memref<128xi32, #tpu.memory_space<vmem>>
    %dma_start3A_1337 = arith.constant 0 : i32
    %dma_start3A_1338 = tpu.memref_slice %arg19[%dma_start3A_1337] : memref<16384xf32, #tpu.memory_space<vmem_shared>> -> memref<16384xf32, #tpu.memory_space<vmem_shared>>
    tpu.enqueue_indirect_dma source(%dma_start3A_1333 : memref<128xf32, #tpu.memory_space<vmem>>) target(%dma_start3A_1338 : memref<16384xf32, #tpu.memory_space<vmem_shared>>) offsets(%dma_start3A_1336 : memref<128xi32, #tpu.memory_space<vmem>>) semaphore(%arg21 : memref<!tpu.dma_semaphore, #tpu.memory_space<semaphore_mem>>)
    %dma_start3A_1339 = arith.constant 3 : i32
    %dma_start3A_1340 = arith.constant 3 : i32
    %dma_start3A_1341 = arith.constant 0 : i32
    %dma_start3A_1342 = tpu.memref_slice %arg10[%dma_start3A_1339, %dma_start3A_1341] : memref<8x128xi32, #tpu.memory_space<vmem>> -> memref<1x128xi32, #tpu.memory_space<vmem>>
    %dma_start3A_1343 = tpu.memref_squeeze %dma_start3A_1342 : memref<1x128xi32, #tpu.memory_space<vmem>> -> memref<128xi32, #tpu.memory_space<vmem>>
    %dma_start3A_1344 = arith.constant 0 : i32
    %dma_start3A_1345 = tpu.memref_slice %arg13[%dma_start3A_1340, %dma_start3A_1344] : memref<8x128xi32, #tpu.memory_space<vmem>> -> memref<1x128xi32, #tpu.memory_space<vmem>>
    %dma_start3A_1346 = tpu.memref_squeeze %dma_start3A_1345 : memref<1x128xi32, #tpu.memory_space<vmem>> -> memref<128xi32, #tpu.memory_space<vmem>>
    %dma_start3A_1347 = arith.constant 0 : i32
    %dma_start3A_1348 = tpu.memref_slice %arg17[%dma_start3A_1347] : memref<16384xi32, #tpu.memory_space<vmem_shared>> -> memref<16384xi32, #tpu.memory_space<vmem_shared>>
    tpu.enqueue_indirect_dma source(%dma_start3A_1343 : memref<128xi32, #tpu.memory_space<vmem>>) target(%dma_start3A_1348 : memref<16384xi32, #tpu.memory_space<vmem_shared>>) offsets(%dma_start3A_1346 : memref<128xi32, #tpu.memory_space<vmem>>) semaphore(%arg21 : memref<!tpu.dma_semaphore, #tpu.memory_space<semaphore_mem>>)
    %dma_start3A_1349 = arith.constant 3 : i32
    %dma_start3A_1350 = arith.constant 3 : i32
    %dma_start3A_1351 = arith.constant 0 : i32
    %dma_start3A_1352 = tpu.memref_slice %arg11[%dma_start3A_1349, %dma_start3A_1351] : memref<8x128xf32, #tpu.memory_space<vmem>> -> memref<1x128xf32, #tpu.memory_space<vmem>>
    %dma_start3A_1353 = tpu.memref_squeeze %dma_start3A_1352 : memref<1x128xf32, #tpu.memory_space<vmem>> -> memref<128xf32, #tpu.memory_space<vmem>>
    %dma_start3A_1354 = arith.constant 0 : i32
    %dma_start3A_1355 = tpu.memref_slice %arg13[%dma_start3A_1350, %dma_start3A_1354] : memref<8x128xi32, #tpu.memory_space<vmem>> -> memref<1x128xi32, #tpu.memory_space<vmem>>
    %dma_start3A_1356 = tpu.memref_squeeze %dma_start3A_1355 : memref<1x128xi32, #tpu.memory_space<vmem>> -> memref<128xi32, #tpu.memory_space<vmem>>
    %dma_start3A_1357 = arith.constant 0 : i32
    %dma_start3A_1358 = tpu.memref_slice %arg18[%dma_start3A_1357] : memref<16384xf32, #tpu.memory_space<vmem_shared>> -> memref<16384xf32, #tpu.memory_space<vmem_shared>>
    tpu.enqueue_indirect_dma source(%dma_start3A_1353 : memref<128xf32, #tpu.memory_space<vmem>>) target(%dma_start3A_1358 : memref<16384xf32, #tpu.memory_space<vmem_shared>>) offsets(%dma_start3A_1356 : memref<128xi32, #tpu.memory_space<vmem>>) semaphore(%arg21 : memref<!tpu.dma_semaphore, #tpu.memory_space<semaphore_mem>>)
    %dma_start3A_1359 = arith.constant 3 : i32
    %dma_start3A_1360 = arith.constant 3 : i32
    %dma_start3A_1361 = arith.constant 0 : i32
    %dma_start3A_1362 = tpu.memref_slice %arg12[%dma_start3A_1359, %dma_start3A_1361] : memref<8x128xf32, #tpu.memory_space<vmem>> -> memref<1x128xf32, #tpu.memory_space<vmem>>
    %dma_start3A_1363 = tpu.memref_squeeze %dma_start3A_1362 : memref<1x128xf32, #tpu.memory_space<vmem>> -> memref<128xf32, #tpu.memory_space<vmem>>
    %dma_start3A_1364 = arith.constant 0 : i32
    %dma_start3A_1365 = tpu.memref_slice %arg13[%dma_start3A_1360, %dma_start3A_1364] : memref<8x128xi32, #tpu.memory_space<vmem>> -> memref<1x128xi32, #tpu.memory_space<vmem>>
    %dma_start3A_1366 = tpu.memref_squeeze %dma_start3A_1365 : memref<1x128xi32, #tpu.memory_space<vmem>> -> memref<128xi32, #tpu.memory_space<vmem>>
    %dma_start3A_1367 = arith.constant 0 : i32
    %dma_start3A_1368 = tpu.memref_slice %arg19[%dma_start3A_1367] : memref<16384xf32, #tpu.memory_space<vmem_shared>> -> memref<16384xf32, #tpu.memory_space<vmem_shared>>
    tpu.enqueue_indirect_dma source(%dma_start3A_1363 : memref<128xf32, #tpu.memory_space<vmem>>) target(%dma_start3A_1368 : memref<16384xf32, #tpu.memory_space<vmem_shared>>) offsets(%dma_start3A_1366 : memref<128xi32, #tpu.memory_space<vmem>>) semaphore(%arg21 : memref<!tpu.dma_semaphore, #tpu.memory_space<semaphore_mem>>)
    %dma_start3A_1369 = arith.constant 4 : i32
    %dma_start3A_1370 = arith.constant 4 : i32
    %dma_start3A_1371 = arith.constant 0 : i32
    %dma_start3A_1372 = tpu.memref_slice %arg10[%dma_start3A_1369, %dma_start3A_1371] : memref<8x128xi32, #tpu.memory_space<vmem>> -> memref<1x128xi32, #tpu.memory_space<vmem>>
    %dma_start3A_1373 = tpu.memref_squeeze %dma_start3A_1372 : memref<1x128xi32, #tpu.memory_space<vmem>> -> memref<128xi32, #tpu.memory_space<vmem>>
    %dma_start3A_1374 = arith.constant 0 : i32
    %dma_start3A_1375 = tpu.memref_slice %arg13[%dma_start3A_1370, %dma_start3A_1374] : memref<8x128xi32, #tpu.memory_space<vmem>> -> memref<1x128xi32, #tpu.memory_space<vmem>>
    %dma_start3A_1376 = tpu.memref_squeeze %dma_start3A_1375 : memref<1x128xi32, #tpu.memory_space<vmem>> -> memref<128xi32, #tpu.memory_space<vmem>>
    %dma_start3A_1377 = arith.constant 0 : i32
    %dma_start3A_1378 = tpu.memref_slice %arg17[%dma_start3A_1377] : memref<16384xi32, #tpu.memory_space<vmem_shared>> -> memref<16384xi32, #tpu.memory_space<vmem_shared>>
    tpu.enqueue_indirect_dma source(%dma_start3A_1373 : memref<128xi32, #tpu.memory_space<vmem>>) target(%dma_start3A_1378 : memref<16384xi32, #tpu.memory_space<vmem_shared>>) offsets(%dma_start3A_1376 : memref<128xi32, #tpu.memory_space<vmem>>) semaphore(%arg21 : memref<!tpu.dma_semaphore, #tpu.memory_space<semaphore_mem>>)
    %dma_start3A_1379 = arith.constant 4 : i32
    %dma_start3A_1380 = arith.constant 4 : i32
    %dma_start3A_1381 = arith.constant 0 : i32
    %dma_start3A_1382 = tpu.memref_slice %arg11[%dma_start3A_1379, %dma_start3A_1381] : memref<8x128xf32, #tpu.memory_space<vmem>> -> memref<1x128xf32, #tpu.memory_space<vmem>>
    %dma_start3A_1383 = tpu.memref_squeeze %dma_start3A_1382 : memref<1x128xf32, #tpu.memory_space<vmem>> -> memref<128xf32, #tpu.memory_space<vmem>>
    %dma_start3A_1384 = arith.constant 0 : i32
    %dma_start3A_1385 = tpu.memref_slice %arg13[%dma_start3A_1380, %dma_start3A_1384] : memref<8x128xi32, #tpu.memory_space<vmem>> -> memref<1x128xi32, #tpu.memory_space<vmem>>
    %dma_start3A_1386 = tpu.memref_squeeze %dma_start3A_1385 : memref<1x128xi32, #tpu.memory_space<vmem>> -> memref<128xi32, #tpu.memory_space<vmem>>
    %dma_start3A_1387 = arith.constant 0 : i32
    %dma_start3A_1388 = tpu.memref_slice %arg18[%dma_start3A_1387] : memref<16384xf32, #tpu.memory_space<vmem_shared>> -> memref<16384xf32, #tpu.memory_space<vmem_shared>>
    tpu.enqueue_indirect_dma source(%dma_start3A_1383 : memref<128xf32, #tpu.memory_space<vmem>>) target(%dma_start3A_1388 : memref<16384xf32, #tpu.memory_space<vmem_shared>>) offsets(%dma_start3A_1386 : memref<128xi32, #tpu.memory_space<vmem>>) semaphore(%arg21 : memref<!tpu.dma_semaphore, #tpu.memory_space<semaphore_mem>>)
    %dma_start3A_1389 = arith.constant 4 : i32
    %dma_start3A_1390 = arith.constant 4 : i32
    %dma_start3A_1391 = arith.constant 0 : i32
    %dma_start3A_1392 = tpu.memref_slice %arg12[%dma_start3A_1389, %dma_start3A_1391] : memref<8x128xf32, #tpu.memory_space<vmem>> -> memref<1x128xf32, #tpu.memory_space<vmem>>
    %dma_start3A_1393 = tpu.memref_squeeze %dma_start3A_1392 : memref<1x128xf32, #tpu.memory_space<vmem>> -> memref<128xf32, #tpu.memory_space<vmem>>
    %dma_start3A_1394 = arith.constant 0 : i32
    %dma_start3A_1395 = tpu.memref_slice %arg13[%dma_start3A_1390, %dma_start3A_1394] : memref<8x128xi32, #tpu.memory_space<vmem>> -> memref<1x128xi32, #tpu.memory_space<vmem>>
    %dma_start3A_1396 = tpu.memref_squeeze %dma_start3A_1395 : memref<1x128xi32, #tpu.memory_space<vmem>> -> memref<128xi32, #tpu.memory_space<vmem>>
    %dma_start3A_1397 = arith.constant 0 : i32
    %dma_start3A_1398 = tpu.memref_slice %arg19[%dma_start3A_1397] : memref<16384xf32, #tpu.memory_space<vmem_shared>> -> memref<16384xf32, #tpu.memory_space<vmem_shared>>
    tpu.enqueue_indirect_dma source(%dma_start3A_1393 : memref<128xf32, #tpu.memory_space<vmem>>) target(%dma_start3A_1398 : memref<16384xf32, #tpu.memory_space<vmem_shared>>) offsets(%dma_start3A_1396 : memref<128xi32, #tpu.memory_space<vmem>>) semaphore(%arg21 : memref<!tpu.dma_semaphore, #tpu.memory_space<semaphore_mem>>)
    %dma_start3A_1399 = arith.constant 5 : i32
    %dma_start3A_1400 = arith.constant 5 : i32
    %dma_start3A_1401 = arith.constant 0 : i32
    %dma_start3A_1402 = tpu.memref_slice %arg10[%dma_start3A_1399, %dma_start3A_1401] : memref<8x128xi32, #tpu.memory_space<vmem>> -> memref<1x128xi32, #tpu.memory_space<vmem>>
    %dma_start3A_1403 = tpu.memref_squeeze %dma_start3A_1402 : memref<1x128xi32, #tpu.memory_space<vmem>> -> memref<128xi32, #tpu.memory_space<vmem>>
    %dma_start3A_1404 = arith.constant 0 : i32
    %dma_start3A_1405 = tpu.memref_slice %arg13[%dma_start3A_1400, %dma_start3A_1404] : memref<8x128xi32, #tpu.memory_space<vmem>> -> memref<1x128xi32, #tpu.memory_space<vmem>>
    %dma_start3A_1406 = tpu.memref_squeeze %dma_start3A_1405 : memref<1x128xi32, #tpu.memory_space<vmem>> -> memref<128xi32, #tpu.memory_space<vmem>>
    %dma_start3A_1407 = arith.constant 0 : i32
    %dma_start3A_1408 = tpu.memref_slice %arg17[%dma_start3A_1407] : memref<16384xi32, #tpu.memory_space<vmem_shared>> -> memref<16384xi32, #tpu.memory_space<vmem_shared>>
    tpu.enqueue_indirect_dma source(%dma_start3A_1403 : memref<128xi32, #tpu.memory_space<vmem>>) target(%dma_start3A_1408 : memref<16384xi32, #tpu.memory_space<vmem_shared>>) offsets(%dma_start3A_1406 : memref<128xi32, #tpu.memory_space<vmem>>) semaphore(%arg21 : memref<!tpu.dma_semaphore, #tpu.memory_space<semaphore_mem>>)
    %dma_start3A_1409 = arith.constant 5 : i32
    %dma_start3A_1410 = arith.constant 5 : i32
    %dma_start3A_1411 = arith.constant 0 : i32
    %dma_start3A_1412 = tpu.memref_slice %arg11[%dma_start3A_1409, %dma_start3A_1411] : memref<8x128xf32, #tpu.memory_space<vmem>> -> memref<1x128xf32, #tpu.memory_space<vmem>>
    %dma_start3A_1413 = tpu.memref_squeeze %dma_start3A_1412 : memref<1x128xf32, #tpu.memory_space<vmem>> -> memref<128xf32, #tpu.memory_space<vmem>>
    %dma_start3A_1414 = arith.constant 0 : i32
    %dma_start3A_1415 = tpu.memref_slice %arg13[%dma_start3A_1410, %dma_start3A_1414] : memref<8x128xi32, #tpu.memory_space<vmem>> -> memref<1x128xi32, #tpu.memory_space<vmem>>
    %dma_start3A_1416 = tpu.memref_squeeze %dma_start3A_1415 : memref<1x128xi32, #tpu.memory_space<vmem>> -> memref<128xi32, #tpu.memory_space<vmem>>
    %dma_start3A_1417 = arith.constant 0 : i32
    %dma_start3A_1418 = tpu.memref_slice %arg18[%dma_start3A_1417] : memref<16384xf32, #tpu.memory_space<vmem_shared>> -> memref<16384xf32, #tpu.memory_space<vmem_shared>>
    tpu.enqueue_indirect_dma source(%dma_start3A_1413 : memref<128xf32, #tpu.memory_space<vmem>>) target(%dma_start3A_1418 : memref<16384xf32, #tpu.memory_space<vmem_shared>>) offsets(%dma_start3A_1416 : memref<128xi32, #tpu.memory_space<vmem>>) semaphore(%arg21 : memref<!tpu.dma_semaphore, #tpu.memory_space<semaphore_mem>>)
    %dma_start3A_1419 = arith.constant 5 : i32
    %dma_start3A_1420 = arith.constant 5 : i32
    %dma_start3A_1421 = arith.constant 0 : i32
    %dma_start3A_1422 = tpu.memref_slice %arg12[%dma_start3A_1419, %dma_start3A_1421] : memref<8x128xf32, #tpu.memory_space<vmem>> -> memref<1x128xf32, #tpu.memory_space<vmem>>
    %dma_start3A_1423 = tpu.memref_squeeze %dma_start3A_1422 : memref<1x128xf32, #tpu.memory_space<vmem>> -> memref<128xf32, #tpu.memory_space<vmem>>
    %dma_start3A_1424 = arith.constant 0 : i32
    %dma_start3A_1425 = tpu.memref_slice %arg13[%dma_start3A_1420, %dma_start3A_1424] : memref<8x128xi32, #tpu.memory_space<vmem>> -> memref<1x128xi32, #tpu.memory_space<vmem>>
    %dma_start3A_1426 = tpu.memref_squeeze %dma_start3A_1425 : memref<1x128xi32, #tpu.memory_space<vmem>> -> memref<128xi32, #tpu.memory_space<vmem>>
    %dma_start3A_1427 = arith.constant 0 : i32
    %dma_start3A_1428 = tpu.memref_slice %arg19[%dma_start3A_1427] : memref<16384xf32, #tpu.memory_space<vmem_shared>> -> memref<16384xf32, #tpu.memory_space<vmem_shared>>
    tpu.enqueue_indirect_dma source(%dma_start3A_1423 : memref<128xf32, #tpu.memory_space<vmem>>) target(%dma_start3A_1428 : memref<16384xf32, #tpu.memory_space<vmem_shared>>) offsets(%dma_start3A_1426 : memref<128xi32, #tpu.memory_space<vmem>>) semaphore(%arg21 : memref<!tpu.dma_semaphore, #tpu.memory_space<semaphore_mem>>)
    %dma_start3A_1429 = arith.constant 6 : i32
    %dma_start3A_1430 = arith.constant 6 : i32
    %dma_start3A_1431 = arith.constant 0 : i32
    %dma_start3A_1432 = tpu.memref_slice %arg10[%dma_start3A_1429, %dma_start3A_1431] : memref<8x128xi32, #tpu.memory_space<vmem>> -> memref<1x128xi32, #tpu.memory_space<vmem>>
    %dma_start3A_1433 = tpu.memref_squeeze %dma_start3A_1432 : memref<1x128xi32, #tpu.memory_space<vmem>> -> memref<128xi32, #tpu.memory_space<vmem>>
    %dma_start3A_1434 = arith.constant 0 : i32
    %dma_start3A_1435 = tpu.memref_slice %arg13[%dma_start3A_1430, %dma_start3A_1434] : memref<8x128xi32, #tpu.memory_space<vmem>> -> memref<1x128xi32, #tpu.memory_space<vmem>>
    %dma_start3A_1436 = tpu.memref_squeeze %dma_start3A_1435 : memref<1x128xi32, #tpu.memory_space<vmem>> -> memref<128xi32, #tpu.memory_space<vmem>>
    %dma_start3A_1437 = arith.constant 0 : i32
    %dma_start3A_1438 = tpu.memref_slice %arg17[%dma_start3A_1437] : memref<16384xi32, #tpu.memory_space<vmem_shared>> -> memref<16384xi32, #tpu.memory_space<vmem_shared>>
    tpu.enqueue_indirect_dma source(%dma_start3A_1433 : memref<128xi32, #tpu.memory_space<vmem>>) target(%dma_start3A_1438 : memref<16384xi32, #tpu.memory_space<vmem_shared>>) offsets(%dma_start3A_1436 : memref<128xi32, #tpu.memory_space<vmem>>) semaphore(%arg21 : memref<!tpu.dma_semaphore, #tpu.memory_space<semaphore_mem>>)
    %dma_start3A_1439 = arith.constant 6 : i32
    %dma_start3A_1440 = arith.constant 6 : i32
    %dma_start3A_1441 = arith.constant 0 : i32
    %dma_start3A_1442 = tpu.memref_slice %arg11[%dma_start3A_1439, %dma_start3A_1441] : memref<8x128xf32, #tpu.memory_space<vmem>> -> memref<1x128xf32, #tpu.memory_space<vmem>>
    %dma_start3A_1443 = tpu.memref_squeeze %dma_start3A_1442 : memref<1x128xf32, #tpu.memory_space<vmem>> -> memref<128xf32, #tpu.memory_space<vmem>>
    %dma_start3A_1444 = arith.constant 0 : i32
    %dma_start3A_1445 = tpu.memref_slice %arg13[%dma_start3A_1440, %dma_start3A_1444] : memref<8x128xi32, #tpu.memory_space<vmem>> -> memref<1x128xi32, #tpu.memory_space<vmem>>
    %dma_start3A_1446 = tpu.memref_squeeze %dma_start3A_1445 : memref<1x128xi32, #tpu.memory_space<vmem>> -> memref<128xi32, #tpu.memory_space<vmem>>
    %dma_start3A_1447 = arith.constant 0 : i32
    %dma_start3A_1448 = tpu.memref_slice %arg18[%dma_start3A_1447] : memref<16384xf32, #tpu.memory_space<vmem_shared>> -> memref<16384xf32, #tpu.memory_space<vmem_shared>>
    tpu.enqueue_indirect_dma source(%dma_start3A_1443 : memref<128xf32, #tpu.memory_space<vmem>>) target(%dma_start3A_1448 : memref<16384xf32, #tpu.memory_space<vmem_shared>>) offsets(%dma_start3A_1446 : memref<128xi32, #tpu.memory_space<vmem>>) semaphore(%arg21 : memref<!tpu.dma_semaphore, #tpu.memory_space<semaphore_mem>>)
    %dma_start3A_1449 = arith.constant 6 : i32
    %dma_start3A_1450 = arith.constant 6 : i32
    %dma_start3A_1451 = arith.constant 0 : i32
    %dma_start3A_1452 = tpu.memref_slice %arg12[%dma_start3A_1449, %dma_start3A_1451] : memref<8x128xf32, #tpu.memory_space<vmem>> -> memref<1x128xf32, #tpu.memory_space<vmem>>
    %dma_start3A_1453 = tpu.memref_squeeze %dma_start3A_1452 : memref<1x128xf32, #tpu.memory_space<vmem>> -> memref<128xf32, #tpu.memory_space<vmem>>
    %dma_start3A_1454 = arith.constant 0 : i32
    %dma_start3A_1455 = tpu.memref_slice %arg13[%dma_start3A_1450, %dma_start3A_1454] : memref<8x128xi32, #tpu.memory_space<vmem>> -> memref<1x128xi32, #tpu.memory_space<vmem>>
    %dma_start3A_1456 = tpu.memref_squeeze %dma_start3A_1455 : memref<1x128xi32, #tpu.memory_space<vmem>> -> memref<128xi32, #tpu.memory_space<vmem>>
    %dma_start3A_1457 = arith.constant 0 : i32
    %dma_start3A_1458 = tpu.memref_slice %arg19[%dma_start3A_1457] : memref<16384xf32, #tpu.memory_space<vmem_shared>> -> memref<16384xf32, #tpu.memory_space<vmem_shared>>
    tpu.enqueue_indirect_dma source(%dma_start3A_1453 : memref<128xf32, #tpu.memory_space<vmem>>) target(%dma_start3A_1458 : memref<16384xf32, #tpu.memory_space<vmem_shared>>) offsets(%dma_start3A_1456 : memref<128xi32, #tpu.memory_space<vmem>>) semaphore(%arg21 : memref<!tpu.dma_semaphore, #tpu.memory_space<semaphore_mem>>)
    %dma_start3A_1459 = arith.constant 7 : i32
    %dma_start3A_1460 = arith.constant 7 : i32
    %dma_start3A_1461 = arith.constant 0 : i32
    %dma_start3A_1462 = tpu.memref_slice %arg10[%dma_start3A_1459, %dma_start3A_1461] : memref<8x128xi32, #tpu.memory_space<vmem>> -> memref<1x128xi32, #tpu.memory_space<vmem>>
    %dma_start3A_1463 = tpu.memref_squeeze %dma_start3A_1462 : memref<1x128xi32, #tpu.memory_space<vmem>> -> memref<128xi32, #tpu.memory_space<vmem>>
    %dma_start3A_1464 = arith.constant 0 : i32
    %dma_start3A_1465 = tpu.memref_slice %arg13[%dma_start3A_1460, %dma_start3A_1464] : memref<8x128xi32, #tpu.memory_space<vmem>> -> memref<1x128xi32, #tpu.memory_space<vmem>>
    %dma_start3A_1466 = tpu.memref_squeeze %dma_start3A_1465 : memref<1x128xi32, #tpu.memory_space<vmem>> -> memref<128xi32, #tpu.memory_space<vmem>>
    %dma_start3A_1467 = arith.constant 0 : i32
    %dma_start3A_1468 = tpu.memref_slice %arg17[%dma_start3A_1467] : memref<16384xi32, #tpu.memory_space<vmem_shared>> -> memref<16384xi32, #tpu.memory_space<vmem_shared>>
    tpu.enqueue_indirect_dma source(%dma_start3A_1463 : memref<128xi32, #tpu.memory_space<vmem>>) target(%dma_start3A_1468 : memref<16384xi32, #tpu.memory_space<vmem_shared>>) offsets(%dma_start3A_1466 : memref<128xi32, #tpu.memory_space<vmem>>) semaphore(%arg21 : memref<!tpu.dma_semaphore, #tpu.memory_space<semaphore_mem>>)
    %dma_start3A_1469 = arith.constant 7 : i32
    %dma_start3A_1470 = arith.constant 7 : i32
    %dma_start3A_1471 = arith.constant 0 : i32
    %dma_start3A_1472 = tpu.memref_slice %arg11[%dma_start3A_1469, %dma_start3A_1471] : memref<8x128xf32, #tpu.memory_space<vmem>> -> memref<1x128xf32, #tpu.memory_space<vmem>>
    %dma_start3A_1473 = tpu.memref_squeeze %dma_start3A_1472 : memref<1x128xf32, #tpu.memory_space<vmem>> -> memref<128xf32, #tpu.memory_space<vmem>>
    %dma_start3A_1474 = arith.constant 0 : i32
    %dma_start3A_1475 = tpu.memref_slice %arg13[%dma_start3A_1470, %dma_start3A_1474] : memref<8x128xi32, #tpu.memory_space<vmem>> -> memref<1x128xi32, #tpu.memory_space<vmem>>
    %dma_start3A_1476 = tpu.memref_squeeze %dma_start3A_1475 : memref<1x128xi32, #tpu.memory_space<vmem>> -> memref<128xi32, #tpu.memory_space<vmem>>
    %dma_start3A_1477 = arith.constant 0 : i32
    %dma_start3A_1478 = tpu.memref_slice %arg18[%dma_start3A_1477] : memref<16384xf32, #tpu.memory_space<vmem_shared>> -> memref<16384xf32, #tpu.memory_space<vmem_shared>>
    tpu.enqueue_indirect_dma source(%dma_start3A_1473 : memref<128xf32, #tpu.memory_space<vmem>>) target(%dma_start3A_1478 : memref<16384xf32, #tpu.memory_space<vmem_shared>>) offsets(%dma_start3A_1476 : memref<128xi32, #tpu.memory_space<vmem>>) semaphore(%arg21 : memref<!tpu.dma_semaphore, #tpu.memory_space<semaphore_mem>>)
    %dma_start3A_1479 = arith.constant 7 : i32
    %dma_start3A_1480 = arith.constant 7 : i32
    %dma_start3A_1481 = arith.constant 0 : i32
    %dma_start3A_1482 = tpu.memref_slice %arg12[%dma_start3A_1479, %dma_start3A_1481] : memref<8x128xf32, #tpu.memory_space<vmem>> -> memref<1x128xf32, #tpu.memory_space<vmem>>
    %dma_start3A_1483 = tpu.memref_squeeze %dma_start3A_1482 : memref<1x128xf32, #tpu.memory_space<vmem>> -> memref<128xf32, #tpu.memory_space<vmem>>
    %dma_start3A_1484 = arith.constant 0 : i32
    %dma_start3A_1485 = tpu.memref_slice %arg13[%dma_start3A_1480, %dma_start3A_1484] : memref<8x128xi32, #tpu.memory_space<vmem>> -> memref<1x128xi32, #tpu.memory_space<vmem>>
    %dma_start3A_1486 = tpu.memref_squeeze %dma_start3A_1485 : memref<1x128xi32, #tpu.memory_space<vmem>> -> memref<128xi32, #tpu.memory_space<vmem>>
    %dma_start3A_1487 = arith.constant 0 : i32
    %dma_start3A_1488 = tpu.memref_slice %arg19[%dma_start3A_1487] : memref<16384xf32, #tpu.memory_space<vmem_shared>> -> memref<16384xf32, #tpu.memory_space<vmem_shared>>
    tpu.enqueue_indirect_dma source(%dma_start3A_1483 : memref<128xf32, #tpu.memory_space<vmem>>) target(%dma_start3A_1488 : memref<16384xf32, #tpu.memory_space<vmem_shared>>) offsets(%dma_start3A_1486 : memref<128xi32, #tpu.memory_space<vmem>>) semaphore(%arg21 : memref<!tpu.dma_semaphore, #tpu.memory_space<semaphore_mem>>)
    %dma_wait3A_1489 = arith.constant 0 : i32
    %dma_wait3A_1490 = arith.constant 0 : i32
    %dma_wait3A_1491 = arith.constant 0 : i32
    %dma_wait3A_1492 = tpu.memref_slice %arg10[%dma_wait3A_1489, %dma_wait3A_1491] : memref<8x128xi32, #tpu.memory_space<vmem>> -> memref<1x128xi32, #tpu.memory_space<vmem>>
    %dma_wait3A_1493 = tpu.memref_squeeze %dma_wait3A_1492 : memref<1x128xi32, #tpu.memory_space<vmem>> -> memref<128xi32, #tpu.memory_space<vmem>>
    %dma_wait3A_1494 = arith.constant 0 : i32
    %dma_wait3A_1495 = tpu.memref_slice %arg13[%dma_wait3A_1490, %dma_wait3A_1494] : memref<8x128xi32, #tpu.memory_space<vmem>> -> memref<1x128xi32, #tpu.memory_space<vmem>>
    %dma_wait3A_1496 = tpu.memref_squeeze %dma_wait3A_1495 : memref<1x128xi32, #tpu.memory_space<vmem>> -> memref<128xi32, #tpu.memory_space<vmem>>
    %dma_wait3A_1497 = arith.constant 0 : i32
    %dma_wait3A_1498 = tpu.memref_slice %arg17[%dma_wait3A_1497] : memref<16384xi32, #tpu.memory_space<vmem_shared>> -> memref<16384xi32, #tpu.memory_space<vmem_shared>>
    tpu.wait_indirect_dma semaphore(%arg21 : memref<!tpu.dma_semaphore, #tpu.memory_space<semaphore_mem>>) src(%dma_wait3A_1493 : memref<128xi32, #tpu.memory_space<vmem>>) dst(%dma_wait3A_1498 : memref<16384xi32, #tpu.memory_space<vmem_shared>>)
    %dma_wait3A_1499 = arith.constant 0 : i32
    %dma_wait3A_1500 = arith.constant 0 : i32
    %dma_wait3A_1501 = arith.constant 0 : i32
    %dma_wait3A_1502 = tpu.memref_slice %arg11[%dma_wait3A_1499, %dma_wait3A_1501] : memref<8x128xf32, #tpu.memory_space<vmem>> -> memref<1x128xf32, #tpu.memory_space<vmem>>
    %dma_wait3A_1503 = tpu.memref_squeeze %dma_wait3A_1502 : memref<1x128xf32, #tpu.memory_space<vmem>> -> memref<128xf32, #tpu.memory_space<vmem>>
    %dma_wait3A_1504 = arith.constant 0 : i32
    %dma_wait3A_1505 = tpu.memref_slice %arg13[%dma_wait3A_1500, %dma_wait3A_1504] : memref<8x128xi32, #tpu.memory_space<vmem>> -> memref<1x128xi32, #tpu.memory_space<vmem>>
    %dma_wait3A_1506 = tpu.memref_squeeze %dma_wait3A_1505 : memref<1x128xi32, #tpu.memory_space<vmem>> -> memref<128xi32, #tpu.memory_space<vmem>>
    %dma_wait3A_1507 = arith.constant 0 : i32
    %dma_wait3A_1508 = tpu.memref_slice %arg18[%dma_wait3A_1507] : memref<16384xf32, #tpu.memory_space<vmem_shared>> -> memref<16384xf32, #tpu.memory_space<vmem_shared>>
    tpu.wait_indirect_dma semaphore(%arg21 : memref<!tpu.dma_semaphore, #tpu.memory_space<semaphore_mem>>) src(%dma_wait3A_1503 : memref<128xf32, #tpu.memory_space<vmem>>) dst(%dma_wait3A_1508 : memref<16384xf32, #tpu.memory_space<vmem_shared>>)
    %dma_wait3A_1509 = arith.constant 0 : i32
    %dma_wait3A_1510 = arith.constant 0 : i32
    %dma_wait3A_1511 = arith.constant 0 : i32
    %dma_wait3A_1512 = tpu.memref_slice %arg12[%dma_wait3A_1509, %dma_wait3A_1511] : memref<8x128xf32, #tpu.memory_space<vmem>> -> memref<1x128xf32, #tpu.memory_space<vmem>>
    %dma_wait3A_1513 = tpu.memref_squeeze %dma_wait3A_1512 : memref<1x128xf32, #tpu.memory_space<vmem>> -> memref<128xf32, #tpu.memory_space<vmem>>
    %dma_wait3A_1514 = arith.constant 0 : i32
    %dma_wait3A_1515 = tpu.memref_slice %arg13[%dma_wait3A_1510, %dma_wait3A_1514] : memref<8x128xi32, #tpu.memory_space<vmem>> -> memref<1x128xi32, #tpu.memory_space<vmem>>
    %dma_wait3A_1516 = tpu.memref_squeeze %dma_wait3A_1515 : memref<1x128xi32, #tpu.memory_space<vmem>> -> memref<128xi32, #tpu.memory_space<vmem>>
    %dma_wait3A_1517 = arith.constant 0 : i32
    %dma_wait3A_1518 = tpu.memref_slice %arg19[%dma_wait3A_1517] : memref<16384xf32, #tpu.memory_space<vmem_shared>> -> memref<16384xf32, #tpu.memory_space<vmem_shared>>
    tpu.wait_indirect_dma semaphore(%arg21 : memref<!tpu.dma_semaphore, #tpu.memory_space<semaphore_mem>>) src(%dma_wait3A_1513 : memref<128xf32, #tpu.memory_space<vmem>>) dst(%dma_wait3A_1518 : memref<16384xf32, #tpu.memory_space<vmem_shared>>)
    %dma_wait3A_1519 = arith.constant 1 : i32
    %dma_wait3A_1520 = arith.constant 1 : i32
    %dma_wait3A_1521 = arith.constant 0 : i32
    %dma_wait3A_1522 = tpu.memref_slice %arg10[%dma_wait3A_1519, %dma_wait3A_1521] : memref<8x128xi32, #tpu.memory_space<vmem>> -> memref<1x128xi32, #tpu.memory_space<vmem>>
    %dma_wait3A_1523 = tpu.memref_squeeze %dma_wait3A_1522 : memref<1x128xi32, #tpu.memory_space<vmem>> -> memref<128xi32, #tpu.memory_space<vmem>>
    %dma_wait3A_1524 = arith.constant 0 : i32
    %dma_wait3A_1525 = tpu.memref_slice %arg13[%dma_wait3A_1520, %dma_wait3A_1524] : memref<8x128xi32, #tpu.memory_space<vmem>> -> memref<1x128xi32, #tpu.memory_space<vmem>>
    %dma_wait3A_1526 = tpu.memref_squeeze %dma_wait3A_1525 : memref<1x128xi32, #tpu.memory_space<vmem>> -> memref<128xi32, #tpu.memory_space<vmem>>
    %dma_wait3A_1527 = arith.constant 0 : i32
    %dma_wait3A_1528 = tpu.memref_slice %arg17[%dma_wait3A_1527] : memref<16384xi32, #tpu.memory_space<vmem_shared>> -> memref<16384xi32, #tpu.memory_space<vmem_shared>>
    tpu.wait_indirect_dma semaphore(%arg21 : memref<!tpu.dma_semaphore, #tpu.memory_space<semaphore_mem>>) src(%dma_wait3A_1523 : memref<128xi32, #tpu.memory_space<vmem>>) dst(%dma_wait3A_1528 : memref<16384xi32, #tpu.memory_space<vmem_shared>>)
    %dma_wait3A_1529 = arith.constant 1 : i32
    %dma_wait3A_1530 = arith.constant 1 : i32
    %dma_wait3A_1531 = arith.constant 0 : i32
    %dma_wait3A_1532 = tpu.memref_slice %arg11[%dma_wait3A_1529, %dma_wait3A_1531] : memref<8x128xf32, #tpu.memory_space<vmem>> -> memref<1x128xf32, #tpu.memory_space<vmem>>
    %dma_wait3A_1533 = tpu.memref_squeeze %dma_wait3A_1532 : memref<1x128xf32, #tpu.memory_space<vmem>> -> memref<128xf32, #tpu.memory_space<vmem>>
    %dma_wait3A_1534 = arith.constant 0 : i32
    %dma_wait3A_1535 = tpu.memref_slice %arg13[%dma_wait3A_1530, %dma_wait3A_1534] : memref<8x128xi32, #tpu.memory_space<vmem>> -> memref<1x128xi32, #tpu.memory_space<vmem>>
    %dma_wait3A_1536 = tpu.memref_squeeze %dma_wait3A_1535 : memref<1x128xi32, #tpu.memory_space<vmem>> -> memref<128xi32, #tpu.memory_space<vmem>>
    %dma_wait3A_1537 = arith.constant 0 : i32
    %dma_wait3A_1538 = tpu.memref_slice %arg18[%dma_wait3A_1537] : memref<16384xf32, #tpu.memory_space<vmem_shared>> -> memref<16384xf32, #tpu.memory_space<vmem_shared>>
    tpu.wait_indirect_dma semaphore(%arg21 : memref<!tpu.dma_semaphore, #tpu.memory_space<semaphore_mem>>) src(%dma_wait3A_1533 : memref<128xf32, #tpu.memory_space<vmem>>) dst(%dma_wait3A_1538 : memref<16384xf32, #tpu.memory_space<vmem_shared>>)
    %dma_wait3A_1539 = arith.constant 1 : i32
    %dma_wait3A_1540 = arith.constant 1 : i32
    %dma_wait3A_1541 = arith.constant 0 : i32
    %dma_wait3A_1542 = tpu.memref_slice %arg12[%dma_wait3A_1539, %dma_wait3A_1541] : memref<8x128xf32, #tpu.memory_space<vmem>> -> memref<1x128xf32, #tpu.memory_space<vmem>>
    %dma_wait3A_1543 = tpu.memref_squeeze %dma_wait3A_1542 : memref<1x128xf32, #tpu.memory_space<vmem>> -> memref<128xf32, #tpu.memory_space<vmem>>
    %dma_wait3A_1544 = arith.constant 0 : i32
    %dma_wait3A_1545 = tpu.memref_slice %arg13[%dma_wait3A_1540, %dma_wait3A_1544] : memref<8x128xi32, #tpu.memory_space<vmem>> -> memref<1x128xi32, #tpu.memory_space<vmem>>
    %dma_wait3A_1546 = tpu.memref_squeeze %dma_wait3A_1545 : memref<1x128xi32, #tpu.memory_space<vmem>> -> memref<128xi32, #tpu.memory_space<vmem>>
    %dma_wait3A_1547 = arith.constant 0 : i32
    %dma_wait3A_1548 = tpu.memref_slice %arg19[%dma_wait3A_1547] : memref<16384xf32, #tpu.memory_space<vmem_shared>> -> memref<16384xf32, #tpu.memory_space<vmem_shared>>
    tpu.wait_indirect_dma semaphore(%arg21 : memref<!tpu.dma_semaphore, #tpu.memory_space<semaphore_mem>>) src(%dma_wait3A_1543 : memref<128xf32, #tpu.memory_space<vmem>>) dst(%dma_wait3A_1548 : memref<16384xf32, #tpu.memory_space<vmem_shared>>)
    %dma_wait3A_1549 = arith.constant 2 : i32
    %dma_wait3A_1550 = arith.constant 2 : i32
    %dma_wait3A_1551 = arith.constant 0 : i32
    %dma_wait3A_1552 = tpu.memref_slice %arg10[%dma_wait3A_1549, %dma_wait3A_1551] : memref<8x128xi32, #tpu.memory_space<vmem>> -> memref<1x128xi32, #tpu.memory_space<vmem>>
    %dma_wait3A_1553 = tpu.memref_squeeze %dma_wait3A_1552 : memref<1x128xi32, #tpu.memory_space<vmem>> -> memref<128xi32, #tpu.memory_space<vmem>>
    %dma_wait3A_1554 = arith.constant 0 : i32
    %dma_wait3A_1555 = tpu.memref_slice %arg13[%dma_wait3A_1550, %dma_wait3A_1554] : memref<8x128xi32, #tpu.memory_space<vmem>> -> memref<1x128xi32, #tpu.memory_space<vmem>>
    %dma_wait3A_1556 = tpu.memref_squeeze %dma_wait3A_1555 : memref<1x128xi32, #tpu.memory_space<vmem>> -> memref<128xi32, #tpu.memory_space<vmem>>
    %dma_wait3A_1557 = arith.constant 0 : i32
    %dma_wait3A_1558 = tpu.memref_slice %arg17[%dma_wait3A_1557] : memref<16384xi32, #tpu.memory_space<vmem_shared>> -> memref<16384xi32, #tpu.memory_space<vmem_shared>>
    tpu.wait_indirect_dma semaphore(%arg21 : memref<!tpu.dma_semaphore, #tpu.memory_space<semaphore_mem>>) src(%dma_wait3A_1553 : memref<128xi32, #tpu.memory_space<vmem>>) dst(%dma_wait3A_1558 : memref<16384xi32, #tpu.memory_space<vmem_shared>>)
    %dma_wait3A_1559 = arith.constant 2 : i32
    %dma_wait3A_1560 = arith.constant 2 : i32
    %dma_wait3A_1561 = arith.constant 0 : i32
    %dma_wait3A_1562 = tpu.memref_slice %arg11[%dma_wait3A_1559, %dma_wait3A_1561] : memref<8x128xf32, #tpu.memory_space<vmem>> -> memref<1x128xf32, #tpu.memory_space<vmem>>
    %dma_wait3A_1563 = tpu.memref_squeeze %dma_wait3A_1562 : memref<1x128xf32, #tpu.memory_space<vmem>> -> memref<128xf32, #tpu.memory_space<vmem>>
    %dma_wait3A_1564 = arith.constant 0 : i32
    %dma_wait3A_1565 = tpu.memref_slice %arg13[%dma_wait3A_1560, %dma_wait3A_1564] : memref<8x128xi32, #tpu.memory_space<vmem>> -> memref<1x128xi32, #tpu.memory_space<vmem>>
    %dma_wait3A_1566 = tpu.memref_squeeze %dma_wait3A_1565 : memref<1x128xi32, #tpu.memory_space<vmem>> -> memref<128xi32, #tpu.memory_space<vmem>>
    %dma_wait3A_1567 = arith.constant 0 : i32
    %dma_wait3A_1568 = tpu.memref_slice %arg18[%dma_wait3A_1567] : memref<16384xf32, #tpu.memory_space<vmem_shared>> -> memref<16384xf32, #tpu.memory_space<vmem_shared>>
    tpu.wait_indirect_dma semaphore(%arg21 : memref<!tpu.dma_semaphore, #tpu.memory_space<semaphore_mem>>) src(%dma_wait3A_1563 : memref<128xf32, #tpu.memory_space<vmem>>) dst(%dma_wait3A_1568 : memref<16384xf32, #tpu.memory_space<vmem_shared>>)
    %dma_wait3A_1569 = arith.constant 2 : i32
    %dma_wait3A_1570 = arith.constant 2 : i32
    %dma_wait3A_1571 = arith.constant 0 : i32
    %dma_wait3A_1572 = tpu.memref_slice %arg12[%dma_wait3A_1569, %dma_wait3A_1571] : memref<8x128xf32, #tpu.memory_space<vmem>> -> memref<1x128xf32, #tpu.memory_space<vmem>>
    %dma_wait3A_1573 = tpu.memref_squeeze %dma_wait3A_1572 : memref<1x128xf32, #tpu.memory_space<vmem>> -> memref<128xf32, #tpu.memory_space<vmem>>
    %dma_wait3A_1574 = arith.constant 0 : i32
    %dma_wait3A_1575 = tpu.memref_slice %arg13[%dma_wait3A_1570, %dma_wait3A_1574] : memref<8x128xi32, #tpu.memory_space<vmem>> -> memref<1x128xi32, #tpu.memory_space<vmem>>
    %dma_wait3A_1576 = tpu.memref_squeeze %dma_wait3A_1575 : memref<1x128xi32, #tpu.memory_space<vmem>> -> memref<128xi32, #tpu.memory_space<vmem>>
    %dma_wait3A_1577 = arith.constant 0 : i32
    %dma_wait3A_1578 = tpu.memref_slice %arg19[%dma_wait3A_1577] : memref<16384xf32, #tpu.memory_space<vmem_shared>> -> memref<16384xf32, #tpu.memory_space<vmem_shared>>
    tpu.wait_indirect_dma semaphore(%arg21 : memref<!tpu.dma_semaphore, #tpu.memory_space<semaphore_mem>>) src(%dma_wait3A_1573 : memref<128xf32, #tpu.memory_space<vmem>>) dst(%dma_wait3A_1578 : memref<16384xf32, #tpu.memory_space<vmem_shared>>)
    %dma_wait3A_1579 = arith.constant 3 : i32
    %dma_wait3A_1580 = arith.constant 3 : i32
    %dma_wait3A_1581 = arith.constant 0 : i32
    %dma_wait3A_1582 = tpu.memref_slice %arg10[%dma_wait3A_1579, %dma_wait3A_1581] : memref<8x128xi32, #tpu.memory_space<vmem>> -> memref<1x128xi32, #tpu.memory_space<vmem>>
    %dma_wait3A_1583 = tpu.memref_squeeze %dma_wait3A_1582 : memref<1x128xi32, #tpu.memory_space<vmem>> -> memref<128xi32, #tpu.memory_space<vmem>>
    %dma_wait3A_1584 = arith.constant 0 : i32
    %dma_wait3A_1585 = tpu.memref_slice %arg13[%dma_wait3A_1580, %dma_wait3A_1584] : memref<8x128xi32, #tpu.memory_space<vmem>> -> memref<1x128xi32, #tpu.memory_space<vmem>>
    %dma_wait3A_1586 = tpu.memref_squeeze %dma_wait3A_1585 : memref<1x128xi32, #tpu.memory_space<vmem>> -> memref<128xi32, #tpu.memory_space<vmem>>
    %dma_wait3A_1587 = arith.constant 0 : i32
    %dma_wait3A_1588 = tpu.memref_slice %arg17[%dma_wait3A_1587] : memref<16384xi32, #tpu.memory_space<vmem_shared>> -> memref<16384xi32, #tpu.memory_space<vmem_shared>>
    tpu.wait_indirect_dma semaphore(%arg21 : memref<!tpu.dma_semaphore, #tpu.memory_space<semaphore_mem>>) src(%dma_wait3A_1583 : memref<128xi32, #tpu.memory_space<vmem>>) dst(%dma_wait3A_1588 : memref<16384xi32, #tpu.memory_space<vmem_shared>>)
    %dma_wait3A_1589 = arith.constant 3 : i32
    %dma_wait3A_1590 = arith.constant 3 : i32
    %dma_wait3A_1591 = arith.constant 0 : i32
    %dma_wait3A_1592 = tpu.memref_slice %arg11[%dma_wait3A_1589, %dma_wait3A_1591] : memref<8x128xf32, #tpu.memory_space<vmem>> -> memref<1x128xf32, #tpu.memory_space<vmem>>
    %dma_wait3A_1593 = tpu.memref_squeeze %dma_wait3A_1592 : memref<1x128xf32, #tpu.memory_space<vmem>> -> memref<128xf32, #tpu.memory_space<vmem>>
    %dma_wait3A_1594 = arith.constant 0 : i32
    %dma_wait3A_1595 = tpu.memref_slice %arg13[%dma_wait3A_1590, %dma_wait3A_1594] : memref<8x128xi32, #tpu.memory_space<vmem>> -> memref<1x128xi32, #tpu.memory_space<vmem>>
    %dma_wait3A_1596 = tpu.memref_squeeze %dma_wait3A_1595 : memref<1x128xi32, #tpu.memory_space<vmem>> -> memref<128xi32, #tpu.memory_space<vmem>>
    %dma_wait3A_1597 = arith.constant 0 : i32
    %dma_wait3A_1598 = tpu.memref_slice %arg18[%dma_wait3A_1597] : memref<16384xf32, #tpu.memory_space<vmem_shared>> -> memref<16384xf32, #tpu.memory_space<vmem_shared>>
    tpu.wait_indirect_dma semaphore(%arg21 : memref<!tpu.dma_semaphore, #tpu.memory_space<semaphore_mem>>) src(%dma_wait3A_1593 : memref<128xf32, #tpu.memory_space<vmem>>) dst(%dma_wait3A_1598 : memref<16384xf32, #tpu.memory_space<vmem_shared>>)
    %dma_wait3A_1599 = arith.constant 3 : i32
    %dma_wait3A_1600 = arith.constant 3 : i32
    %dma_wait3A_1601 = arith.constant 0 : i32
    %dma_wait3A_1602 = tpu.memref_slice %arg12[%dma_wait3A_1599, %dma_wait3A_1601] : memref<8x128xf32, #tpu.memory_space<vmem>> -> memref<1x128xf32, #tpu.memory_space<vmem>>
    %dma_wait3A_1603 = tpu.memref_squeeze %dma_wait3A_1602 : memref<1x128xf32, #tpu.memory_space<vmem>> -> memref<128xf32, #tpu.memory_space<vmem>>
    %dma_wait3A_1604 = arith.constant 0 : i32
    %dma_wait3A_1605 = tpu.memref_slice %arg13[%dma_wait3A_1600, %dma_wait3A_1604] : memref<8x128xi32, #tpu.memory_space<vmem>> -> memref<1x128xi32, #tpu.memory_space<vmem>>
    %dma_wait3A_1606 = tpu.memref_squeeze %dma_wait3A_1605 : memref<1x128xi32, #tpu.memory_space<vmem>> -> memref<128xi32, #tpu.memory_space<vmem>>
    %dma_wait3A_1607 = arith.constant 0 : i32
    %dma_wait3A_1608 = tpu.memref_slice %arg19[%dma_wait3A_1607] : memref<16384xf32, #tpu.memory_space<vmem_shared>> -> memref<16384xf32, #tpu.memory_space<vmem_shared>>
    tpu.wait_indirect_dma semaphore(%arg21 : memref<!tpu.dma_semaphore, #tpu.memory_space<semaphore_mem>>) src(%dma_wait3A_1603 : memref<128xf32, #tpu.memory_space<vmem>>) dst(%dma_wait3A_1608 : memref<16384xf32, #tpu.memory_space<vmem_shared>>)
    %dma_wait3A_1609 = arith.constant 4 : i32
    %dma_wait3A_1610 = arith.constant 4 : i32
    %dma_wait3A_1611 = arith.constant 0 : i32
    %dma_wait3A_1612 = tpu.memref_slice %arg10[%dma_wait3A_1609, %dma_wait3A_1611] : memref<8x128xi32, #tpu.memory_space<vmem>> -> memref<1x128xi32, #tpu.memory_space<vmem>>
    %dma_wait3A_1613 = tpu.memref_squeeze %dma_wait3A_1612 : memref<1x128xi32, #tpu.memory_space<vmem>> -> memref<128xi32, #tpu.memory_space<vmem>>
    %dma_wait3A_1614 = arith.constant 0 : i32
    %dma_wait3A_1615 = tpu.memref_slice %arg13[%dma_wait3A_1610, %dma_wait3A_1614] : memref<8x128xi32, #tpu.memory_space<vmem>> -> memref<1x128xi32, #tpu.memory_space<vmem>>
    %dma_wait3A_1616 = tpu.memref_squeeze %dma_wait3A_1615 : memref<1x128xi32, #tpu.memory_space<vmem>> -> memref<128xi32, #tpu.memory_space<vmem>>
    %dma_wait3A_1617 = arith.constant 0 : i32
    %dma_wait3A_1618 = tpu.memref_slice %arg17[%dma_wait3A_1617] : memref<16384xi32, #tpu.memory_space<vmem_shared>> -> memref<16384xi32, #tpu.memory_space<vmem_shared>>
    tpu.wait_indirect_dma semaphore(%arg21 : memref<!tpu.dma_semaphore, #tpu.memory_space<semaphore_mem>>) src(%dma_wait3A_1613 : memref<128xi32, #tpu.memory_space<vmem>>) dst(%dma_wait3A_1618 : memref<16384xi32, #tpu.memory_space<vmem_shared>>)
    %dma_wait3A_1619 = arith.constant 4 : i32
    %dma_wait3A_1620 = arith.constant 4 : i32
    %dma_wait3A_1621 = arith.constant 0 : i32
    %dma_wait3A_1622 = tpu.memref_slice %arg11[%dma_wait3A_1619, %dma_wait3A_1621] : memref<8x128xf32, #tpu.memory_space<vmem>> -> memref<1x128xf32, #tpu.memory_space<vmem>>
    %dma_wait3A_1623 = tpu.memref_squeeze %dma_wait3A_1622 : memref<1x128xf32, #tpu.memory_space<vmem>> -> memref<128xf32, #tpu.memory_space<vmem>>
    %dma_wait3A_1624 = arith.constant 0 : i32
    %dma_wait3A_1625 = tpu.memref_slice %arg13[%dma_wait3A_1620, %dma_wait3A_1624] : memref<8x128xi32, #tpu.memory_space<vmem>> -> memref<1x128xi32, #tpu.memory_space<vmem>>
    %dma_wait3A_1626 = tpu.memref_squeeze %dma_wait3A_1625 : memref<1x128xi32, #tpu.memory_space<vmem>> -> memref<128xi32, #tpu.memory_space<vmem>>
    %dma_wait3A_1627 = arith.constant 0 : i32
    %dma_wait3A_1628 = tpu.memref_slice %arg18[%dma_wait3A_1627] : memref<16384xf32, #tpu.memory_space<vmem_shared>> -> memref<16384xf32, #tpu.memory_space<vmem_shared>>
    tpu.wait_indirect_dma semaphore(%arg21 : memref<!tpu.dma_semaphore, #tpu.memory_space<semaphore_mem>>) src(%dma_wait3A_1623 : memref<128xf32, #tpu.memory_space<vmem>>) dst(%dma_wait3A_1628 : memref<16384xf32, #tpu.memory_space<vmem_shared>>)
    %dma_wait3A_1629 = arith.constant 4 : i32
    %dma_wait3A_1630 = arith.constant 4 : i32
    %dma_wait3A_1631 = arith.constant 0 : i32
    %dma_wait3A_1632 = tpu.memref_slice %arg12[%dma_wait3A_1629, %dma_wait3A_1631] : memref<8x128xf32, #tpu.memory_space<vmem>> -> memref<1x128xf32, #tpu.memory_space<vmem>>
    %dma_wait3A_1633 = tpu.memref_squeeze %dma_wait3A_1632 : memref<1x128xf32, #tpu.memory_space<vmem>> -> memref<128xf32, #tpu.memory_space<vmem>>
    %dma_wait3A_1634 = arith.constant 0 : i32
    %dma_wait3A_1635 = tpu.memref_slice %arg13[%dma_wait3A_1630, %dma_wait3A_1634] : memref<8x128xi32, #tpu.memory_space<vmem>> -> memref<1x128xi32, #tpu.memory_space<vmem>>
    %dma_wait3A_1636 = tpu.memref_squeeze %dma_wait3A_1635 : memref<1x128xi32, #tpu.memory_space<vmem>> -> memref<128xi32, #tpu.memory_space<vmem>>
    %dma_wait3A_1637 = arith.constant 0 : i32
    %dma_wait3A_1638 = tpu.memref_slice %arg19[%dma_wait3A_1637] : memref<16384xf32, #tpu.memory_space<vmem_shared>> -> memref<16384xf32, #tpu.memory_space<vmem_shared>>
    tpu.wait_indirect_dma semaphore(%arg21 : memref<!tpu.dma_semaphore, #tpu.memory_space<semaphore_mem>>) src(%dma_wait3A_1633 : memref<128xf32, #tpu.memory_space<vmem>>) dst(%dma_wait3A_1638 : memref<16384xf32, #tpu.memory_space<vmem_shared>>)
    %dma_wait3A_1639 = arith.constant 5 : i32
    %dma_wait3A_1640 = arith.constant 5 : i32
    %dma_wait3A_1641 = arith.constant 0 : i32
    %dma_wait3A_1642 = tpu.memref_slice %arg10[%dma_wait3A_1639, %dma_wait3A_1641] : memref<8x128xi32, #tpu.memory_space<vmem>> -> memref<1x128xi32, #tpu.memory_space<vmem>>
    %dma_wait3A_1643 = tpu.memref_squeeze %dma_wait3A_1642 : memref<1x128xi32, #tpu.memory_space<vmem>> -> memref<128xi32, #tpu.memory_space<vmem>>
    %dma_wait3A_1644 = arith.constant 0 : i32
    %dma_wait3A_1645 = tpu.memref_slice %arg13[%dma_wait3A_1640, %dma_wait3A_1644] : memref<8x128xi32, #tpu.memory_space<vmem>> -> memref<1x128xi32, #tpu.memory_space<vmem>>
    %dma_wait3A_1646 = tpu.memref_squeeze %dma_wait3A_1645 : memref<1x128xi32, #tpu.memory_space<vmem>> -> memref<128xi32, #tpu.memory_space<vmem>>
    %dma_wait3A_1647 = arith.constant 0 : i32
    %dma_wait3A_1648 = tpu.memref_slice %arg17[%dma_wait3A_1647] : memref<16384xi32, #tpu.memory_space<vmem_shared>> -> memref<16384xi32, #tpu.memory_space<vmem_shared>>
    tpu.wait_indirect_dma semaphore(%arg21 : memref<!tpu.dma_semaphore, #tpu.memory_space<semaphore_mem>>) src(%dma_wait3A_1643 : memref<128xi32, #tpu.memory_space<vmem>>) dst(%dma_wait3A_1648 : memref<16384xi32, #tpu.memory_space<vmem_shared>>)
    %dma_wait3A_1649 = arith.constant 5 : i32
    %dma_wait3A_1650 = arith.constant 5 : i32
    %dma_wait3A_1651 = arith.constant 0 : i32
    %dma_wait3A_1652 = tpu.memref_slice %arg11[%dma_wait3A_1649, %dma_wait3A_1651] : memref<8x128xf32, #tpu.memory_space<vmem>> -> memref<1x128xf32, #tpu.memory_space<vmem>>
    %dma_wait3A_1653 = tpu.memref_squeeze %dma_wait3A_1652 : memref<1x128xf32, #tpu.memory_space<vmem>> -> memref<128xf32, #tpu.memory_space<vmem>>
    %dma_wait3A_1654 = arith.constant 0 : i32
    %dma_wait3A_1655 = tpu.memref_slice %arg13[%dma_wait3A_1650, %dma_wait3A_1654] : memref<8x128xi32, #tpu.memory_space<vmem>> -> memref<1x128xi32, #tpu.memory_space<vmem>>
    %dma_wait3A_1656 = tpu.memref_squeeze %dma_wait3A_1655 : memref<1x128xi32, #tpu.memory_space<vmem>> -> memref<128xi32, #tpu.memory_space<vmem>>
    %dma_wait3A_1657 = arith.constant 0 : i32
    %dma_wait3A_1658 = tpu.memref_slice %arg18[%dma_wait3A_1657] : memref<16384xf32, #tpu.memory_space<vmem_shared>> -> memref<16384xf32, #tpu.memory_space<vmem_shared>>
    tpu.wait_indirect_dma semaphore(%arg21 : memref<!tpu.dma_semaphore, #tpu.memory_space<semaphore_mem>>) src(%dma_wait3A_1653 : memref<128xf32, #tpu.memory_space<vmem>>) dst(%dma_wait3A_1658 : memref<16384xf32, #tpu.memory_space<vmem_shared>>)
    %dma_wait3A_1659 = arith.constant 5 : i32
    %dma_wait3A_1660 = arith.constant 5 : i32
    %dma_wait3A_1661 = arith.constant 0 : i32
    %dma_wait3A_1662 = tpu.memref_slice %arg12[%dma_wait3A_1659, %dma_wait3A_1661] : memref<8x128xf32, #tpu.memory_space<vmem>> -> memref<1x128xf32, #tpu.memory_space<vmem>>
    %dma_wait3A_1663 = tpu.memref_squeeze %dma_wait3A_1662 : memref<1x128xf32, #tpu.memory_space<vmem>> -> memref<128xf32, #tpu.memory_space<vmem>>
    %dma_wait3A_1664 = arith.constant 0 : i32
    %dma_wait3A_1665 = tpu.memref_slice %arg13[%dma_wait3A_1660, %dma_wait3A_1664] : memref<8x128xi32, #tpu.memory_space<vmem>> -> memref<1x128xi32, #tpu.memory_space<vmem>>
    %dma_wait3A_1666 = tpu.memref_squeeze %dma_wait3A_1665 : memref<1x128xi32, #tpu.memory_space<vmem>> -> memref<128xi32, #tpu.memory_space<vmem>>
    %dma_wait3A_1667 = arith.constant 0 : i32
    %dma_wait3A_1668 = tpu.memref_slice %arg19[%dma_wait3A_1667] : memref<16384xf32, #tpu.memory_space<vmem_shared>> -> memref<16384xf32, #tpu.memory_space<vmem_shared>>
    tpu.wait_indirect_dma semaphore(%arg21 : memref<!tpu.dma_semaphore, #tpu.memory_space<semaphore_mem>>) src(%dma_wait3A_1663 : memref<128xf32, #tpu.memory_space<vmem>>) dst(%dma_wait3A_1668 : memref<16384xf32, #tpu.memory_space<vmem_shared>>)
    %dma_wait3A_1669 = arith.constant 6 : i32
    %dma_wait3A_1670 = arith.constant 6 : i32
    %dma_wait3A_1671 = arith.constant 0 : i32
    %dma_wait3A_1672 = tpu.memref_slice %arg10[%dma_wait3A_1669, %dma_wait3A_1671] : memref<8x128xi32, #tpu.memory_space<vmem>> -> memref<1x128xi32, #tpu.memory_space<vmem>>
    %dma_wait3A_1673 = tpu.memref_squeeze %dma_wait3A_1672 : memref<1x128xi32, #tpu.memory_space<vmem>> -> memref<128xi32, #tpu.memory_space<vmem>>
    %dma_wait3A_1674 = arith.constant 0 : i32
    %dma_wait3A_1675 = tpu.memref_slice %arg13[%dma_wait3A_1670, %dma_wait3A_1674] : memref<8x128xi32, #tpu.memory_space<vmem>> -> memref<1x128xi32, #tpu.memory_space<vmem>>
    %dma_wait3A_1676 = tpu.memref_squeeze %dma_wait3A_1675 : memref<1x128xi32, #tpu.memory_space<vmem>> -> memref<128xi32, #tpu.memory_space<vmem>>
    %dma_wait3A_1677 = arith.constant 0 : i32
    %dma_wait3A_1678 = tpu.memref_slice %arg17[%dma_wait3A_1677] : memref<16384xi32, #tpu.memory_space<vmem_shared>> -> memref<16384xi32, #tpu.memory_space<vmem_shared>>
    tpu.wait_indirect_dma semaphore(%arg21 : memref<!tpu.dma_semaphore, #tpu.memory_space<semaphore_mem>>) src(%dma_wait3A_1673 : memref<128xi32, #tpu.memory_space<vmem>>) dst(%dma_wait3A_1678 : memref<16384xi32, #tpu.memory_space<vmem_shared>>)
    %dma_wait3A_1679 = arith.constant 6 : i32
    %dma_wait3A_1680 = arith.constant 6 : i32
    %dma_wait3A_1681 = arith.constant 0 : i32
    %dma_wait3A_1682 = tpu.memref_slice %arg11[%dma_wait3A_1679, %dma_wait3A_1681] : memref<8x128xf32, #tpu.memory_space<vmem>> -> memref<1x128xf32, #tpu.memory_space<vmem>>
    %dma_wait3A_1683 = tpu.memref_squeeze %dma_wait3A_1682 : memref<1x128xf32, #tpu.memory_space<vmem>> -> memref<128xf32, #tpu.memory_space<vmem>>
    %dma_wait3A_1684 = arith.constant 0 : i32
    %dma_wait3A_1685 = tpu.memref_slice %arg13[%dma_wait3A_1680, %dma_wait3A_1684] : memref<8x128xi32, #tpu.memory_space<vmem>> -> memref<1x128xi32, #tpu.memory_space<vmem>>
    %dma_wait3A_1686 = tpu.memref_squeeze %dma_wait3A_1685 : memref<1x128xi32, #tpu.memory_space<vmem>> -> memref<128xi32, #tpu.memory_space<vmem>>
    %dma_wait3A_1687 = arith.constant 0 : i32
    %dma_wait3A_1688 = tpu.memref_slice %arg18[%dma_wait3A_1687] : memref<16384xf32, #tpu.memory_space<vmem_shared>> -> memref<16384xf32, #tpu.memory_space<vmem_shared>>
    tpu.wait_indirect_dma semaphore(%arg21 : memref<!tpu.dma_semaphore, #tpu.memory_space<semaphore_mem>>) src(%dma_wait3A_1683 : memref<128xf32, #tpu.memory_space<vmem>>) dst(%dma_wait3A_1688 : memref<16384xf32, #tpu.memory_space<vmem_shared>>)
    %dma_wait3A_1689 = arith.constant 6 : i32
    %dma_wait3A_1690 = arith.constant 6 : i32
    %dma_wait3A_1691 = arith.constant 0 : i32
    %dma_wait3A_1692 = tpu.memref_slice %arg12[%dma_wait3A_1689, %dma_wait3A_1691] : memref<8x128xf32, #tpu.memory_space<vmem>> -> memref<1x128xf32, #tpu.memory_space<vmem>>
    %dma_wait3A_1693 = tpu.memref_squeeze %dma_wait3A_1692 : memref<1x128xf32, #tpu.memory_space<vmem>> -> memref<128xf32, #tpu.memory_space<vmem>>
    %dma_wait3A_1694 = arith.constant 0 : i32
    %dma_wait3A_1695 = tpu.memref_slice %arg13[%dma_wait3A_1690, %dma_wait3A_1694] : memref<8x128xi32, #tpu.memory_space<vmem>> -> memref<1x128xi32, #tpu.memory_space<vmem>>
    %dma_wait3A_1696 = tpu.memref_squeeze %dma_wait3A_1695 : memref<1x128xi32, #tpu.memory_space<vmem>> -> memref<128xi32, #tpu.memory_space<vmem>>
    %dma_wait3A_1697 = arith.constant 0 : i32
    %dma_wait3A_1698 = tpu.memref_slice %arg19[%dma_wait3A_1697] : memref<16384xf32, #tpu.memory_space<vmem_shared>> -> memref<16384xf32, #tpu.memory_space<vmem_shared>>
    tpu.wait_indirect_dma semaphore(%arg21 : memref<!tpu.dma_semaphore, #tpu.memory_space<semaphore_mem>>) src(%dma_wait3A_1693 : memref<128xf32, #tpu.memory_space<vmem>>) dst(%dma_wait3A_1698 : memref<16384xf32, #tpu.memory_space<vmem_shared>>)
    %dma_wait3A_1699 = arith.constant 7 : i32
    %dma_wait3A_1700 = arith.constant 7 : i32
    %dma_wait3A_1701 = arith.constant 0 : i32
    %dma_wait3A_1702 = tpu.memref_slice %arg10[%dma_wait3A_1699, %dma_wait3A_1701] : memref<8x128xi32, #tpu.memory_space<vmem>> -> memref<1x128xi32, #tpu.memory_space<vmem>>
    %dma_wait3A_1703 = tpu.memref_squeeze %dma_wait3A_1702 : memref<1x128xi32, #tpu.memory_space<vmem>> -> memref<128xi32, #tpu.memory_space<vmem>>
    %dma_wait3A_1704 = arith.constant 0 : i32
    %dma_wait3A_1705 = tpu.memref_slice %arg13[%dma_wait3A_1700, %dma_wait3A_1704] : memref<8x128xi32, #tpu.memory_space<vmem>> -> memref<1x128xi32, #tpu.memory_space<vmem>>
    %dma_wait3A_1706 = tpu.memref_squeeze %dma_wait3A_1705 : memref<1x128xi32, #tpu.memory_space<vmem>> -> memref<128xi32, #tpu.memory_space<vmem>>
    %dma_wait3A_1707 = arith.constant 0 : i32
    %dma_wait3A_1708 = tpu.memref_slice %arg17[%dma_wait3A_1707] : memref<16384xi32, #tpu.memory_space<vmem_shared>> -> memref<16384xi32, #tpu.memory_space<vmem_shared>>
    tpu.wait_indirect_dma semaphore(%arg21 : memref<!tpu.dma_semaphore, #tpu.memory_space<semaphore_mem>>) src(%dma_wait3A_1703 : memref<128xi32, #tpu.memory_space<vmem>>) dst(%dma_wait3A_1708 : memref<16384xi32, #tpu.memory_space<vmem_shared>>)
    %dma_wait3A_1709 = arith.constant 7 : i32
    %dma_wait3A_1710 = arith.constant 7 : i32
    %dma_wait3A_1711 = arith.constant 0 : i32
    %dma_wait3A_1712 = tpu.memref_slice %arg11[%dma_wait3A_1709, %dma_wait3A_1711] : memref<8x128xf32, #tpu.memory_space<vmem>> -> memref<1x128xf32, #tpu.memory_space<vmem>>
    %dma_wait3A_1713 = tpu.memref_squeeze %dma_wait3A_1712 : memref<1x128xf32, #tpu.memory_space<vmem>> -> memref<128xf32, #tpu.memory_space<vmem>>
    %dma_wait3A_1714 = arith.constant 0 : i32
    %dma_wait3A_1715 = tpu.memref_slice %arg13[%dma_wait3A_1710, %dma_wait3A_1714] : memref<8x128xi32, #tpu.memory_space<vmem>> -> memref<1x128xi32, #tpu.memory_space<vmem>>
    %dma_wait3A_1716 = tpu.memref_squeeze %dma_wait3A_1715 : memref<1x128xi32, #tpu.memory_space<vmem>> -> memref<128xi32, #tpu.memory_space<vmem>>
    %dma_wait3A_1717 = arith.constant 0 : i32
    %dma_wait3A_1718 = tpu.memref_slice %arg18[%dma_wait3A_1717] : memref<16384xf32, #tpu.memory_space<vmem_shared>> -> memref<16384xf32, #tpu.memory_space<vmem_shared>>
    tpu.wait_indirect_dma semaphore(%arg21 : memref<!tpu.dma_semaphore, #tpu.memory_space<semaphore_mem>>) src(%dma_wait3A_1713 : memref<128xf32, #tpu.memory_space<vmem>>) dst(%dma_wait3A_1718 : memref<16384xf32, #tpu.memory_space<vmem_shared>>)
    %dma_wait3A_1719 = arith.constant 7 : i32
    %dma_wait3A_1720 = arith.constant 7 : i32
    %dma_wait3A_1721 = arith.constant 0 : i32
    %dma_wait3A_1722 = tpu.memref_slice %arg12[%dma_wait3A_1719, %dma_wait3A_1721] : memref<8x128xf32, #tpu.memory_space<vmem>> -> memref<1x128xf32, #tpu.memory_space<vmem>>
    %dma_wait3A_1723 = tpu.memref_squeeze %dma_wait3A_1722 : memref<1x128xf32, #tpu.memory_space<vmem>> -> memref<128xf32, #tpu.memory_space<vmem>>
    %dma_wait3A_1724 = arith.constant 0 : i32
    %dma_wait3A_1725 = tpu.memref_slice %arg13[%dma_wait3A_1720, %dma_wait3A_1724] : memref<8x128xi32, #tpu.memory_space<vmem>> -> memref<1x128xi32, #tpu.memory_space<vmem>>
    %dma_wait3A_1726 = tpu.memref_squeeze %dma_wait3A_1725 : memref<1x128xi32, #tpu.memory_space<vmem>> -> memref<128xi32, #tpu.memory_space<vmem>>
    %dma_wait3A_1727 = arith.constant 0 : i32
    %dma_wait3A_1728 = tpu.memref_slice %arg19[%dma_wait3A_1727] : memref<16384xf32, #tpu.memory_space<vmem_shared>> -> memref<16384xf32, #tpu.memory_space<vmem_shared>>
    tpu.wait_indirect_dma semaphore(%arg21 : memref<!tpu.dma_semaphore, #tpu.memory_space<semaphore_mem>>) src(%dma_wait3A_1723 : memref<128xf32, #tpu.memory_space<vmem>>) dst(%dma_wait3A_1728 : memref<16384xf32, #tpu.memory_space<vmem_shared>>)
    %barrier3A_1729 = arith.constant 0 : index
    tpu.barrier barrier_id(%barrier3A_1729)
    %eq3A_1730 = arith.constant 0 : i32
    %eq3A_1731 = arith.cmpi eq, %arg1, %eq3A_1730 : i32
    %convert_element_type3A = arith.extui %eq3A_1731 : i1 to i32
    %cond3A = arith.constant 0 : i32
    %cond3A_1732 = arith.cmpi ne, %convert_element_type3A, %cond3A : i32
    scf.if %cond3A_1732 {
      %add3A_1788 = arith.constant 0 : i32
      %add3A_1789 = arith.addi %mul3A_0, %add3A_1788 : i32
      %mul3A_1790 = arith.constant 2048 : i32
      %mul3A_1791 = arith.muli %add3A_1789, %mul3A_1790 : i32
      "tpu.region"() ({
        %run_scoped3A = tpu.sem_alloc : memref<!tpu.dma_semaphore, #tpu.memory_space<semaphore_mem>>
        %dma_start3A_1792 = tpu.memref_slice %arg4[%mul3A_1791] : memref<16384xi32, #tpu.memory_space<hbm>> -> memref<2048xi32, #tpu.memory_space<hbm>>
        %dma_start3A_1793 = arith.constant 0 : i32
        %dma_start3A_1794 = tpu.memref_slice %arg17[%dma_start3A_1793] : memref<16384xi32, #tpu.memory_space<vmem_shared>> -> memref<2048xi32, #tpu.memory_space<vmem_shared>>
        tpu.enqueue_dma source(%dma_start3A_1794 : memref<2048xi32, #tpu.memory_space<vmem_shared>>) target(%dma_start3A_1792 : memref<2048xi32, #tpu.memory_space<hbm>>) target_semaphore(%run_scoped3A : memref<!tpu.dma_semaphore, #tpu.memory_space<semaphore_mem>>)
        %dma_wait3A_1795 = tpu.memref_slice %arg4[%mul3A_1791] : memref<16384xi32, #tpu.memory_space<hbm>> -> memref<2048xi32, #tpu.memory_space<hbm>>
        %dma_wait3A_1796 = arith.constant 0 : i32
        %dma_wait3A_1797 = tpu.memref_slice %arg17[%dma_wait3A_1796] : memref<16384xi32, #tpu.memory_space<vmem_shared>> -> memref<2048xi32, #tpu.memory_space<vmem_shared>>
        tpu.wait_dma2 semaphore(%run_scoped3A : memref<!tpu.dma_semaphore, #tpu.memory_space<semaphore_mem>>) src(%dma_wait3A_1797 : memref<2048xi32, #tpu.memory_space<vmem_shared>>) dst(%dma_wait3A_1795 : memref<2048xi32, #tpu.memory_space<hbm>>)
        tpu.yield
      }) : () -> ()
    } else {
    }
    %eq3A_1733 = arith.constant 1 : i32
    %eq3A_1734 = arith.cmpi eq, %arg1, %eq3A_1733 : i32
    %convert_element_type3A_1735 = arith.extui %eq3A_1734 : i1 to i32
    %cond3A_1736 = arith.constant 0 : i32
    %cond3A_1737 = arith.cmpi ne, %convert_element_type3A_1735, %cond3A_1736 : i32
    scf.if %cond3A_1737 {
      %add3A_1788 = arith.constant 0 : i32
      %add3A_1789 = arith.addi %mul3A_0, %add3A_1788 : i32
      %mul3A_1790 = arith.constant 2048 : i32
      %mul3A_1791 = arith.muli %add3A_1789, %mul3A_1790 : i32
      "tpu.region"() ({
        %run_scoped3A = tpu.sem_alloc : memref<!tpu.dma_semaphore, #tpu.memory_space<semaphore_mem>>
        %dma_start3A_1792 = tpu.memref_slice %arg5[%mul3A_1791] : memref<16384xf32, #tpu.memory_space<hbm>> -> memref<2048xf32, #tpu.memory_space<hbm>>
        %dma_start3A_1793 = arith.constant 0 : i32
        %dma_start3A_1794 = tpu.memref_slice %arg18[%dma_start3A_1793] : memref<16384xf32, #tpu.memory_space<vmem_shared>> -> memref<2048xf32, #tpu.memory_space<vmem_shared>>
        tpu.enqueue_dma source(%dma_start3A_1794 : memref<2048xf32, #tpu.memory_space<vmem_shared>>) target(%dma_start3A_1792 : memref<2048xf32, #tpu.memory_space<hbm>>) target_semaphore(%run_scoped3A : memref<!tpu.dma_semaphore, #tpu.memory_space<semaphore_mem>>)
        %dma_wait3A_1795 = tpu.memref_slice %arg5[%mul3A_1791] : memref<16384xf32, #tpu.memory_space<hbm>> -> memref<2048xf32, #tpu.memory_space<hbm>>
        %dma_wait3A_1796 = arith.constant 0 : i32
        %dma_wait3A_1797 = tpu.memref_slice %arg18[%dma_wait3A_1796] : memref<16384xf32, #tpu.memory_space<vmem_shared>> -> memref<2048xf32, #tpu.memory_space<vmem_shared>>
        tpu.wait_dma2 semaphore(%run_scoped3A : memref<!tpu.dma_semaphore, #tpu.memory_space<semaphore_mem>>) src(%dma_wait3A_1797 : memref<2048xf32, #tpu.memory_space<vmem_shared>>) dst(%dma_wait3A_1795 : memref<2048xf32, #tpu.memory_space<hbm>>)
        tpu.yield
      }) : () -> ()
    } else {
    }
    %eq3A_1738 = arith.constant 2 : i32
    %eq3A_1739 = arith.cmpi eq, %arg1, %eq3A_1738 : i32
    %convert_element_type3A_1740 = arith.extui %eq3A_1739 : i1 to i32
    %cond3A_1741 = arith.constant 0 : i32
    %cond3A_1742 = arith.cmpi ne, %convert_element_type3A_1740, %cond3A_1741 : i32
    scf.if %cond3A_1742 {
      %add3A_1788 = arith.constant 0 : i32
      %add3A_1789 = arith.addi %mul3A_0, %add3A_1788 : i32
      %mul3A_1790 = arith.constant 2048 : i32
      %mul3A_1791 = arith.muli %add3A_1789, %mul3A_1790 : i32
      "tpu.region"() ({
        %run_scoped3A = tpu.sem_alloc : memref<!tpu.dma_semaphore, #tpu.memory_space<semaphore_mem>>
        %dma_start3A_1792 = tpu.memref_slice %arg6[%mul3A_1791] : memref<16384xf32, #tpu.memory_space<hbm>> -> memref<2048xf32, #tpu.memory_space<hbm>>
        %dma_start3A_1793 = arith.constant 0 : i32
        %dma_start3A_1794 = tpu.memref_slice %arg19[%dma_start3A_1793] : memref<16384xf32, #tpu.memory_space<vmem_shared>> -> memref<2048xf32, #tpu.memory_space<vmem_shared>>
        tpu.enqueue_dma source(%dma_start3A_1794 : memref<2048xf32, #tpu.memory_space<vmem_shared>>) target(%dma_start3A_1792 : memref<2048xf32, #tpu.memory_space<hbm>>) target_semaphore(%run_scoped3A : memref<!tpu.dma_semaphore, #tpu.memory_space<semaphore_mem>>)
        %dma_wait3A_1795 = tpu.memref_slice %arg6[%mul3A_1791] : memref<16384xf32, #tpu.memory_space<hbm>> -> memref<2048xf32, #tpu.memory_space<hbm>>
        %dma_wait3A_1796 = arith.constant 0 : i32
        %dma_wait3A_1797 = tpu.memref_slice %arg19[%dma_wait3A_1796] : memref<16384xf32, #tpu.memory_space<vmem_shared>> -> memref<2048xf32, #tpu.memory_space<vmem_shared>>
        tpu.wait_dma2 semaphore(%run_scoped3A : memref<!tpu.dma_semaphore, #tpu.memory_space<semaphore_mem>>) src(%dma_wait3A_1797 : memref<2048xf32, #tpu.memory_space<vmem_shared>>) dst(%dma_wait3A_1795 : memref<2048xf32, #tpu.memory_space<hbm>>)
        tpu.yield
      }) : () -> ()
    } else {
    }
    %eq3A_1743 = arith.constant 3 : i32
    %eq3A_1744 = arith.cmpi eq, %arg1, %eq3A_1743 : i32
    %convert_element_type3A_1745 = arith.extui %eq3A_1744 : i1 to i32
    %cond3A_1746 = arith.constant 0 : i32
    %cond3A_1747 = arith.cmpi ne, %convert_element_type3A_1745, %cond3A_1746 : i32
    scf.if %cond3A_1747 {
      %add3A_1788 = arith.constant 1 : i32
      %add3A_1789 = arith.addi %mul3A_0, %add3A_1788 : i32
      %mul3A_1790 = arith.constant 2048 : i32
      %mul3A_1791 = arith.muli %add3A_1789, %mul3A_1790 : i32
      "tpu.region"() ({
        %run_scoped3A = tpu.sem_alloc : memref<!tpu.dma_semaphore, #tpu.memory_space<semaphore_mem>>
        %dma_start3A_1792 = tpu.memref_slice %arg4[%mul3A_1791] : memref<16384xi32, #tpu.memory_space<hbm>> -> memref<2048xi32, #tpu.memory_space<hbm>>
        %dma_start3A_1793 = arith.constant 4096 : i32
        %dma_start3A_1794 = tpu.memref_slice %arg17[%dma_start3A_1793] : memref<16384xi32, #tpu.memory_space<vmem_shared>> -> memref<2048xi32, #tpu.memory_space<vmem_shared>>
        tpu.enqueue_dma source(%dma_start3A_1794 : memref<2048xi32, #tpu.memory_space<vmem_shared>>) target(%dma_start3A_1792 : memref<2048xi32, #tpu.memory_space<hbm>>) target_semaphore(%run_scoped3A : memref<!tpu.dma_semaphore, #tpu.memory_space<semaphore_mem>>)
        %dma_wait3A_1795 = tpu.memref_slice %arg4[%mul3A_1791] : memref<16384xi32, #tpu.memory_space<hbm>> -> memref<2048xi32, #tpu.memory_space<hbm>>
        %dma_wait3A_1796 = arith.constant 4096 : i32
        %dma_wait3A_1797 = tpu.memref_slice %arg17[%dma_wait3A_1796] : memref<16384xi32, #tpu.memory_space<vmem_shared>> -> memref<2048xi32, #tpu.memory_space<vmem_shared>>
        tpu.wait_dma2 semaphore(%run_scoped3A : memref<!tpu.dma_semaphore, #tpu.memory_space<semaphore_mem>>) src(%dma_wait3A_1797 : memref<2048xi32, #tpu.memory_space<vmem_shared>>) dst(%dma_wait3A_1795 : memref<2048xi32, #tpu.memory_space<hbm>>)
        tpu.yield
      }) : () -> ()
    } else {
    }
    %eq3A_1748 = arith.constant 4 : i32
    %eq3A_1749 = arith.cmpi eq, %arg1, %eq3A_1748 : i32
    %convert_element_type3A_1750 = arith.extui %eq3A_1749 : i1 to i32
    %cond3A_1751 = arith.constant 0 : i32
    %cond3A_1752 = arith.cmpi ne, %convert_element_type3A_1750, %cond3A_1751 : i32
    scf.if %cond3A_1752 {
      %add3A_1788 = arith.constant 1 : i32
      %add3A_1789 = arith.addi %mul3A_0, %add3A_1788 : i32
      %mul3A_1790 = arith.constant 2048 : i32
      %mul3A_1791 = arith.muli %add3A_1789, %mul3A_1790 : i32
      "tpu.region"() ({
        %run_scoped3A = tpu.sem_alloc : memref<!tpu.dma_semaphore, #tpu.memory_space<semaphore_mem>>
        %dma_start3A_1792 = tpu.memref_slice %arg5[%mul3A_1791] : memref<16384xf32, #tpu.memory_space<hbm>> -> memref<2048xf32, #tpu.memory_space<hbm>>
        %dma_start3A_1793 = arith.constant 4096 : i32
        %dma_start3A_1794 = tpu.memref_slice %arg18[%dma_start3A_1793] : memref<16384xf32, #tpu.memory_space<vmem_shared>> -> memref<2048xf32, #tpu.memory_space<vmem_shared>>
        tpu.enqueue_dma source(%dma_start3A_1794 : memref<2048xf32, #tpu.memory_space<vmem_shared>>) target(%dma_start3A_1792 : memref<2048xf32, #tpu.memory_space<hbm>>) target_semaphore(%run_scoped3A : memref<!tpu.dma_semaphore, #tpu.memory_space<semaphore_mem>>)
        %dma_wait3A_1795 = tpu.memref_slice %arg5[%mul3A_1791] : memref<16384xf32, #tpu.memory_space<hbm>> -> memref<2048xf32, #tpu.memory_space<hbm>>
        %dma_wait3A_1796 = arith.constant 4096 : i32
        %dma_wait3A_1797 = tpu.memref_slice %arg18[%dma_wait3A_1796] : memref<16384xf32, #tpu.memory_space<vmem_shared>> -> memref<2048xf32, #tpu.memory_space<vmem_shared>>
        tpu.wait_dma2 semaphore(%run_scoped3A : memref<!tpu.dma_semaphore, #tpu.memory_space<semaphore_mem>>) src(%dma_wait3A_1797 : memref<2048xf32, #tpu.memory_space<vmem_shared>>) dst(%dma_wait3A_1795 : memref<2048xf32, #tpu.memory_space<hbm>>)
        tpu.yield
      }) : () -> ()
    } else {
    }
    %eq3A_1753 = arith.constant 5 : i32
    %eq3A_1754 = arith.cmpi eq, %arg1, %eq3A_1753 : i32
    %convert_element_type3A_1755 = arith.extui %eq3A_1754 : i1 to i32
    %cond3A_1756 = arith.constant 0 : i32
    %cond3A_1757 = arith.cmpi ne, %convert_element_type3A_1755, %cond3A_1756 : i32
    scf.if %cond3A_1757 {
      %add3A_1788 = arith.constant 1 : i32
      %add3A_1789 = arith.addi %mul3A_0, %add3A_1788 : i32
      %mul3A_1790 = arith.constant 2048 : i32
      %mul3A_1791 = arith.muli %add3A_1789, %mul3A_1790 : i32
      "tpu.region"() ({
        %run_scoped3A = tpu.sem_alloc : memref<!tpu.dma_semaphore, #tpu.memory_space<semaphore_mem>>
        %dma_start3A_1792 = tpu.memref_slice %arg6[%mul3A_1791] : memref<16384xf32, #tpu.memory_space<hbm>> -> memref<2048xf32, #tpu.memory_space<hbm>>
        %dma_start3A_1793 = arith.constant 4096 : i32
        %dma_start3A_1794 = tpu.memref_slice %arg19[%dma_start3A_1793] : memref<16384xf32, #tpu.memory_space<vmem_shared>> -> memref<2048xf32, #tpu.memory_space<vmem_shared>>
        tpu.enqueue_dma source(%dma_start3A_1794 : memref<2048xf32, #tpu.memory_space<vmem_shared>>) target(%dma_start3A_1792 : memref<2048xf32, #tpu.memory_space<hbm>>) target_semaphore(%run_scoped3A : memref<!tpu.dma_semaphore, #tpu.memory_space<semaphore_mem>>)
        %dma_wait3A_1795 = tpu.memref_slice %arg6[%mul3A_1791] : memref<16384xf32, #tpu.memory_space<hbm>> -> memref<2048xf32, #tpu.memory_space<hbm>>
        %dma_wait3A_1796 = arith.constant 4096 : i32
        %dma_wait3A_1797 = tpu.memref_slice %arg19[%dma_wait3A_1796] : memref<16384xf32, #tpu.memory_space<vmem_shared>> -> memref<2048xf32, #tpu.memory_space<vmem_shared>>
        tpu.wait_dma2 semaphore(%run_scoped3A : memref<!tpu.dma_semaphore, #tpu.memory_space<semaphore_mem>>) src(%dma_wait3A_1797 : memref<2048xf32, #tpu.memory_space<vmem_shared>>) dst(%dma_wait3A_1795 : memref<2048xf32, #tpu.memory_space<hbm>>)
        tpu.yield
      }) : () -> ()
    } else {
    }
    %eq3A_1758 = arith.constant 6 : i32
    %eq3A_1759 = arith.cmpi eq, %arg1, %eq3A_1758 : i32
    %convert_element_type3A_1760 = arith.extui %eq3A_1759 : i1 to i32
    %cond3A_1761 = arith.constant 0 : i32
    %cond3A_1762 = arith.cmpi ne, %convert_element_type3A_1760, %cond3A_1761 : i32
    scf.if %cond3A_1762 {
      %add3A_1788 = arith.constant 2 : i32
      %add3A_1789 = arith.addi %mul3A_0, %add3A_1788 : i32
      %mul3A_1790 = arith.constant 2048 : i32
      %mul3A_1791 = arith.muli %add3A_1789, %mul3A_1790 : i32
      "tpu.region"() ({
        %run_scoped3A = tpu.sem_alloc : memref<!tpu.dma_semaphore, #tpu.memory_space<semaphore_mem>>
        %dma_start3A_1792 = tpu.memref_slice %arg4[%mul3A_1791] : memref<16384xi32, #tpu.memory_space<hbm>> -> memref<2048xi32, #tpu.memory_space<hbm>>
        %dma_start3A_1793 = arith.constant 8192 : i32
        %dma_start3A_1794 = tpu.memref_slice %arg17[%dma_start3A_1793] : memref<16384xi32, #tpu.memory_space<vmem_shared>> -> memref<2048xi32, #tpu.memory_space<vmem_shared>>
        tpu.enqueue_dma source(%dma_start3A_1794 : memref<2048xi32, #tpu.memory_space<vmem_shared>>) target(%dma_start3A_1792 : memref<2048xi32, #tpu.memory_space<hbm>>) target_semaphore(%run_scoped3A : memref<!tpu.dma_semaphore, #tpu.memory_space<semaphore_mem>>)
        %dma_wait3A_1795 = tpu.memref_slice %arg4[%mul3A_1791] : memref<16384xi32, #tpu.memory_space<hbm>> -> memref<2048xi32, #tpu.memory_space<hbm>>
        %dma_wait3A_1796 = arith.constant 8192 : i32
        %dma_wait3A_1797 = tpu.memref_slice %arg17[%dma_wait3A_1796] : memref<16384xi32, #tpu.memory_space<vmem_shared>> -> memref<2048xi32, #tpu.memory_space<vmem_shared>>
        tpu.wait_dma2 semaphore(%run_scoped3A : memref<!tpu.dma_semaphore, #tpu.memory_space<semaphore_mem>>) src(%dma_wait3A_1797 : memref<2048xi32, #tpu.memory_space<vmem_shared>>) dst(%dma_wait3A_1795 : memref<2048xi32, #tpu.memory_space<hbm>>)
        tpu.yield
      }) : () -> ()
    } else {
    }
    %eq3A_1763 = arith.constant 7 : i32
    %eq3A_1764 = arith.cmpi eq, %arg1, %eq3A_1763 : i32
    %convert_element_type3A_1765 = arith.extui %eq3A_1764 : i1 to i32
    %cond3A_1766 = arith.constant 0 : i32
    %cond3A_1767 = arith.cmpi ne, %convert_element_type3A_1765, %cond3A_1766 : i32
    scf.if %cond3A_1767 {
      %add3A_1788 = arith.constant 2 : i32
      %add3A_1789 = arith.addi %mul3A_0, %add3A_1788 : i32
      %mul3A_1790 = arith.constant 2048 : i32
      %mul3A_1791 = arith.muli %add3A_1789, %mul3A_1790 : i32
      "tpu.region"() ({
        %run_scoped3A = tpu.sem_alloc : memref<!tpu.dma_semaphore, #tpu.memory_space<semaphore_mem>>
        %dma_start3A_1792 = tpu.memref_slice %arg5[%mul3A_1791] : memref<16384xf32, #tpu.memory_space<hbm>> -> memref<2048xf32, #tpu.memory_space<hbm>>
        %dma_start3A_1793 = arith.constant 8192 : i32
        %dma_start3A_1794 = tpu.memref_slice %arg18[%dma_start3A_1793] : memref<16384xf32, #tpu.memory_space<vmem_shared>> -> memref<2048xf32, #tpu.memory_space<vmem_shared>>
        tpu.enqueue_dma source(%dma_start3A_1794 : memref<2048xf32, #tpu.memory_space<vmem_shared>>) target(%dma_start3A_1792 : memref<2048xf32, #tpu.memory_space<hbm>>) target_semaphore(%run_scoped3A : memref<!tpu.dma_semaphore, #tpu.memory_space<semaphore_mem>>)
        %dma_wait3A_1795 = tpu.memref_slice %arg5[%mul3A_1791] : memref<16384xf32, #tpu.memory_space<hbm>> -> memref<2048xf32, #tpu.memory_space<hbm>>
        %dma_wait3A_1796 = arith.constant 8192 : i32
        %dma_wait3A_1797 = tpu.memref_slice %arg18[%dma_wait3A_1796] : memref<16384xf32, #tpu.memory_space<vmem_shared>> -> memref<2048xf32, #tpu.memory_space<vmem_shared>>
        tpu.wait_dma2 semaphore(%run_scoped3A : memref<!tpu.dma_semaphore, #tpu.memory_space<semaphore_mem>>) src(%dma_wait3A_1797 : memref<2048xf32, #tpu.memory_space<vmem_shared>>) dst(%dma_wait3A_1795 : memref<2048xf32, #tpu.memory_space<hbm>>)
        tpu.yield
      }) : () -> ()
    } else {
    }
    %eq3A_1768 = arith.constant 8 : i32
    %eq3A_1769 = arith.cmpi eq, %arg1, %eq3A_1768 : i32
    %convert_element_type3A_1770 = arith.extui %eq3A_1769 : i1 to i32
    %cond3A_1771 = arith.constant 0 : i32
    %cond3A_1772 = arith.cmpi ne, %convert_element_type3A_1770, %cond3A_1771 : i32
    scf.if %cond3A_1772 {
      %add3A_1788 = arith.constant 2 : i32
      %add3A_1789 = arith.addi %mul3A_0, %add3A_1788 : i32
      %mul3A_1790 = arith.constant 2048 : i32
      %mul3A_1791 = arith.muli %add3A_1789, %mul3A_1790 : i32
      "tpu.region"() ({
        %run_scoped3A = tpu.sem_alloc : memref<!tpu.dma_semaphore, #tpu.memory_space<semaphore_mem>>
        %dma_start3A_1792 = tpu.memref_slice %arg6[%mul3A_1791] : memref<16384xf32, #tpu.memory_space<hbm>> -> memref<2048xf32, #tpu.memory_space<hbm>>
        %dma_start3A_1793 = arith.constant 8192 : i32
        %dma_start3A_1794 = tpu.memref_slice %arg19[%dma_start3A_1793] : memref<16384xf32, #tpu.memory_space<vmem_shared>> -> memref<2048xf32, #tpu.memory_space<vmem_shared>>
        tpu.enqueue_dma source(%dma_start3A_1794 : memref<2048xf32, #tpu.memory_space<vmem_shared>>) target(%dma_start3A_1792 : memref<2048xf32, #tpu.memory_space<hbm>>) target_semaphore(%run_scoped3A : memref<!tpu.dma_semaphore, #tpu.memory_space<semaphore_mem>>)
        %dma_wait3A_1795 = tpu.memref_slice %arg6[%mul3A_1791] : memref<16384xf32, #tpu.memory_space<hbm>> -> memref<2048xf32, #tpu.memory_space<hbm>>
        %dma_wait3A_1796 = arith.constant 8192 : i32
        %dma_wait3A_1797 = tpu.memref_slice %arg19[%dma_wait3A_1796] : memref<16384xf32, #tpu.memory_space<vmem_shared>> -> memref<2048xf32, #tpu.memory_space<vmem_shared>>
        tpu.wait_dma2 semaphore(%run_scoped3A : memref<!tpu.dma_semaphore, #tpu.memory_space<semaphore_mem>>) src(%dma_wait3A_1797 : memref<2048xf32, #tpu.memory_space<vmem_shared>>) dst(%dma_wait3A_1795 : memref<2048xf32, #tpu.memory_space<hbm>>)
        tpu.yield
      }) : () -> ()
    } else {
    }
    %eq3A_1773 = arith.constant 9 : i32
    %eq3A_1774 = arith.cmpi eq, %arg1, %eq3A_1773 : i32
    %convert_element_type3A_1775 = arith.extui %eq3A_1774 : i1 to i32
    %cond3A_1776 = arith.constant 0 : i32
    %cond3A_1777 = arith.cmpi ne, %convert_element_type3A_1775, %cond3A_1776 : i32
    scf.if %cond3A_1777 {
      %add3A_1788 = arith.constant 3 : i32
      %add3A_1789 = arith.addi %mul3A_0, %add3A_1788 : i32
      %mul3A_1790 = arith.constant 2048 : i32
      %mul3A_1791 = arith.muli %add3A_1789, %mul3A_1790 : i32
      "tpu.region"() ({
        %run_scoped3A = tpu.sem_alloc : memref<!tpu.dma_semaphore, #tpu.memory_space<semaphore_mem>>
        %dma_start3A_1792 = tpu.memref_slice %arg4[%mul3A_1791] : memref<16384xi32, #tpu.memory_space<hbm>> -> memref<2048xi32, #tpu.memory_space<hbm>>
        %dma_start3A_1793 = arith.constant 12288 : i32
        %dma_start3A_1794 = tpu.memref_slice %arg17[%dma_start3A_1793] : memref<16384xi32, #tpu.memory_space<vmem_shared>> -> memref<2048xi32, #tpu.memory_space<vmem_shared>>
        tpu.enqueue_dma source(%dma_start3A_1794 : memref<2048xi32, #tpu.memory_space<vmem_shared>>) target(%dma_start3A_1792 : memref<2048xi32, #tpu.memory_space<hbm>>) target_semaphore(%run_scoped3A : memref<!tpu.dma_semaphore, #tpu.memory_space<semaphore_mem>>)
        %dma_wait3A_1795 = tpu.memref_slice %arg4[%mul3A_1791] : memref<16384xi32, #tpu.memory_space<hbm>> -> memref<2048xi32, #tpu.memory_space<hbm>>
        %dma_wait3A_1796 = arith.constant 12288 : i32
        %dma_wait3A_1797 = tpu.memref_slice %arg17[%dma_wait3A_1796] : memref<16384xi32, #tpu.memory_space<vmem_shared>> -> memref<2048xi32, #tpu.memory_space<vmem_shared>>
        tpu.wait_dma2 semaphore(%run_scoped3A : memref<!tpu.dma_semaphore, #tpu.memory_space<semaphore_mem>>) src(%dma_wait3A_1797 : memref<2048xi32, #tpu.memory_space<vmem_shared>>) dst(%dma_wait3A_1795 : memref<2048xi32, #tpu.memory_space<hbm>>)
        tpu.yield
      }) : () -> ()
    } else {
    }
    %eq3A_1778 = arith.constant 10 : i32
    %eq3A_1779 = arith.cmpi eq, %arg1, %eq3A_1778 : i32
    %convert_element_type3A_1780 = arith.extui %eq3A_1779 : i1 to i32
    %cond3A_1781 = arith.constant 0 : i32
    %cond3A_1782 = arith.cmpi ne, %convert_element_type3A_1780, %cond3A_1781 : i32
    scf.if %cond3A_1782 {
      %add3A_1788 = arith.constant 3 : i32
      %add3A_1789 = arith.addi %mul3A_0, %add3A_1788 : i32
      %mul3A_1790 = arith.constant 2048 : i32
      %mul3A_1791 = arith.muli %add3A_1789, %mul3A_1790 : i32
      "tpu.region"() ({
        %run_scoped3A = tpu.sem_alloc : memref<!tpu.dma_semaphore, #tpu.memory_space<semaphore_mem>>
        %dma_start3A_1792 = tpu.memref_slice %arg5[%mul3A_1791] : memref<16384xf32, #tpu.memory_space<hbm>> -> memref<2048xf32, #tpu.memory_space<hbm>>
        %dma_start3A_1793 = arith.constant 12288 : i32
        %dma_start3A_1794 = tpu.memref_slice %arg18[%dma_start3A_1793] : memref<16384xf32, #tpu.memory_space<vmem_shared>> -> memref<2048xf32, #tpu.memory_space<vmem_shared>>
        tpu.enqueue_dma source(%dma_start3A_1794 : memref<2048xf32, #tpu.memory_space<vmem_shared>>) target(%dma_start3A_1792 : memref<2048xf32, #tpu.memory_space<hbm>>) target_semaphore(%run_scoped3A : memref<!tpu.dma_semaphore, #tpu.memory_space<semaphore_mem>>)
        %dma_wait3A_1795 = tpu.memref_slice %arg5[%mul3A_1791] : memref<16384xf32, #tpu.memory_space<hbm>> -> memref<2048xf32, #tpu.memory_space<hbm>>
        %dma_wait3A_1796 = arith.constant 12288 : i32
        %dma_wait3A_1797 = tpu.memref_slice %arg18[%dma_wait3A_1796] : memref<16384xf32, #tpu.memory_space<vmem_shared>> -> memref<2048xf32, #tpu.memory_space<vmem_shared>>
        tpu.wait_dma2 semaphore(%run_scoped3A : memref<!tpu.dma_semaphore, #tpu.memory_space<semaphore_mem>>) src(%dma_wait3A_1797 : memref<2048xf32, #tpu.memory_space<vmem_shared>>) dst(%dma_wait3A_1795 : memref<2048xf32, #tpu.memory_space<hbm>>)
        tpu.yield
      }) : () -> ()
    } else {
    }
    %eq3A_1783 = arith.constant 11 : i32
    %eq3A_1784 = arith.cmpi eq, %arg1, %eq3A_1783 : i32
    %convert_element_type3A_1785 = arith.extui %eq3A_1784 : i1 to i32
    %cond3A_1786 = arith.constant 0 : i32
    %cond3A_1787 = arith.cmpi ne, %convert_element_type3A_1785, %cond3A_1786 : i32
    scf.if %cond3A_1787 {
      %add3A_1788 = arith.constant 3 : i32
      %add3A_1789 = arith.addi %mul3A_0, %add3A_1788 : i32
      %mul3A_1790 = arith.constant 2048 : i32
      %mul3A_1791 = arith.muli %add3A_1789, %mul3A_1790 : i32
      "tpu.region"() ({
        %run_scoped3A = tpu.sem_alloc : memref<!tpu.dma_semaphore, #tpu.memory_space<semaphore_mem>>
        %dma_start3A_1792 = tpu.memref_slice %arg6[%mul3A_1791] : memref<16384xf32, #tpu.memory_space<hbm>> -> memref<2048xf32, #tpu.memory_space<hbm>>
        %dma_start3A_1793 = arith.constant 12288 : i32
        %dma_start3A_1794 = tpu.memref_slice %arg19[%dma_start3A_1793] : memref<16384xf32, #tpu.memory_space<vmem_shared>> -> memref<2048xf32, #tpu.memory_space<vmem_shared>>
        tpu.enqueue_dma source(%dma_start3A_1794 : memref<2048xf32, #tpu.memory_space<vmem_shared>>) target(%dma_start3A_1792 : memref<2048xf32, #tpu.memory_space<hbm>>) target_semaphore(%run_scoped3A : memref<!tpu.dma_semaphore, #tpu.memory_space<semaphore_mem>>)
        %dma_wait3A_1795 = tpu.memref_slice %arg6[%mul3A_1791] : memref<16384xf32, #tpu.memory_space<hbm>> -> memref<2048xf32, #tpu.memory_space<hbm>>
        %dma_wait3A_1796 = arith.constant 12288 : i32
        %dma_wait3A_1797 = tpu.memref_slice %arg19[%dma_wait3A_1796] : memref<16384xf32, #tpu.memory_space<vmem_shared>> -> memref<2048xf32, #tpu.memory_space<vmem_shared>>
        tpu.wait_dma2 semaphore(%run_scoped3A : memref<!tpu.dma_semaphore, #tpu.memory_space<semaphore_mem>>) src(%dma_wait3A_1797 : memref<2048xf32, #tpu.memory_space<vmem_shared>>) dst(%dma_wait3A_1795 : memref<2048xf32, #tpu.memory_space<hbm>>)
        tpu.yield
      }) : () -> ()
    } else {
    }
    return
  }
}

module attributes {stable_mosaic.version = 14 : i64} {
  func.func @_tc_body(%arg0: i32, %arg1: memref<1x1x2048xi32, #tpu.memory_space<vmem>>, %arg2: memref<1x1x2048xf32, #tpu.memory_space<vmem>>, %arg3: memref<1x1x2048xf32, #tpu.memory_space<vmem>>, %arg4: memref<1x256x1xf32, #tpu.memory_space<vmem>>, %arg5: memref<1x256x1xf32, #tpu.memory_space<vmem>>, %arg6: memref<1x256x1xf32, #tpu.memory_space<vmem>>, %arg7: memref<1x1x128xf32, #tpu.memory_space<vmem>>) attributes {dimension_semantics = [#tpu.dimension_semantics<arbitrary>], iteration_bounds = array<i64: 8>, scalar_prefetch = 0 : i64, scratch_operands = 0 : i64, tpu.core_type = #tpu.core_type<tc>, window_params = [{transform_indices = @transform_0, window_bounds = array<i64: 1, 1, 2048>}, {transform_indices = @transform_1, window_bounds = array<i64: 1, 1, 2048>}, {transform_indices = @transform_2, window_bounds = array<i64: 1, 1, 2048>}, {transform_indices = @transform_3, window_bounds = array<i64: 1, 256, 1>}, {transform_indices = @transform_4, window_bounds = array<i64: 1, 256, 1>}, {transform_indices = @transform_5, window_bounds = array<i64: 1, 256, 1>}, {transform_indices = @transform_6, window_bounds = array<i64: 1, 1, 128>}]} {
    %get3A = arith.constant 0 : index
    %get3A_0 = arith.constant 0 : index
    %get3A_1 = arith.constant 0 : index
    %get3A_2 = vector.load %arg1[%get3A, %get3A_0, %get3A_1] : memref<1x1x2048xi32, #tpu.memory_space<vmem>>, vector<1x1x2048xi32>
    %get3A_3 = vector.shape_cast %get3A_2 : vector<1x1x2048xi32> to vector<1x2048xi32>
    %shift_right_arithmetic3A = arith.constant 8 : i32
    %shift_right_arithmetic3A_4 = vector.broadcast %shift_right_arithmetic3A : i32 to vector<1x2048xi32>
    %shift_right_arithmetic3A_5 = arith.shrsi %get3A_3, %shift_right_arithmetic3A_4 : vector<1x2048xi32>
    %and3A = arith.constant 255 : i32
    %and3A_6 = vector.broadcast %and3A : i32 to vector<1x2048xi32>
    %and3A_7 = arith.andi %get3A_3, %and3A_6 : vector<1x2048xi32>
    %convert_element_type3A = arith.sitofp %shift_right_arithmetic3A_5 : vector<1x2048xi32> to vector<1x2048xf32>
    %convert_element_type3A_8 = arith.sitofp %and3A_7 : vector<1x2048xi32> to vector<1x2048xf32>
    %get3A_9 = arith.constant 0 : index
    %get3A_10 = arith.constant 0 : index
    %get3A_11 = arith.constant 0 : index
    %get3A_12 = vector.load %arg2[%get3A_9, %get3A_10, %get3A_11] : memref<1x1x2048xf32, #tpu.memory_space<vmem>>, vector<1x1x2048xf32>
    %get3A_13 = vector.shape_cast %get3A_12 : vector<1x1x2048xf32> to vector<1x2048xf32>
    %get3A_14 = arith.constant 0 : index
    %get3A_15 = arith.constant 0 : index
    %get3A_16 = arith.constant 0 : index
    %get3A_17 = vector.load %arg3[%get3A_14, %get3A_15, %get3A_16] : memref<1x1x2048xf32, #tpu.memory_space<vmem>>, vector<1x1x2048xf32>
    %get3A_18 = vector.shape_cast %get3A_17 : vector<1x1x2048xf32> to vector<1x2048xf32>
    %get3A_19 = arith.constant 0 : index
    %get3A_20 = arith.constant 0 : index
    %get3A_21 = arith.constant 0 : index
    %get3A_22 = vector.load %arg4[%get3A_19, %get3A_20, %get3A_21] : memref<1x256x1xf32, #tpu.memory_space<vmem>>, vector<1x256x1xf32>
    %get3A_23 = vector.shape_cast %get3A_22 : vector<1x256x1xf32> to vector<256x1xf32>
    %get3A_24 = arith.constant 0 : index
    %get3A_25 = arith.constant 0 : index
    %get3A_26 = arith.constant 0 : index
    %get3A_27 = vector.load %arg5[%get3A_24, %get3A_25, %get3A_26] : memref<1x256x1xf32, #tpu.memory_space<vmem>>, vector<1x256x1xf32>
    %get3A_28 = vector.shape_cast %get3A_27 : vector<1x256x1xf32> to vector<256x1xf32>
    %get3A_29 = arith.constant 0 : index
    %get3A_30 = arith.constant 0 : index
    %get3A_31 = arith.constant 0 : index
    %get3A_32 = vector.load %arg6[%get3A_29, %get3A_30, %get3A_31] : memref<1x256x1xf32, #tpu.memory_space<vmem>>, vector<1x256x1xf32>
    %get3A_33 = vector.shape_cast %get3A_32 : vector<1x256x1xf32> to vector<256x1xf32>
    %gt3A = arith.constant 0.000000e+00 : f32
    %gt3A_34 = vector.broadcast %gt3A : f32 to vector<256x1xf32>
    %gt3A_35 = arith.cmpf ogt, %get3A_33, %gt3A_34 : vector<256x1xf32>
    %sub3A = vector.broadcast %get3A_23 : vector<256x1xf32> to vector<256x2048xf32>
    %sub3A_36 = vector.broadcast %convert_element_type3A : vector<1x2048xf32> to vector<256x2048xf32>
    %sub3A_37 = arith.subf %sub3A, %sub3A_36 : vector<256x2048xf32>
    %mul3A = vector.broadcast %get3A_13 : vector<1x2048xf32> to vector<256x2048xf32>
    %mul3A_38 = arith.mulf %sub3A_37, %mul3A : vector<256x2048xf32>
    %sub3A_39 = vector.broadcast %get3A_28 : vector<256x1xf32> to vector<256x2048xf32>
    %sub3A_40 = vector.broadcast %convert_element_type3A_8 : vector<1x2048xf32> to vector<256x2048xf32>
    %sub3A_41 = arith.subf %sub3A_39, %sub3A_40 : vector<256x2048xf32>
    %mul3A_42 = vector.broadcast %get3A_18 : vector<1x2048xf32> to vector<256x2048xf32>
    %mul3A_43 = arith.mulf %sub3A_41, %mul3A_42 : vector<256x2048xf32>
    %add3A = arith.addf %mul3A_38, %mul3A_43 : vector<256x2048xf32>
    %gt3A_44 = arith.constant 0.000000e+00 : f32
    %gt3A_45 = vector.broadcast %gt3A_44 : f32 to vector<256x2048xf32>
    %gt3A_46 = arith.cmpf ogt, %add3A, %gt3A_45 : vector<256x2048xf32>
    %convert_element_type3A_47 = arith.extui %gt3A_46 : vector<256x2048xi1> to vector<256x2048xi32>
    %convert_element_type3A_48 = arith.sitofp %convert_element_type3A_47 : vector<256x2048xi32> to vector<256x2048xf32>
    %reduce_sum3A = arith.constant dense<0.000000e+00> : vector<256xf32>
    %reduce_sum3A_49 = vector.multi_reduction <add>, %convert_element_type3A_48, %reduce_sum3A [1] : vector<256x2048xf32> to vector<256xf32>
    %broadcast_in_dim3A = vector.shape_cast %reduce_sum3A_49 : vector<256xf32> to vector<256x1xf32>
    %convert_element_type3A_50 = arith.fptosi %get3A_23 : vector<256x1xf32> to vector<256x1xi32>
    %eq3A = vector.broadcast %convert_element_type3A_50 : vector<256x1xi32> to vector<256x2048xi32>
    %eq3A_51 = vector.broadcast %shift_right_arithmetic3A_5 : vector<1x2048xi32> to vector<256x2048xi32>
    %eq3A_52 = arith.cmpi eq, %eq3A, %eq3A_51 : vector<256x2048xi32>
    %convert_element_type3A_53 = arith.fptosi %get3A_28 : vector<256x1xf32> to vector<256x1xi32>
    %eq3A_54 = vector.broadcast %convert_element_type3A_53 : vector<256x1xi32> to vector<256x2048xi32>
    %eq3A_55 = vector.broadcast %and3A_7 : vector<1x2048xi32> to vector<256x2048xi32>
    %eq3A_56 = arith.cmpi eq, %eq3A_54, %eq3A_55 : vector<256x2048xi32>
    %and3A_57 = arith.andi %eq3A_52, %eq3A_56 : vector<256x2048xi1>
    %convert_element_type3A_58 = arith.extui %and3A_57 : vector<256x2048xi1> to vector<256x2048xi32>
    %reduce_sum3A_59 = arith.constant dense<0> : vector<256xi32>
    %reduce_sum3A_60 = vector.multi_reduction <add>, %convert_element_type3A_58, %reduce_sum3A_59 [1] : vector<256x2048xi32> to vector<256xi32>
    %broadcast_in_dim3A_61 = vector.shape_cast %reduce_sum3A_60 : vector<256xi32> to vector<256x1xi32>
    %eq3A_62 = arith.constant 1 : i32
    %eq3A_63 = vector.broadcast %eq3A_62 : i32 to vector<256x1xi32>
    %eq3A_64 = arith.cmpi eq, %broadcast_in_dim3A_61, %eq3A_63 : vector<256x1xi32>
    %jit3A = arith.constant 3.000000e+00 : f32
    %jit3A_65 = arith.constant 1.000000e+00 : f32
    %broadcast_in_dim3A_66 = vector.broadcast %jit3A : f32 to vector<256x1xf32>
    %broadcast_in_dim3A_67 = vector.broadcast %jit3A_65 : f32 to vector<256x1xf32>
    %select_n3A = arith.select %eq3A_64, %broadcast_in_dim3A_66, %broadcast_in_dim3A_67 : vector<256x1xi1>, vector<256x1xf32>
    %mul3A_68 = arith.mulf %select_n3A, %broadcast_in_dim3A : vector<256x1xf32>
    %jit3A_69 = arith.constant 0.000000e+00 : f32
    %broadcast_in_dim3A_70 = vector.broadcast %jit3A_69 : f32 to vector<256x1xf32>
    %select_n3A_71 = arith.select %gt3A_35, %broadcast_in_dim3A_70, %mul3A_68 : vector<256x1xi1>, vector<256x1xf32>
    %reduce_sum3A_72 = vector.shape_cast %select_n3A_71 : vector<256x1xf32> to vector<1x256x1xf32>
    %reduce_sum3A_73 = arith.constant dense<0.000000e+00> : vector<1xf32>
    %reduce_sum3A_74 = vector.multi_reduction <add>, %reduce_sum3A_72, %reduce_sum3A_73 [1, 2] : vector<1x256x1xf32> to vector<1xf32>
    %reduce_sum3A_75 = vector.shape_cast %reduce_sum3A_74 : vector<1xf32> to vector<1x1x1xf32>
    %reduce_sum3A_76 = vector.extract %reduce_sum3A_75[0, 0, 0] : f32 from vector<1x1x1xf32>
    %max3A = arith.constant 1.000000e+00 : f32
    %max3A_77 = arith.maximumf %reduce_sum3A_76, %max3A : f32
    %div3A = vector.broadcast %max3A_77 : f32 to vector<256x1xf32>
    %div3A_78 = arith.divf %select_n3A_71, %div3A : vector<256x1xf32>
    %mul3A_79 = arith.mulf %get3A_23, %div3A_78 : vector<256x1xf32>
    %reduce_sum3A_80 = vector.shape_cast %mul3A_79 : vector<256x1xf32> to vector<1x256x1xf32>
    %reduce_sum3A_81 = arith.constant dense<0.000000e+00> : vector<1xf32>
    %reduce_sum3A_82 = vector.multi_reduction <add>, %reduce_sum3A_80, %reduce_sum3A_81 [1, 2] : vector<1x256x1xf32> to vector<1xf32>
    %reduce_sum3A_83 = vector.shape_cast %reduce_sum3A_82 : vector<1xf32> to vector<1x1x1xf32>
    %reduce_sum3A_84 = vector.extract %reduce_sum3A_83[0, 0, 0] : f32 from vector<1x1x1xf32>
    %mul3A_85 = arith.mulf %get3A_28, %div3A_78 : vector<256x1xf32>
    %reduce_sum3A_86 = vector.shape_cast %mul3A_85 : vector<256x1xf32> to vector<1x256x1xf32>
    %reduce_sum3A_87 = arith.constant dense<0.000000e+00> : vector<1xf32>
    %reduce_sum3A_88 = vector.multi_reduction <add>, %reduce_sum3A_86, %reduce_sum3A_87 [1, 2] : vector<1x256x1xf32> to vector<1xf32>
    %reduce_sum3A_89 = vector.shape_cast %reduce_sum3A_88 : vector<1xf32> to vector<1x1x1xf32>
    %reduce_sum3A_90 = vector.extract %reduce_sum3A_89[0, 0, 0] : f32 from vector<1x1x1xf32>
    %iota3A = tpu.iota {dimensions = array<i32: 1>} : vector<1x128xi32>
    %eq3A_91 = arith.constant 0 : i32
    %eq3A_92 = vector.broadcast %eq3A_91 : i32 to vector<1x128xi32>
    %eq3A_93 = arith.cmpi eq, %iota3A, %eq3A_92 : vector<1x128xi32>
    %eq3A_94 = arith.constant 1 : i32
    %eq3A_95 = vector.broadcast %eq3A_94 : i32 to vector<1x128xi32>
    %eq3A_96 = arith.cmpi eq, %iota3A, %eq3A_95 : vector<1x128xi32>
    %jit3A_97 = arith.constant 0.000000e+00 : f32
    %broadcast_in_dim3A_98 = vector.broadcast %reduce_sum3A_84 : f32 to vector<1x128xf32>
    %broadcast_in_dim3A_99 = vector.broadcast %jit3A_97 : f32 to vector<1x128xf32>
    %select_n3A_100 = arith.select %eq3A_96, %broadcast_in_dim3A_98, %broadcast_in_dim3A_99 : vector<1x128xi1>, vector<1x128xf32>
    %broadcast_in_dim3A_101 = vector.broadcast %reduce_sum3A_90 : f32 to vector<1x128xf32>
    %select_n3A_102 = arith.select %eq3A_93, %broadcast_in_dim3A_101, %select_n3A_100 : vector<1x128xi1>, vector<1x128xf32>
    %swap3A = arith.constant 0 : index
    %swap3A_103 = arith.constant 0 : index
    %swap3A_104 = arith.constant 0 : index
    %swap3A_105 = vector.load %arg7[%swap3A, %swap3A_103, %swap3A_104] : memref<1x1x128xf32, #tpu.memory_space<vmem>>, vector<1x1x128xf32>
    %swap3A_106 = vector.shape_cast %swap3A_105 : vector<1x1x128xf32> to vector<1x128xf32>
    %swap3A_107 = vector.shape_cast %select_n3A_102 : vector<1x128xf32> to vector<1x1x128xf32>
    tpu.vector_store %arg7[%swap3A, %swap3A_103, %swap3A_104], %swap3A_107 {strides = array<i32>} : memref<1x1x128xf32, #tpu.memory_space<vmem>>, vector<1x1x128xf32>,
    return
  }
  func.func @transform_0(%arg0: i32) -> (i32, i32, i32) {
    %c0_i32 = arith.constant 0 : i32
    %c0_i32_0 = arith.constant 0 : i32
    %c0_i32_1 = arith.constant 0 : i32
    return %arg0, %c0_i32, %c0_i32_0 : i32, i32, i32
  }
  func.func @transform_1(%arg0: i32) -> (i32, i32, i32) {
    %c0_i32 = arith.constant 0 : i32
    %c0_i32_0 = arith.constant 0 : i32
    %c0_i32_1 = arith.constant 0 : i32
    return %arg0, %c0_i32, %c0_i32_0 : i32, i32, i32
  }
  func.func @transform_2(%arg0: i32) -> (i32, i32, i32) {
    %c0_i32 = arith.constant 0 : i32
    %c0_i32_0 = arith.constant 0 : i32
    %c0_i32_1 = arith.constant 0 : i32
    return %arg0, %c0_i32, %c0_i32_0 : i32, i32, i32
  }
  func.func @transform_3(%arg0: i32) -> (i32, i32, i32) {
    %c0_i32 = arith.constant 0 : i32
    %c0_i32_0 = arith.constant 0 : i32
    %c0_i32_1 = arith.constant 0 : i32
    return %arg0, %c0_i32, %c0_i32_0 : i32, i32, i32
  }
  func.func @transform_4(%arg0: i32) -> (i32, i32, i32) {
    %c0_i32 = arith.constant 0 : i32
    %c0_i32_0 = arith.constant 0 : i32
    %c0_i32_1 = arith.constant 0 : i32
    return %arg0, %c0_i32, %c0_i32_0 : i32, i32, i32
  }
  func.func @transform_5(%arg0: i32) -> (i32, i32, i32) {
    %c0_i32 = arith.constant 0 : i32
    %c0_i32_0 = arith.constant 0 : i32
    %c0_i32_1 = arith.constant 0 : i32
    return %arg0, %c0_i32, %c0_i32_0 : i32, i32, i32
  }
  func.func @transform_6(%arg0: i32) -> (i32, i32, i32) {
    %c0_i32 = arith.constant 0 : i32
    %c0_i32_0 = arith.constant 0 : i32
    %c0_i32_1 = arith.constant 0 : i32
    return %arg0, %c0_i32, %c0_i32_0 : i32, i32, i32
  }
}

</mosaic_0001>

<sc_bundles>
// kernel: kernel.4.cloned.1.call-start
scs
__scs_entry_jumppad:
0x0: {  	(pc) =	sbr.rel $0x88, $3  }
0x1: {  	(tag) =	ssettag $0x0;
	lr =	simm.s32 $0x1  }
0x2: {  	[smem:$0x3F9F] =	sst lr;
	_ =	strace $0xD0000000  }
0x3: {  	_ = 	snop  }
0x4: {  	_ = 	snop  }
0x5: {  	_ = 	snop  }
0x6: {  	_ = 	snop  }
0x7: {  	_ = 	snop  }
__scs_overlays_trampoline_lowered:
0x8: {  	[smem:$0x3FAE] =	sst s0  }
0x9: {  	[smem:$0x3FAF] =	sst s1  }
0xa: {  	[smem:$0x3FB0] =	sst s2  }
0xb: {  	[smem:$0x3FB1] =	sst s3  }
0xc: {  	[smem:$0x3FB2] =	sst s4  }
0xd: {  	[smem:$0x3FB3] =	sst s5  }
0xe: {  	[smem:$0x3FB4] =	sst s6  }
0xf: {  	[smem:$0x3FB5] =	sst s7  }
0x10: {  	[smem:$0x3FB6] =	sst s8  }
0x11: {  	[smem:$0x3FB7] =	sst s9;
	s0 =	simm.s32 @!p0 $0x0  }
0x12: {  	s1 =	sld [smem:$0x3F9D];
	s0 =	simm.s32 @p0 $0x1  }
0x13: {  	[smem:$0x3FB8] =	sst s0;
	s0 =	simm.s32 @!p1 $0x0  }
0x14: {  	s2 =	sld [smem:$0x3F9C];
	s0 =	simm.s32 @p1 $0x1  }
0x15: {  	[smem:$0x3FB9] =	sst s0;
	s0 =	simm.s32 @!p2 $0x0  }
0x16: {  	s3 =	sld [smem:$0x3FDB];
	s0 =	simm.s32 @p2 $0x1  }
0x17: {  	s4 =	simm.s32 $0x1BF5;
	[smem:$0x3FBB] =	sst s0  }
0x18: {  	s0 =	sld [smem:$0x3F9E];
	_ =	swait.ge [sflag:s4], $0x0  }
0x19: {  	s7 =	sld [smem:$0x3F9F]  }
0x1a: {  	s8 =	sadd.s32 $0xFFFFE003, lr  }
0x1b: {  	s9 =	sadd.s32 $0xFFFFFEF7, lr;
	s5 =	simm.s32 $0xFFFFFFFF;
	p2 =	slt.u32 s8, $0xFFFFF086  }
0x1c: {  	p1 =	slt.u32 s9, $0xF7A;
	s5 =	simm.s32 @!p2 $0x0  }
0x1d: {  	s5 =	simm.s32 @p1 $0x1;
	p0 =	seq.s32 s7, s2  }
0x1e: {  	s7 =	smul.u32 @!p0 $0xF7A, s2;
	p2 =	seq.s32 @!p0 s5, $0x0  }
0x1f: {  	s9 =	smul.u32 $0xF7A, s1;
	s8 =	simm.s32 @!p0 $0x1BF5;
	p2 =	por !p2, p0  }
0x20: {  	[sflag:s8] =	ssyncset.s32 @!p0 $0xFFFFF086;
	s6 =	sadd.s32 @!p0 s3, s7;
	s7 =	simm.s32 @!p0 $0x108  }
0x21: {  	s3 =	sadd.s32 s3, s9;
	s6 =	sadd.s32 @!p0 $0x88, s6;
	s7 =	simm.s32 @p2 $0x1082  }
0x22: {  	[simem:s7], [sflag:s8] =	dma.local @!p0 [hbm:s6], $0xF7A  }
0x23: {  	s9 =	sor.u32 $0xD0000000, s2;
	s6 =	simm.s32 $0x108;
	_ =	swait.ge @!p0 [sflag:s8], $0x0  }
0x24: {  	s3 =	sadd.s32 $0x88, s3;
	s6 =	simm.s32 @!p1 $0x1082;
	[sflag:s4] =	ssyncset.s32 $0xFFFFF086  }
0x25: {  	[simem:s6], [sflag:s4] =	dma.local [hbm:s3], $0xF7A  }
0x26: {  	[smem:$0x3F9F] =	sst s1;
	(tag) =	ssettag s2;
	_ =	strace s9  }
0x27: {  	s1 =	sld [smem:$0x3FAF]  }
0x28: {  	s2 =	sld [smem:$0x3FB0]  }
0x29: {  	s4 =	sld [smem:$0x3FB2]  }
0x2a: {  	p0 =	seq.s32 s5, $0x0;
	s5 =	sld [smem:$0x3FB3]  }
0x2b: {  	s6 =	sld [smem:$0x3FB4]  }
0x2c: {  	s7 =	sld [smem:$0x3FB5]  }
0x2d: {  	s3 =	simm.s32 $0x108;
	s8 =	sld [smem:$0x3FB6]  }
0x2e: {  	s3 =	simm.s32 @!p0 $0x1082;
	s9 =	sld [smem:$0x3FB7]  }
0x2f: {  	lr =	sadd.s32 s0, s3;
	s0 =	sld [smem:$0x3FAE]  }
0x30: {  	s3 =	sld [smem:$0x3FB1]  }
0x31: {  	[smem:$0x3FBA] =	sst s10  }
0x32: {  	s10 =	sld [smem:$0x3FB8];
	_ =	sdelay $0x3  }
0x33: {  	p0 =	seq.s32 s10, $0x1;
	s10 =	sld [smem:$0x3FBA];
	_ =	sdelay $0x3  }
0x34: {  	[smem:$0x3FBA] =	sst s10  }
0x35: {  	s10 =	sld [smem:$0x3FB9];
	_ =	sdelay $0x3  }
0x36: {  	p1 =	seq.s32 s10, $0x1;
	s10 =	sld [smem:$0x3FBA];
	_ =	sdelay $0x3  }
0x37: {  	[smem:$0x3FBA] =	sst s10  }
0x38: {  	s10 =	sld [smem:$0x3FBB]  }
0x39: {  	_ = 	snop;
	(pc) =	sbr.ind lr, $3  }
0x3a: {  	_ = 	snop  }
0x3b: {  	_ = 	snop  }
0x3c: {  	p2 =	seq.s32 s10, $0x1;
	s10 =	sld [smem:$0x3FBA]  }
0x3d: {  	_ =	shalt  }
0x3e: {  	_ =	shalt  }
0x3f: {  	_ =	shalt  }
0x40: {  	_ =	shalt  }
0x41: {  	_ =	shalt  }
0x42: {  	_ =	shalt  }
0x43: {  	_ =	shalt  }
0x44: {  	_ =	shalt  }
0x45: {  	_ =	shalt  }
0x46: {  	_ =	shalt  }
0x47: {  	_ =	shalt  }
0x48: {  	_ =	shalt  }
0x49: {  	_ =	shalt  }
0x4a: {  	_ =	shalt  }
0x4b: {  	_ =	shalt  }
0x4c: {  	_ =	shalt  }
0x4d: {  	_ =	shalt  }
0x4e: {  	_ =	shalt  }
0x4f: {  	_ =	shalt  }
0x50: {  	_ =	shalt  }
0x51: {  	_ =	shalt  }
0x52: {  	_ =	shalt  }
0x53: {  	_ =	shalt  }
0x54: {  	_ =	shalt  }
0x55: {  	_ =	shalt  }
0x56: {  	_ =	shalt  }
0x57: {  	_ =	shalt  }
0x58: {  	_ =	shalt  }
0x59: {  	_ =	shalt  }
0x5a: {  	_ =	shalt  }
0x5b: {  	_ =	shalt  }
0x5c: {  	_ =	shalt  }
0x5d: {  	_ =	shalt  }
0x5e: {  	_ =	shalt  }
0x5f: {  	_ =	shalt  }
0x60: {  	_ =	shalt  }
0x61: {  	_ =	shalt  }
0x62: {  	_ =	shalt  }
0x63: {  	_ =	shalt  }
0x64: {  	_ =	shalt  }
0x65: {  	_ =	shalt  }
0x66: {  	_ =	shalt  }
0x67: {  	_ =	shalt  }
0x68: {  	_ =	shalt  }
0x69: {  	_ =	shalt  }
0x6a: {  	_ =	shalt  }
0x6b: {  	_ =	shalt  }
0x6c: {  	_ =	shalt  }
0x6d: {  	_ =	shalt  }
0x6e: {  	_ =	shalt  }
0x6f: {  	_ =	shalt  }
0x70: {  	_ =	shalt  }
0x71: {  	_ =	shalt  }
0x72: {  	_ =	shalt  }
0x73: {  	_ =	shalt  }
0x74: {  	_ =	shalt  }
0x75: {  	_ =	shalt  }
0x76: {  	_ =	shalt  }
0x77: {  	_ =	shalt  }
0x78: {  	_ =	shalt  }
0x79: {  	_ =	shalt  }
0x7a: {  	_ =	shalt  }
0x7b: {  	_ =	shalt  }
0x7c: {  	_ =	shalt  }
0x7d: {  	_ =	shalt  }
0x7e: {  	_ =	shalt  }
0x7f: {  	_ =	shalt  }
0x80: {  	_ =	shalt  }
0x81: {  	_ =	shalt  }
0x82: {  	_ =	shalt  }
0x83: {  	_ =	shalt  }
0x84: {  	_ =	shalt  }
0x85: {  	_ =	shalt  }
0x86: {  	_ =	shalt  }
0x87: {  	_ =	shalt  }
.Lfunc_end0:
.L_simem_size_0:
called_computation_lowered:
.L_overlay_start_0:
0x88: {  	s2 =	sld [smem:$0x3FD9]  }
0x89: {  	s3 =	sld [smem:$0x3FFE];
	_ =	sdelay $0x1  }
0x8a: {  	s1 =	srdreg.scid  }
0x8b: {  	s0 =	sand.u32 $0x1, s1  }
0x8c: {  	s16 =	sshll.u32 s0, $0xA;
	s2 =	sadd.s32 s3, s2  }
0x8d: {  	s2 =	sadd.s32 s2, s16  }
0x8e: {  	[smem:$0x3FC6] =	sst s2  }
0x8f: {  	_ = 	snop  }
0x90: {  	(tm) =	ssettm $0x1  }
0x91: {  	s17 =	sld [smem:$0x3FFB];
	_ =	sdelay $0x3  }
0x92: {  	_ =	strace s17  }
0x93: {  	s2 =	sld [smem:$0x3FFC];
	_ =	sdelay $0x3  }
0x94: {  	_ =	strace s2  }
0x95: {  	s2 =	sld [smem:$0x3FFD];
	_ =	sdelay $0x3  }
0x96: {  	_ =	strace s2  }
0x97: {  	_ =	strace $0x8FFFFFFF  }
0x98: {  	s18 =	sld [smem:$0x3FDB];
	_ =	sdelay $0x1  }
0x99: {  	s19 =	simm.s32 $_scs_section_size  }
0x9a: {  	s4 =	simm.s32 $_size__tile_overlayer_lowered;
	s5 =	simm.s32 $_tile_overlayer_lowered  }
0x9b: {  	s22 =	simm.s32 $0x1BFF;
	s21 =	sshll.u32 s5, $0x1;
	s2 =	sadd.s32 s19, s18  }
0x9c: {  	s6 =	simm.s32 $0x0;
	s20 =	sshll.u32 s4, $0x1;
	s4 =	sadd.s32 s21, s2  }
0x9d: {  	[timem:s6], [sflag:s22] =	dma.local [hbm:s4], s20  }
0x9e: {  	_ =	swait.ge [sflag:s22], s20  }
0x9f: {  	s3 =	ssub.s32 $0x0, s20;
	[sflag:s22] =	ssyncset.done $0x0  }
0xa0: {  	[sflag:s22] =	ssyncadd.s32 s3;
	_ =	sdelay $0x1  }
0xa1: {  	s23 =	simm.s32 $0x1B8B  }
0xa2: {  	_ =	swait.ge [sflag:s23], $0x1  }
0xa3: {  	[sflag:s23] =	ssyncset.done $0x0  }
0xa4: {  	s25 =	simm.s32 $0x1B8E;
	s24 =	sld [smem:$0x3FFE];
	[sflag:s23] =	ssyncadd.s32 $0xFFFFFFFF  }
0xa5: {  	s26 =	simm.s32 $execute0_lowered;
	[smem:$0x3FD2] =	sst s25  }
0xa6: {  	s4 =	sshll.u32 s26, $0x1;
	_ =	strace $0x80000046;
	[dreg:$0x1] =	wrdreg $0xFFFFFFFF  }
0xa7: {  	s28 =	simm.s32 $_size_execute0_lowered;
	s2 =	sadd.s32 s2, s4;
	[dreg:$0x0] =	wrdreg $0x0  }
0xa8: {  	s4 =	sshll.u32 s28, $0x1;
	[dreg:$0x2] =	wrdreg s2  }
0xa9: {  	[dreg:$0x3] =	wrdreg s4  }
0xaa: {  	[dreg:$0x4] =	wrdreg $0xC0  }
0xab: {  	_ =	task [dreg:s6], $0x5FFFF  }
0xac: {  	[dreg:$0x1] =	wrdreg $0xFFFFFFFF  }
0xad: {  	[dreg:$0x0] =	wrdreg $0x60  }
0xae: {  	[dreg:$0x2] =	wrdreg s24  }
0xaf: {  	[dreg:$0x3] =	wrdreg $0xD8800  }
0xb0: {  	[dreg:$0x4] =	wrdreg $0xD8900  }
0xb1: {  	[dreg:$0x5] =	wrdreg $0xDC900  }
0xb2: {  	[dreg:$0x6] =	wrdreg $0xE0900  }
0xb3: {  	[dreg:$0x7] =	wrdreg $0x9  }
0xb4: {  	_ =	task.clear_ibuf [dreg:s6], $0x8FFFF;
	_ =	strace $0x90000046  }
0xb5: {  	s29 =	simm.s32 $0x9;
	_ =	strace $0x80000048  }
0xb6: {  	_ =	swait.ge [sflag:s29], $0x1  }
0xb7: {  	[sflag:s29] =	ssyncadd.s32 $0xFFFFFFFF  }
0xb8: {  	_ =	strace $0x90000048  }
0xb9: {  	_ =	sfence  }
0xba: {  	s30 =	sld [smem:$0x0];
	_ =	sdelay $0x2  }
0xbb: {  	s31 =	sshll.u32 s1, $0xD;
	s1 =	sshrl.u32 s1, $0x2  }
0xbc: {  	s3 =	sand.u32 $0x4000, s31;
	s1 =	sadd.s32 s1, s30  }
0xbd: {  	s0 =	sor.u32 s3, s0;
	s1 =	sshll.u32 s1, $0x11  }
0xbe: {  	s0 =	sor.u32 s1, s0  }
0xbf: {  	s0 =	sadd.s32 $0x8F2B, s0  }
0xc0: {  	[sflag:s0] =	ssyncadd.remote.s32 $0x1  }
0xc1: {  	_ =	sfence.sel $0xFFFF  }
0xc2: {  	[dreg:$0x0] =	wrdreg $0xFFFFFFFF;
	(pc) =	sbr.abs _section_cstart, $3  }
0xc3: {  	[dreg:$0x1] =	wrdreg $0xFFFFFFFF  }
0xc4: {  	_ =	task.clear_ibuf [dreg:s6], $0x2FFFF;
	_ =	strace $0x9FFFFFFF  }
0xc5: {  	(tm) =	ssettm $0x7FFFFFFF  }
tec
execute0_lowered:
.L_overlay_start_1:
0x0: {  	(tag) =	ssettag $0x1  }
0x1: {  	s0 =	rddreg [dreg:$0x0]  }
0x2: {  	s11 =	rddreg [dreg:$0x1]  }
0x3: {  	s2 =	rddreg [dreg:$0x2]  }
0x4: {  	s3 =	rddreg [dreg:$0x3]  }
0x5: {  	s4 =	rddreg [dreg:$0x4];
	s1 =	srdreg.scid;
	s5 =	simm.s32 $0x0  }
0x6: {  	s12 =	stileid.u32;
	s31 =	simm.s32 $0xCD00;
	s28 =	simm.s32 $0xCE00  }
0x7: {  	s30 =	simm.s32 $0x2;
	s1 =	sand.u32 $0x1, s1;
	[smem:$0x7FF] =	sst s5  }
0x8: {  	s7 =	sshll.u32 s12, $0xC;
	s10 =	sshll.u32 s12, $0x7;
	s29 =	sadd.s32 $0x1000, s4  }
0x9: {  	s13 =	sadd.s32 $0x1000, s3;
	s15 =	sadd.s32 $0x1000, s2;
	p0 =	seq.s32 s12, $0xF  }
0xa: {  	p4 =	sgt.u32 s12, $0x3;
	s6 =	sshll.u32 s1, $0xA;
	_ =	strace $0x80000047  }
0xb: {  	s8 =	ssub.s32 $0x2, s1;
	s1 =	sshll.u32 s1, $0x6;
	s19 =	sadd.s32 s10, s11  }
0xc: {  	s6 =	sadd.s32 s6, s0;
	[dreg:$0x6] =	wrdreg s19;
	s19 =	sshrl.u32 s15, $0x3  }
0xd: {  	s9 =	sshrl.u32 s8, $0x1;
	s20 =	sadd.s32 $0x31300, s6;
	[dreg:$0x14] =	wrdreg s19  }
0xe: {  	s1 =	sor.u32 s1, s7;
	s21 =	sadd.s32 $0x30B00, s6;
	[dreg:$0x7] =	wrdreg s20  }
0xf: {  	s9 =	ssub.s32 s8, s9;
	s22 =	sadd.s32 $0x30300, s6;
	[dreg:$0x8] =	wrdreg s21  }
0x10: {  	s8 =	sadd.s32 s0, s1;
	s23 =	sadd.s32 $0x31200, s6;
	[dreg:$0x9] =	wrdreg s22  }
0x11: {  	s24 =	sadd.s32 $0x30A00, s6;
	s25 =	sadd.s32 $0x30200, s6;
	[dreg:$0xa] =	wrdreg s23  }
0x12: {  	s26 =	sadd.s32 $0x31100, s6;
	s11 =	sadd.s32 $0x30900, s6;
	[dreg:$0xb] =	wrdreg s24  }
0x13: {  	s14 =	sadd.s32 $0x30100, s6;
	s16 =	sadd.s32 $0x31000, s6;
	[dreg:$0xc] =	wrdreg s25  }
0x14: {  	s17 =	sadd.s32 $0x30800, s6;
	s6 =	sadd.s32 $0x30000, s6;
	[dreg:$0xd] =	wrdreg s26  }
0x15: {  	s0 =	sshrl.u32 s29, $0x3;
	[dreg:$0x12] =	wrdreg s6;
	s6 =	simm.s32 @!p0 $0x0  }
0x16: {  	[dreg:$0x16] =	wrdreg s0;
	s6 =	simm.s32 @p0 $0x1;
	p0 =	sgt.u32 s12, $0xD  }
0x17: {  	p5 =	sgt.u32 s12, $0x2;
	[smem:$0x7E6] =	sst s6;
	s6 =	simm.s32 @!p0 $0x0  }
0x18: {  	s20 =	sadd.s32 $0x2000, s2;
	s6 =	simm.s32 @p0 $0x1;
	p0 =	sgt.u32 s12, $0xC  }
0x19: {  	s21 =	sadd.s32 $0x2000, s4;
	[smem:$0x7E7] =	sst s6;
	s6 =	simm.s32 @!p0 $0x0  }
0x1a: {  	s23 =	sadd.s32 $0x3000, s2;
	s6 =	simm.s32 @p0 $0x1;
	p0 =	sgt.u32 s12, $0xB  }
0x1b: {  	s0 =	sshrl.u32 s20, $0x3;
	[smem:$0x7E8] =	sst s6;
	s6 =	simm.s32 @!p0 $0x0  }
0x1c: {  	[dreg:$0x17] =	wrdreg s0;
	s6 =	simm.s32 @p0 $0x1;
	p0 =	sgt.u32 s12, $0xA  }
0x1d: {  	s0 =	sshrl.u32 s21, $0x3;
	[smem:$0x7E9] =	sst s6;
	s6 =	simm.s32 @!p0 $0x0  }
0x1e: {  	[dreg:$0x19] =	wrdreg s0;
	s6 =	simm.s32 @p0 $0x1;
	p0 =	sgt.u32 s12, $0x9  }
0x1f: {  	s0 =	sshrl.u32 s23, $0x3;
	[smem:$0x7EA] =	sst s6;
	s6 =	simm.s32 @!p0 $0x0  }
0x20: {  	[dreg:$0x1a] =	wrdreg s0;
	s6 =	simm.s32 @p0 $0x1;
	p0 =	sgt.u32 s12, $0x8  }
0x21: {  	s24 =	sadd.s32 $0x3000, s4;
	[smem:$0x7EB] =	sst s6;
	s6 =	simm.s32 @!p0 $0x0  }
0x22: {  	s0 =	sshrl.u32 s24, $0x3;
	s6 =	simm.s32 @p0 $0x1;
	p0 =	sgt.u32 s12, $0x7  }
0x23: {  	p6 =	sgt.u32 s12, $0x1;
	[dreg:$0x1c] =	wrdreg s0;
	s0 =	simm.s32 @!p0 $0x0  }
0x24: {  	[dreg:$0xe] =	wrdreg s11;
	s0 =	simm.s32 @p0 $0x1;
	p0 =	sgt.u32 s12, $0x6  }
0x25: {  	p1 =	sgt.s32 s12, $0x5;
	[smem:$0x7ED] =	sst s0;
	s0 =	simm.s32 @!p0 $0x0  }
0x26: {  	[dreg:$0xf] =	wrdreg s14;
	s0 =	simm.s32 @p0 $0x1;
	p0 =	sgt.u32 s12, $0x5  }
0x27: {  	p2 =	sgt.s32 s12, $0x2;
	[smem:$0x7EE] =	sst s0;
	s0 =	simm.s32 @!p0 $0x0  }
0x28: {  	[dreg:$0x10] =	wrdreg s16;
	s0 =	simm.s32 @p0 $0x1;
	p0 =	sgt.u32 s12, $0x4  }
0x29: {  	s1 =	sshrl.u32 s13, $0x3;
	[smem:$0x7EF] =	sst s0;
	s0 =	simm.s32 @!p0 $0x0  }
0x2a: {  	s13 =	simm.s32 $0x400;
	[dreg:$0x11] =	wrdreg s17;
	s0 =	simm.s32 @p0 $0x1  }
0x2b: {  	s19 =	simm.s32 $0xC800;
	[smem:$0x7F0] =	sst s0;
	s0 =	simm.s32 @!p2 $0x0  }
0x2c: {  	[dreg:$0x15] =	wrdreg s1;
	s0 =	simm.s32 @p2 $0x1;
	p2 =	seq.s32 s12, $0x1  }
0x2d: {  	s18 =	smax.u32 s9, $0x1;
	[smem:$0x7F1] =	sst s0;
	s0 =	simm.s32 @!p2 $0x0  }
0x2e: {  	v0 =	vlaneseq.u32;
	s22 =	sadd.s32 $0x2000, s3;
	s0 =	simm.s32 @p2 $0x1;
	p2 =	seq.s32 s12, $0x2  }
0x2f: {  	v1 =	vor.u32 $0x800, v0;
	s25 =	sadd.s32 $0x3000, s3;
	[smem:$0x7F2] =	sst s0;
	s0 =	simm.s32 @!p2 $0x0  }
0x30: {  	[tilespmem:$0x1FEA0] =	vst v1;
	v1 =	vor.u32 $0x810, v0;
	s26 =	sadd.s32 $0x20000, s8;
	s0 =	simm.s32 @p2 $0x1;
	p2 =	seq.s32 s12, $0x3  }
0x31: {  	[tilespmem:$0x1FEB0] =	vst v1;
	v1 =	vor.u32 $0x820, v0;
	s29 =	sadd.s32 $0x10000, s8;
	[smem:$0x7F3] =	sst s0;
	s0 =	simm.s32 @!p2 $0x0  }
0x32: {  	[tilespmem:$0x1FEC0] =	vst v1;
	v1 =	vor.u32 $0x830, v0;
	s16 =	simm.s32 $0x1;
	s0 =	simm.s32 @p2 $0x1;
	p2 =	seq.s32 s12, $0x4  }
0x33: {  	s17 =	simm.s32 $0xC000;
	[tilespmem:$0x1FED0] =	vst v1;
	v1 =	vor.u32 $0x840, v0;
	[smem:$0x7F4] =	sst s0;
	s0 =	simm.s32 @!p2 $0x0  }
0x34: {  	[dreg:$0x13] =	wrdreg s18;
	[tilespmem:$0x1FEE0] =	vst v1;
	v1 =	vor.u32 $0x850, v0;
	s0 =	simm.s32 @p2 $0x1;
	p2 =	seq.s32 s12, $0x5  }
0x35: {  	s14 =	simm.s32 $0xCD80;
	[tilespmem:$0x1FEF0] =	vst v1;
	v1 =	vor.u32 $0x860, v0;
	[smem:$0x7F5] =	sst s0;
	s0 =	simm.s32 @!p2 $0x0  }
0x36: {  	[dreg:$0x1d] =	wrdreg s26;
	[tilespmem:$0x1FF00] =	vst v1;
	v1 =	vor.u32 $0x870, v0;
	s0 =	simm.s32 @p2 $0x1;
	p2 =	sgt.s32 s12, $0x8  }
0x37: {  	s1 =	sshrl.u32 s22, $0x3;
	[tilespmem:$0x1FF10] =	vst v1;
	v1 =	vor.u32 $0x880, v0;
	[smem:$0x7F6] =	sst s0;
	s0 =	simm.s32 @!p2 $0x0  }
0x38: {  	[dreg:$0x1e] =	wrdreg s29;
	[tilespmem:$0x1FF20] =	vst v1;
	v1 =	vor.u32 $0x890, v0;
	s0 =	simm.s32 @p2 $0x1;
	p2 =	seq.s32 s12, $0x6  }
0x39: {  	s18 =	simm.s32 $0xC400;
	[tilespmem:$0x1FF30] =	vst v1;
	v1 =	vor.u32 $0x8A0, v0;
	[smem:$0x7F7] =	sst s0;
	s0 =	simm.s32 @!p2 $0x0  }
0x3a: {  	[dreg:$0x18] =	wrdreg s1;
	[tilespmem:$0x1FF40] =	vst v1;
	v1 =	vor.u32 $0x8B0, v0;
	s0 =	simm.s32 @p2 $0x1;
	p2 =	seq.s32 s12, $0x7  }
0x3b: {  	vm0 =	vmmov $0x1;
	s26 =	simm.s32 $0xCC80;
	[tilespmem:$0x1FF50] =	vst v1;
	v1 =	vor.u32 $0x8C0, v0;
	[smem:$0x7F8] =	sst s0;
	s0 =	simm.s32 @!p2 $0x0  }
0x3c: {  	vm1 =	vcmask $0x310;
	vm2 =	vcmask $0x710;
	s1 =	sshrl.u32 s25, $0x3;
	[tilespmem:$0x1FF60] =	vst v1;
	v1 =	vor.u32 $0x8D0, v0;
	s0 =	simm.s32 @p2 $0x1;
	p2 =	seq.s32 s12, $0x8  }
0x3d: {  	vm3 =	vcmask $0xB10;
	v2 =	vor.u32 $0x10, v0;
	s21 =	simm.s32 $0x3;
	[tilespmem:$0x1FF70] =	vst v1;
	v1 =	vor.u32 $0x8E0, v0;
	[smem:$0x7F9] =	sst s0;
	s0 =	simm.s32 @!p2 $0x0  }
0x3e: {  	v4 =	vor.u32 $0x20, v0;
	v6 =	vor.u32 $0x30, v0;
	[dreg:$0x1b] =	wrdreg s1;
	[tilespmem:$0x1FF80] =	vst v1;
	v1 =	vor.u32 $0x8F0, v0;
	s0 =	simm.s32 @p2 $0x1;
	p2 =	seq.s32 s12, $0x9  }
0x3f: {  	v8 =	vor.u32 $0x40, v0;
	v10 =	vor.u32 $0x50, v0;
	s25 =	simm.s32 $0xCC00;
	[tilespmem:$0x1FF90] =	vst v1;
	v1 =	vor.u32 $0x1800, v0;
	[smem:$0x7FA] =	sst s0;
	s0 =	simm.s32 @!p2 $0x0  }
0x40: {  	v12 =	vor.u32 $0x60, v0;
	v14 =	vor.u32 $0x70, v0;
	s23 =	simm.s32 $0xCF00;
	[tilespmem:$0x1FFA0] =	vst v1;
	v1 =	vor.u32 $0x1810, v0;
	s0 =	simm.s32 @p2 $0x1;
	p2 =	seq.s32 s12, $0xA  }
0x41: {  	v16 =	vor.u32 $0x80, v0;
	v18 =	vor.u32 $0x90, v0;
	s1 =	simm.s32 $0xCF80;
	[tilespmem:$0x1FFB0] =	vst v1;
	v1 =	vor.u32 $0x1820, v0;
	[smem:$0x7FB] =	sst s0;
	s0 =	simm.s32 @!p2 $0x0  }
0x42: {  	v20 =	vor.u32 $0xA0, v0;
	v22 =	vor.u32 $0xB0, v0;
	[smem:$0x7EC] =	sst s6;
	[tilespmem:$0x1FFC0] =	vst v1;
	v1 =	vor.u32 $0x1830, v0;
	s0 =	simm.s32 @p2 $0x1;
	p2 =	seq.s32 s12, $0xB  }
0x43: {  	v24 =	vor.u32 $0xC0, v0;
	v26 =	vor.u32 $0xD0, v0;
	s24 =	simm.s32 $0x80;
	[tilespmem:$0x1FFD0] =	vst v1;
	v1 =	vor.u32 $0x1840, v0;
	[smem:$0x7FC] =	sst s0;
	s0 =	simm.s32 @!p2 $0x0  }
0x44: {  	v28 =	vor.u32 $0xE0, v0;
	v30 =	vor.u32 $0xF0, v0;
	s6 =	simm.s32 $0xCE80;
	[tilespmem:$0x1FFE0] =	vst v1;
	v1 =	vor.u32 $0x1850, v0;
	p0 =	seq.s32 s12, $0x0;
	s0 =	simm.s32 @p2 $0x1  }
0x45: {  	v38 =	vor.u32 $0x1860, v0;
	v39 =	vor.u32 $0x1870, v0;
	v40 =	vor.u32 $0x1880, v0;
	[tilespmem:$0x1FFF0] =	vst v1;
	s12 =	simm.s32 $0x200;
	[smem:$0x7FD] =	sst s0;
	s0 =	simm.s32 $0x0  }
.LBB2_1:
0x46: {  	s9 =	rddreg [dreg:$0x1d]  }
0x47: {  	[tilespmem:s5], [sflag:$0x1] =	stream.strided.gather [hbm4b:s9+s12], $0x4000, s13, s12, $0x38;
	[tilespmem:$0xE490] =	vst v63  }
0x48: {  	s11 =	simm.s32 $0x4000  }
0x49: {  	[tilespmem:s11], [sflag:$0x1] =	stream.strided.gather [hbm4b:s8+s12], $0x4000, s13, s12, $0x38;
	[tilespmem:$0xE490] =	vst v63  }
0x4a: {  	s15 =	rddreg [dreg:$0x1e];
	s10 =	simm.s32 $0x8000  }
0x4b: {  	[tilespmem:s10], [sflag:$0x1] =	stream.strided.gather [hbm4b:s15+s12], $0x4000, s13, s12, $0x38;
	[tilespmem:$0xE490] =	vst v63  }
0x4c: {  	_ =	swait.ge [sflag:s16], $0x4000  }
0x4d: {  	[sflag:s16] =	ssyncset.done $0x0  }
0x4e: {  	[sflag:s16] =	ssyncadd.s32 $0xFFFFC000  }
0x4f: {  	_ =	swait.ge [sflag:s16], $0x4000  }
0x50: {  	[sflag:s16] =	ssyncset.done $0x0  }
0x51: {  	[sflag:s16] =	ssyncadd.s32 $0xFFFFC000  }
0x52: {  	_ =	swait.ge [sflag:s16], $0x4000  }
0x53: {  	s20 =	sand.u32 $0x70, s5;
	s22 =	sand.u32 $0x3E00, s5;
	[sflag:s16] =	ssyncset.done $0x0  }
0x54: {  	s10 =	sor.u32 s20, s22;
	[sflag:s16] =	ssyncadd.s32 $0xFFFFC000  }
0x55: {  	v42 =	vld [tilespmem:s10+$0x0];
	_ =	sdelay $0x4  }
0x56: {  	(xrf0) =	vadd.scan.msk.s32 $0xffff, v42;
	_ =	sdelay $0x5  }
0x57: {  	v43, _, _ =	vpop (xrf0)  }
0x58: {  	v41 =	vimm.s32 $0x0;
	vm4 =	vgt.s32 v42, $0x0;
	v42 =	vsub.s32 v43, v42  }
0x59: {  	v44 =	vadd.s32 v41, v42;
	_ =	sdelay $0x2  }
0x5a: {  	s29 =	sadd.s32 $0x0, s7  }
0x5b: {  	v61 =	vor.u32 s29, v0  }
0x5c: {  	[tilespmem:v44+s17+$0x0] =	vst.idx.msk vm4, v61  }
0x5d: {  	v62 =	vld [tilespmem:s10+$0x4000];
	_ =	sdelay $0x4  }
0x5e: {  	[tilespmem:v44+s18+$0x0] =	vst.idx.msk vm4, v62  }
0x5f: {  	v63 =	vmpcnt.ones.xlane vm4;
	v45 =	vld [tilespmem:s10+$0x8000];
	_ =	sdelay $0x1  }
0x60: {  	s9 =	simm.s32 $0x40;
	s15 =	simm.s32 $0x10;
	v42 =	vadd.s32 v41, v63  }
0x61: {  	s20 =	simm.s32 $0x20;
	s22 =	sand.u32 $0x3E00, s9;
	v43 =	vmov v42;
	s10 =	sand.u32 $0x70, s15  }
.LBB2_2:
0x62: {  	p2 =	sne.s32 s20, $0xFF0  }
0x63: {  	s10 =	sor.u32 s10, s22;
	[tilespmem:v44+s19+$0x0] =	vst.idx.msk vm4, v45;
	s22 =	smov.u32 s20;
	s20 =	sadd.s32 $0x10, s20  }
0x64: {  	v44 =	vld [tilespmem:s10+$0x0];
	_ =	sdelay $0x4  }
0x65: {  	vm4 =	vgt.s32 v44, $0x0;
	(xrf0) =	vadd.scan.msk.s32 $0xffff, v44  }
0x66: {  	v45 =	vmpcnt.ones.xlane vm4;
	_ =	sdelay $0x1  }
0x67: {  	v42 =	vadd.s32 v42, v45;
	_ =	sdelay $0x2  }
0x68: {  	v45, _, _ =	vpop (xrf0)  }
0x69: {  	v44 =	vsub.s32 v45, v44  }
0x6a: {  	v44 =	vadd.s32 v43, v44;
	v43 =	vmov v42;
	_ =	sdelay $0x2  }
0x6b: {  	s29 =	sadd.s32 s15, s7;
	s15 =	smov.u32 s22  }
0x6c: {  	v45 =	vor.u32 s29, v0  }
0x6d: {  	[tilespmem:v44+s17+$0x0] =	vst.idx.msk vm4, v45  }
0x6e: {  	v45 =	vld [tilespmem:s10+$0x4000];
	_ =	sdelay $0x4  }
0x6f: {  	[tilespmem:v44+s18+$0x0] =	vst.idx.msk vm4, v45  }
.Ltmp0:
0x70: {  	v45 =	vld [tilespmem:s10+$0x8000];
	(pc) =	sbr.rel @p2 .LBB2_2-.Ltmp0, $3  }
0x71: {  	_ =	sdelay $0x1  }
0x72: {  	s9 =	sadd.s32 $0x40, s9  }
0x73: {  	s22 =	sand.u32 $0x3E00, s9;
	s10 =	sand.u32 $0x70, s15  }
0x74: {  	_ =	sdelay $0x4  }
0x75: {  	s9 =	sor.u32 s10, s22;
	[tilespmem:v44+s19+$0x0] =	vst.idx.msk vm4, v45  }
0x76: {  	v44 =	vld [tilespmem:s9+$0x0];
	_ =	sdelay $0x4  }
0x77: {  	(xrf0) =	vadd.scan.msk.s32 $0xffff, v44;
	_ =	sdelay $0x5  }
0x78: {  	v60, _, _ =	vpop (xrf0)  }
0x79: {  	vm4 =	vgt.s32 v44, $0x0;
	v44 =	vsub.s32 v60, v44  }
0x7a: {  	v44 =	vadd.s32 v43, v44;
	_ =	sdelay $0x2  }
0x7b: {  	s29 =	sadd.s32 s15, s7  }
0x7c: {  	v61 =	vor.u32 s29, v0  }
0x7d: {  	[tilespmem:v44+s17+$0x0] =	vst.idx.msk vm4, v61  }
0x7e: {  	v43 =	vld [tilespmem:s9+$0x4000];
	_ =	sdelay $0x4  }
0x7f: {  	[tilespmem:v44+s18+$0x0] =	vst.idx.msk vm4, v43  }
0x80: {  	p3 =	por $0x1, $0x1;
	v62 =	vld [tilespmem:s9+$0x8000]  }
.Ltmp1:
0x81: {  	_ = 	snop;
	(pc) =	sbr.rel @!p3 .LBB2_4-.Ltmp1, $4  }
0x82: {  	_ = 	snop  }
0x83: {  	v63 =	vmpcnt.ones.xlane vm4  }
0x84: {  	s15 =	simm.s32 $0x0;
	s20 =	simm.s32 $0x10  }
0x85: {  	p2 =	por $0x0, $0x0;
	s22 =	sand.u32 $0x70, s15;
	s10 =	sand.u32 $0x3E00, s15;
	v43 =	vadd.s32 v42, v63;
	[tilespmem:v44+s19+$0x0] =	vst.idx.msk vm4, v62  }
0x86: {  	s10 =	sor.u32 s10, s22  }
0x87: {  	v42 =	vld [tilespmem:s10+$0x80];
	_ =	sdelay $0x4  }
0x88: {  	(xrf0) =	vadd.scan.msk.s32 $0xffff, v42;
	_ =	sdelay $0x5  }
0x89: {  	v44, _, _ =	vpop (xrf0)  }
0x8a: {  	v44 =	vsub.s32 v44, v42  }
0x8b: {  	vm4 =	vgt.s32 v42, $0x0;
	v61 =	vadd.s32 v44, v41  }
0x8c: {  	v45 =	vadd.s32 $0x100, v61;
	_ =	sdelay $0x2  }
0x8d: {  	s9 =	sadd.s32 $0x0, s7  }
0x8e: {  	v62 =	vor.u32 s9, v0  }
0x8f: {  	[tilespmem:v45+s17+$0x0] =	vst.idx.msk vm4, v62  }
0x90: {  	v42 =	vld [tilespmem:s10+$0x4080];
	_ =	sdelay $0x3  }
0x91: {  	p3 =	por $0x1, $0x1  }
.Ltmp2:
0x92: {  	[tilespmem:v45+s18+$0x0] =	vst.idx.msk vm4, v42;
	(pc) =	sbr.rel @!p3 .LBB2_6-.Ltmp2, $3  }
0x93: {  	v63 =	vmpcnt.ones.xlane vm4;
	v46 =	vld [tilespmem:s10+$0x8080];
	_ =	sdelay $0x1  }
0x94: {  	s29 =	simm.s32 $0x20;
	s9 =	simm.s32 $0x40;
	v44 =	vadd.s32 v41, v63  }
0x95: {  	s22 =	sand.u32 $0x70, s20;
	p2 =	por $0x1, $0x1;
	v42 =	vmov v44;
	s10 =	sand.u32 $0x3E00, s9  }
.LBB2_7:
0x96: {  	p3 =	sne.s32 s29, $0xFF0  }
0x97: {  	s10 =	sor.u32 s10, s22;
	[tilespmem:v45+s19+$0x0] =	vst.idx.msk vm4, v46;
	s22 =	smov.u32 s29;
	s29 =	sadd.s32 $0x10, s29  }
0x98: {  	v41 =	vld [tilespmem:s10+$0x80];
	_ =	sdelay $0x4  }
0x99: {  	vm4 =	vgt.s32 v41, $0x0;
	(xrf0) =	vadd.scan.msk.s32 $0xffff, v41  }
0x9a: {  	v45 =	vmpcnt.ones.xlane vm4;
	_ =	sdelay $0x1  }
0x9b: {  	v44 =	vadd.s32 v44, v45;
	_ =	sdelay $0x2  }
0x9c: {  	v45, _, _ =	vpop (xrf0)  }
0x9d: {  	v41 =	vsub.s32 v45, v41  }
0x9e: {  	v41 =	vadd.s32 v41, v42;
	v42 =	vmov v44  }
0x9f: {  	v45 =	vadd.s32 $0x100, v41;
	_ =	sdelay $0x2  }
0xa0: {  	s11 =	sadd.s32 s20, s7;
	s20 =	smov.u32 s22  }
0xa1: {  	v41 =	vor.u32 s11, v0  }
0xa2: {  	[tilespmem:v45+s17+$0x0] =	vst.idx.msk vm4, v41  }
0xa3: {  	v41 =	vld [tilespmem:s10+$0x4080];
	_ =	sdelay $0x4  }
0xa4: {  	[tilespmem:v45+s18+$0x0] =	vst.idx.msk vm4, v41  }
.Ltmp3:
0xa5: {  	v46 =	vld [tilespmem:s10+$0x8080];
	(pc) =	sbr.rel @p3 .LBB2_7-.Ltmp3, $3  }
0xa6: {  	_ =	sdelay $0x1  }
0xa7: {  	s9 =	sadd.s32 $0x40, s9  }
0xa8: {  	s22 =	sand.u32 $0x70, s20;
	s10 =	sand.u32 $0x3E00, s9  }
0xa9: {  	v41 =	vmov v44  }
.LBB2_9:
0xaa: {  	_ =	sdelay $0x4  }
0xab: {  	s9 =	sor.u32 s10, s22;
	[tilespmem:v45+s19+$0x0] =	vst.idx.msk @p2 vm4, v46  }
0xac: {  	v44 =	vld [tilespmem:s9+$0x80];
	_ =	sdelay $0x4  }
0xad: {  	(xrf0) =	vadd.scan.msk.s32 $0xffff, v44;
	_ =	sdelay $0x5  }
0xae: {  	v61, _, _ =	vpop (xrf0)  }
0xaf: {  	v45 =	vsub.s32 v61, v44  }
0xb0: {  	vm4 =	vgt.s32 v44, $0x0;
	v42 =	vadd.s32 v45, v42  }
0xb1: {  	v45 =	vadd.s32 $0x100, v42;
	_ =	sdelay $0x2  }
0xb2: {  	s29 =	sadd.s32 s20, s7  }
0xb3: {  	v62 =	vor.u32 s29, v0  }
0xb4: {  	[tilespmem:v45+s17+$0x0] =	vst.idx.msk vm4, v62  }
0xb5: {  	v42 =	vld [tilespmem:s9+$0x4080];
	_ =	sdelay $0x4  }
0xb6: {  	[tilespmem:v45+s18+$0x0] =	vst.idx.msk vm4, v42  }
0xb7: {  	v46 =	vld [tilespmem:s9+$0x8080];
	_ =	sdelay $0x2  }
0xb8: {  	v63 =	vmpcnt.ones.xlane vm4;
	_ =	sdelay $0x1  }
0xb9: {  	v44 =	vimm.s32 $0x0;
	v42 =	vadd.s32 v41, v63;
	v41 =	vimm.s32 $0x0;
	s9 =	simm.s32 $0x0;
	[tilespmem:v45+s19+$0x0] =	vst.idx.msk vm4, v46  }
.LBB2_10:
0xba: {  	s10 =	sand.u32 $0x70, s9;
	s11 =	sand.u32 $0x3E00, s15  }
0xbb: {  	s10 =	sor.u32 s11, s10  }
0xbc: {  	v45 =	vld [tilespmem:s10+$0x100];
	_ =	sdelay $0x4  }
0xbd: {  	(xrf0) =	vadd.scan.msk.s32 $0xffff, v45;
	_ =	sdelay $0x5  }
0xbe: {  	v46, _, _ =	vpop (xrf0)  }
0xbf: {  	v46 =	vsub.s32 v46, v45  }
0xc0: {  	vm4 =	vgt.s32 v45, $0x0;
	v62 =	vadd.s32 v46, v41  }
0xc1: {  	v45 =	vadd.s32 $0x200, v62;
	_ =	sdelay $0x2  }
0xc2: {  	s29 =	sadd.s32 s9, s7  }
0xc3: {  	v63 =	vor.u32 s29, v0  }
0xc4: {  	[tilespmem:v45+s17+$0x0] =	vst.idx.msk vm4, v63  }
0xc5: {  	v46 =	vld [tilespmem:s10+$0x4100];
	_ =	sdelay $0x4  }
0xc6: {  	[tilespmem:v45+s18+$0x0] =	vst.idx.msk vm4, v46  }
0xc7: {  	p2 =	sne.s32 s9, $0xFF0;
	v46 =	vld [tilespmem:s10+$0x8100]  }
.Ltmp4:
0xc8: {  	_ = 	snop;
	(pc) =	sbr.rel @p2 .LBB2_10-.Ltmp4, $3  }
0xc9: {  	_ = 	snop  }
0xca: {  	v47 =	vmpcnt.ones.xlane vm4;
	_ =	sdelay $0x1  }
0xcb: {  	s15 =	sadd.s32 $0x40, s15;
	s9 =	sadd.s32 $0x10, s9;
	v41 =	vadd.s32 v41, v47;
	[tilespmem:v45+s19+$0x0] =	vst.idx.msk vm4, v46  }
0xcc: {  	s9 =	simm.s32 $0x0  }
0xcd: {  	s10 =	sand.u32 $0x70, s9;
	s9 =	sand.u32 $0x3E00, s9  }
0xce: {  	s10 =	sor.u32 s9, s10  }
0xcf: {  	v45 =	vld [tilespmem:s10+$0x180];
	_ =	sdelay $0x4  }
0xd0: {  	(xrf0) =	vadd.scan.msk.s32 $0xffff, v45;
	_ =	sdelay $0x5  }
0xd1: {  	v46, _, _ =	vpop (xrf0)  }
0xd2: {  	v46 =	vsub.s32 v46, v45  }
0xd3: {  	vm4 =	vgt.s32 v45, $0x0;
	v62 =	vadd.s32 v46, v44  }
0xd4: {  	v46 =	vadd.s32 $0x300, v62;
	_ =	sdelay $0x2  }
0xd5: {  	s29 =	sadd.s32 $0x0, s7  }
0xd6: {  	v63 =	vor.u32 s29, v0  }
0xd7: {  	[tilespmem:v46+s17+$0x0] =	vst.idx.msk vm4, v63  }
0xd8: {  	v45 =	vld [tilespmem:s10+$0x4180];
	_ =	sdelay $0x3  }
0xd9: {  	v47 =	vmpcnt.ones.xlane vm4  }
0xda: {  	[tilespmem:v46+s18+$0x0] =	vst.idx.msk vm4, v45  }
0xdb: {  	v44 =	vadd.s32 v44, v47;
	v47 =	vld [tilespmem:s10+$0x8180];
	_ =	sdelay $0x1  }
0xdc: {  	s15 =	simm.s32 $0x10;
	s9 =	simm.s32 $0x40  }
0xdd: {  	s20 =	simm.s32 $0x20;
	s22 =	sand.u32 $0x3E00, s9;
	v45 =	vmov v44;
	s10 =	sand.u32 $0x70, s15  }
.LBB2_12:
0xde: {  	p2 =	sne.s32 s20, $0xFF0  }
0xdf: {  	s10 =	sor.u32 s22, s10;
	[tilespmem:v46+s19+$0x0] =	vst.idx.msk vm4, v47;
	s11 =	smov.u32 s20;
	s20 =	sadd.s32 $0x10, s20  }
0xe0: {  	v46 =	vld [tilespmem:s10+$0x180];
	_ =	sdelay $0x4  }
0xe1: {  	vm4 =	vgt.s32 v46, $0x0;
	(xrf0) =	vadd.scan.msk.s32 $0xffff, v46  }
0xe2: {  	v47 =	vmpcnt.ones.xlane vm4;
	_ =	sdelay $0x1  }
0xe3: {  	v44 =	vadd.s32 v44, v47;
	_ =	sdelay $0x2  }
0xe4: {  	v47, _, _ =	vpop (xrf0)  }
0xe5: {  	v46 =	vsub.s32 v47, v46  }
0xe6: {  	v46 =	vadd.s32 v46, v45;
	v45 =	vmov v44  }
0xe7: {  	v46 =	vadd.s32 $0x300, v46;
	_ =	sdelay $0x2  }
0xe8: {  	s22 =	sadd.s32 s15, s7;
	s15 =	smov.u32 s11  }
0xe9: {  	v47 =	vor.u32 s22, v0  }
0xea: {  	[tilespmem:v46+s17+$0x0] =	vst.idx.msk vm4, v47  }
0xeb: {  	v47 =	vld [tilespmem:s10+$0x4180];
	_ =	sdelay $0x4  }
0xec: {  	[tilespmem:v46+s18+$0x0] =	vst.idx.msk vm4, v47  }
.Ltmp5:
0xed: {  	v47 =	vld [tilespmem:s10+$0x8180];
	(pc) =	sbr.rel @p2 .LBB2_12-.Ltmp5, $3  }
0xee: {  	_ =	sdelay $0x1  }
0xef: {  	s9 =	sadd.s32 $0x40, s9  }
0xf0: {  	s22 =	sand.u32 $0x3E00, s9;
	s10 =	sand.u32 $0x70, s15  }
0xf1: {  	_ =	sdelay $0x4  }
0xf2: {  	s9 =	sor.u32 s22, s10;
	[tilespmem:v46+s19+$0x0] =	vst.idx.msk vm4, v47  }
0xf3: {  	v46 =	vld [tilespmem:s9+$0x180];
	_ =	sdelay $0x4  }
0xf4: {  	(xrf0) =	vadd.scan.msk.s32 $0xffff, v46;
	_ =	sdelay $0x5  }
0xf5: {  	v61, _, _ =	vpop (xrf0)  }
0xf6: {  	v47 =	vsub.s32 v61, v46  }
0xf7: {  	vm4 =	vgt.s32 v46, $0x0;
	v45 =	vadd.s32 v47, v45  }
0xf8: {  	v45 =	vadd.s32 $0x300, v45;
	_ =	sdelay $0x2  }
0xf9: {  	s11 =	sadd.s32 s15, s7  }
0xfa: {  	v62 =	vor.u32 s11, v0  }
0xfb: {  	[tilespmem:v45+s17+$0x0] =	vst.idx.msk vm4, v62  }
0xfc: {  	v46 =	vld [tilespmem:s9+$0x4180];
	_ =	sdelay $0x4  }
0xfd: {  	[tilespmem:v45+s18+$0x0] =	vst.idx.msk vm4, v46  }
0xfe: {  	v46 =	vld [tilespmem:s9+$0x8180];
	_ =	sdelay $0x1  }
0xff: {  	v48 =	vnsel vm0, $0x0, v43;
	v63 =	vmpcnt.ones.xlane vm4  }
0x100: {  	v48 =	vsel vm1, v48, v42  }
0x101: {  	v32 =	vsel vm2, v48, v41;
	v44 =	vadd.s32 v44, v63  }
0x102: {  	v33 =	vsel vm3, v32, v44;
	[tilespmem:v45+s19+$0x0] =	vst.idx.msk vm4, v46  }
0x103: {  	s15 =	rddreg [dreg:$0x6];
	s20 =	simm.s32 $0xD000;
	[tilespmem:$0xD000] =	vst v33  }
0x104: {  	[spmem:s15] =	stream.linear.scatter [tilespmem:s20], [sflag:$0x3], $0x80, $0x38;
	[tilespmem:$0xE490] =	vst v63  }
0x105: {  	_ =	swait.ge [sflag:s21], $0x80  }
0x106: {  	[sflag:s21] =	ssyncset.done $0x0  }
0x107: {  	[sflag:s21] =	ssyncadd.s32 $0xFFFFFF80  }
0x108: {  	[bflag:$0x0] =	sbarrier.arrive $0xFFFF  }
0x109: {  	s29 =	simm.s32 $0xD080;
	s22 =	rddreg [dreg:$0x1]  }
0x10a: {  	[tilespmem:s29], [sflag:$0x3] =	stream.linear.gather [spmem:s22], $0x800, $0x38;
	[tilespmem:$0xE490] =	vst v63  }
0x10b: {  	_ =	swait.ge [sflag:s21], $0x800  }
0x10c: {  	[sflag:s21] =	ssyncset.done $0x0  }
0x10d: {  	[sflag:s21] =	ssyncadd.s32 $0xFFFFF800  }
0x10e: {  	v34 =	vld [tilespmem:$0xD080]  }
0x10f: {  	v35 =	vld [tilespmem:$0xD100]  }
0x110: {  	v36 =	vld [tilespmem:$0xD180]  }
0x111: {  	v37 =	vld [tilespmem:$0xD200]  }
0x112: {  	v49 =	vld [tilespmem:$0xD280]  }
0x113: {  	s11 =	sld [smem:$0x7F0];
	v50 =	vld [tilespmem:$0xD300]  }
0x114: {  	s15 =	sld [smem:$0x7EF];
	v51 =	vld [tilespmem:$0xD380];
	v45 =	vpsel p0, $0x0, v34;
	v46 =	vpsel !p6, $0x0, v35  }
0x115: {  	s20 =	sld [smem:$0x7EE];
	v55 =	vld [tilespmem:$0xD400];
	v54 =	vpsel !p5, $0x0, v36;
	v45 =	vadd.s32 v45, v46  }
0x116: {  	s22 =	sld [smem:$0x7ED];
	v57 =	vld [tilespmem:$0xD480];
	p2 =	seq.s32 s11, $0x1;
	v56 =	vpsel !p4, $0x0, v37;
	v45 =	vadd.s32 v54, v45  }
0x117: {  	s29 =	sld [smem:$0x7EC];
	v59 =	vld [tilespmem:$0xD500];
	p3 =	seq.s32 s15, $0x1;
	v58 =	vpsel !p2, $0x0, v49;
	v45 =	vadd.s32 v56, v45  }
0x118: {  	s10 =	sld [smem:$0x7EB];
	v61 =	vld [tilespmem:$0xD580];
	v60 =	vpsel !p3, $0x0, v50;
	p3 =	seq.s32 s20, $0x1;
	v45 =	vadd.s32 v58, v45  }
0x119: {  	v63 =	vld [tilespmem:$0xD600];
	s11 =	sld [smem:$0x7EA];
	v62 =	vpsel !p3, $0x0, v51;
	p3 =	seq.s32 s22, $0x1;
	v45 =	vadd.s32 v60, v45  }
0x11a: {  	v33 =	vld [tilespmem:$0xD680];
	s15 =	sld [smem:$0x7E9];
	v32 =	vpsel !p3, $0x0, v55;
	p3 =	seq.s32 s29, $0x1;
	v45 =	vadd.s32 v62, v45  }
0x11b: {  	v35 =	vld [tilespmem:$0xD700];
	s20 =	sld [smem:$0x7E8];
	v34 =	vpsel !p3, $0x0, v57;
	p3 =	seq.s32 s10, $0x1;
	v45 =	vadd.s32 v32, v45  }
0x11c: {  	v37 =	vld [tilespmem:$0xD780];
	s22 =	sld [smem:$0x7E7];
	v36 =	vpsel !p3, $0x0, v59;
	p3 =	seq.s32 s11, $0x1;
	v45 =	vadd.s32 v34, v45  }
0x11d: {  	s29 =	sld [smem:$0x7E6];
	v52 =	vpsel !p3, $0x0, v61;
	p3 =	seq.s32 s15, $0x1;
	v45 =	vadd.s32 v36, v45  }
0x11e: {  	v53 =	vpsel !p3, $0x0, v63;
	p3 =	seq.s32 s20, $0x1;
	v45 =	vadd.s32 v52, v45  }
0x11f: {  	v54 =	vpsel !p3, $0x0, v33;
	p3 =	seq.s32 s22, $0x1;
	v45 =	vadd.s32 v53, v45  }
0x120: {  	v55 =	vpsel !p3, $0x0, v35;
	p3 =	seq.s32 s29, $0x1;
	v45 =	vadd.s32 v54, v45  }
0x121: {  	v1 =	vld [tilespmem:$0x1FEA0];
	v56 =	vpsel !p3, $0x0, v37;
	v45 =	vadd.s32 v55, v45  }
0x122: {  	v45 =	vadd.s32 v56, v45  }
0x123: {  	v46 =	vbroadcast v45, $0x0;
	_ =	sdelay $0x1  }
0x124: {  	vm4 =	vgt.s32 v43, v0;
	v57 =	vadd.s32 v0, v46  }
0x125: {  	v47 =	vsel vm4, v57, v1;
	v1 =	vld [tilespmem:$0x1FEB0];
	_ =	sdelay $0x3  }
0x126: {  	v58 =	vadd.s32 v2, v46;
	vm4 =	vgt.s32 v43, v2  }
0x127: {  	v48 =	vsel vm4, v58, v1;
	v1 =	vld [tilespmem:$0x1FEC0];
	_ =	sdelay $0x3  }
0x128: {  	vm5 =	vgt.s32 v43, v4;
	v59 =	vadd.s32 v4, v46  }
0x129: {  	v49 =	vsel vm5, v59, v1;
	v1 =	vld [tilespmem:$0x1FED0];
	_ =	sdelay $0x3  }
0x12a: {  	v60 =	vadd.s32 v6, v46;
	vm4 =	vgt.s32 v43, v6  }
0x12b: {  	v50 =	vsel vm4, v60, v1;
	v1 =	vld [tilespmem:$0x1FEE0];
	_ =	sdelay $0x3  }
0x12c: {  	v61 =	vadd.s32 v8, v46;
	vm5 =	vgt.s32 v43, v8  }
0x12d: {  	v51 =	vsel vm5, v61, v1;
	v1 =	vld [tilespmem:$0x1FEF0];
	_ =	sdelay $0x3  }
0x12e: {  	v52 =	vadd.s32 v10, v46;
	vm4 =	vgt.s32 v43, v10  }
0x12f: {  	v52 =	vsel vm4, v52, v1;
	v1 =	vld [tilespmem:$0x1FF00];
	_ =	sdelay $0x3  }
0x130: {  	v53 =	vadd.s32 v12, v46;
	vm5 =	vgt.s32 v43, v12  }
0x131: {  	v53 =	vsel vm5, v53, v1;
	v1 =	vld [tilespmem:$0x1FF10];
	_ =	sdelay $0x3  }
0x132: {  	v54 =	vadd.s32 v14, v46;
	vm4 =	vgt.s32 v43, v14  }
0x133: {  	v54 =	vsel vm4, v54, v1;
	v1 =	vld [tilespmem:$0x1FF20];
	_ =	sdelay $0x3  }
0x134: {  	v55 =	vadd.s32 v16, v46;
	vm5 =	vgt.s32 v43, v16  }
0x135: {  	v55 =	vsel vm5, v55, v1;
	v1 =	vld [tilespmem:$0x1FF30];
	_ =	sdelay $0x3  }
0x136: {  	v56 =	vadd.s32 v18, v46;
	vm4 =	vgt.s32 v43, v18  }
0x137: {  	v56 =	vsel vm4, v56, v1;
	v1 =	vld [tilespmem:$0x1FF40];
	_ =	sdelay $0x3  }
0x138: {  	v57 =	vadd.s32 v20, v46;
	vm5 =	vgt.s32 v43, v20  }
0x139: {  	v57 =	vsel vm5, v57, v1;
	v1 =	vld [tilespmem:$0x1FF50];
	_ =	sdelay $0x3  }
0x13a: {  	vm6 =	vgt.s32 v43, v22;
	v58 =	vadd.s32 v22, v46  }
0x13b: {  	v58 =	vsel vm6, v58, v1;
	v1 =	vld [tilespmem:$0x1FF60];
	_ =	sdelay $0x3  }
0x13c: {  	v59 =	vadd.s32 v24, v46;
	vm4 =	vgt.s32 v43, v24  }
0x13d: {  	v59 =	vsel vm4, v59, v1;
	v1 =	vld [tilespmem:$0x1FF70]  }
0x13e: {  	(v2sf) =	vpush v45, $0x1;
	_ =	sdelay $0x2  }
0x13f: {  	v60 =	vadd.s32 v26, v46;
	vm5 =	vgt.s32 v43, v26  }
0x140: {  	v60 =	vsel vm5, v60, v1;
	v1 =	vld [tilespmem:$0x1FF80];
	_ =	sdelay $0x3  }
0x141: {  	vm14 =	vgt.s32 v43, v28;
	(v2sf) =	vpush v45, $0x2;
	v61 =	vadd.s32 v28, v46  }
0x142: {  	v61 =	vsel vm14, v61, v1;
	v1 =	vld [tilespmem:$0x1FF90];
	_ =	sdelay $0x3  }
0x143: {  	v62 =	vadd.s32 v30, v46;
	vm4 =	vgt.s32 v43, v30  }
0x144: {  	v43 =	vsel vm4, v62, v1;
	v1 =	vld [tilespmem:$0x1FFA0]  }
0x145: {  	s10 =	spop (v2sf)  }
0x146: {  	[tilespmem:$0xCC00] =	vst v47;
	s9 =	sadd.s32 $0x1000, s10  }
0x147: {  	vm15 =	vgt.s32 v42, v8;
	[tilespmem:$0xCC10] =	vst v48;
	(v2sf) =	vpush v45, $0x3;
	v63 =	vadd.s32 s9, v0  }
0x148: {  	[tilespmem:$0xCC20] =	vst v49;
	v32 =	vadd.s32 s9, v2;
	v33 =	vadd.s32 s9, v4;
	vm4 =	vgt.s32 v42, v0  }
0x149: {  	v34 =	vadd.s32 s9, v6;
	v35 =	vadd.s32 s9, v8;
	[tilespmem:$0xCC30] =	vst v50;
	v45 =	vsel vm4, v63, v1;
	v1 =	vld [tilespmem:$0x1FFB0]  }
0x14a: {  	v15 =	vld [tilespmem:$0x1FFC0];
	v36 =	vadd.s32 s9, v10;
	v37 =	vadd.s32 s9, v12;
	v3 =	vadd.s32 s9, v20;
	[tilespmem:$0xCC40] =	vst v51  }
0x14b: {  	v5 =	vadd.s32 s9, v22;
	v7 =	vadd.s32 s9, v24;
	v9 =	vadd.s32 s9, v26;
	[tilespmem:$0xCC50] =	vst v52  }
0x14c: {  	v11 =	vadd.s32 s9, v28;
	v13 =	vadd.s32 s9, v30;
	[tilespmem:$0xCC60] =	vst v53;
	vm5 =	vgt.s32 v42, v6  }
0x14d: {  	s11 =	spop (v2sf);
	[tilespmem:$0xCC90] =	vst v56;
	v62 =	vadd.s32 s9, v14;
	vm4 =	vgt.s32 v42, v2;
	v63 =	vadd.s32 s9, v16  }
0x14e: {  	[tilespmem:$0xCCA0] =	vst v57;
	v46 =	vsel vm4, v32, v1;
	v1 =	vadd.s32 s9, v18;
	vm4 =	vgt.s32 v42, v4;
	s9 =	sadd.s32 $0x2000, s11  }
0x14f: {  	[tilespmem:$0xCCB0] =	vst v58;
	v47 =	vsel vm4, v33, v15;
	v15 =	vld [tilespmem:$0x1FFD0];
	vm4 =	vgt.s32 v42, v10;
	v56 =	vadd.s32 s9, v0  }
0x150: {  	[tilespmem:$0xCCC0] =	vst v59;
	v57 =	vadd.s32 s9, v2;
	v58 =	vadd.s32 s9, v4;
	v59 =	vadd.s32 s9, v8;
	v33 =	vld [tilespmem:$0x1FFF0]  }
0x151: {  	[tilespmem:$0xCCD0] =	vst v60;
	v17 =	vadd.s32 s9, v10;
	v19 =	vadd.s32 s9, v12;
	v60 =	vadd.s32 s9, v14  }
0x152: {  	[tilespmem:$0xCCE0] =	vst v61;
	v21 =	vadd.s32 s9, v16;
	v23 =	vadd.s32 s9, v18;
	v61 =	vadd.s32 s9, v20  }
0x153: {  	[tilespmem:$0xCC70] =	vst v54;
	v25 =	vadd.s32 s9, v22;
	v27 =	vadd.s32 s9, v24;
	v29 =	vadd.s32 s9, v26  }
0x154: {  	[tilespmem:$0xCC80] =	vst v55;
	v31 =	vadd.s32 s9, v28;
	v48 =	vsel vm5, v34, v15;
	vm5 =	vgt.s32 v42, v12  }
0x155: {  	[tilespmem:$0xCCF0] =	vst v43;
	v15 =	vld [tilespmem:$0x1FFE0];
	v43 =	vsel vm4, v36, v33;
	vm4 =	vgt.s32 v42, v14;
	v33 =	vsel vm5, v37, v38  }
0x156: {  	v32 =	vadd.s32 s9, v30;
	v62 =	vsel vm4, v62, v39;
	vm4 =	vgt.s32 v42, v16;
	[tilespmem:$0xCD60] =	vst v33  }
0x157: {  	[tilespmem:$0xCD70] =	vst v62;
	v33 =	vsel vm4, v63, v40;
	vm4 =	vgt.s32 v42, v18;
	v62 =	vor.u32 $0x1890, v0  }
0x158: {  	[tilespmem:$0xCD00] =	vst v45;
	v63 =	vor.u32 $0x18A0, v0;
	v1 =	vsel vm4, v1, v62;
	vm4 =	vgt.s32 v42, v20  }
0x159: {  	s15 =	spop (v2sf);
	[tilespmem:$0xCD90] =	vst v1;
	v1 =	vsel vm4, v3, v63;
	vm4 =	vgt.s32 v42, v22;
	v3 =	vor.u32 $0x18B0, v0  }
0x15a: {  	v49 =	vsel vm15, v35, v15;
	v15 =	vadd.s32 s9, v6;
	s9 =	sadd.s32 $0x3000, s15;
	[tilespmem:$0xCDA0] =	vst v1;
	v1 =	vsel vm4, v5, v3  }
0x15b: {  	[tilespmem:$0xCD10] =	vst v46;
	vm4 =	vgt.s32 v42, v24;
	v3 =	vor.u32 $0x18C0, v0;
	v34 =	vadd.s32 s9, v0  }
0x15c: {  	[tilespmem:$0xCD20] =	vst v47;
	v35 =	vadd.s32 s9, v2;
	v36 =	vadd.s32 s9, v4;
	v37 =	vadd.s32 s9, v6  }
0x15d: {  	[tilespmem:$0xCD30] =	vst v48;
	v55 =	vadd.s32 s9, v8;
	v54 =	vadd.s32 s9, v10;
	v53 =	vadd.s32 s9, v12  }
0x15e: {  	[tilespmem:$0xCD50] =	vst v43;
	v52 =	vadd.s32 s9, v14;
	v51 =	vadd.s32 s9, v16;
	v50 =	vadd.s32 s9, v18  }
0x15f: {  	[tilespmem:$0xCD40] =	vst v49;
	v49 =	vadd.s32 s9, v20;
	v48 =	vadd.s32 s9, v22;
	v47 =	vadd.s32 s9, v24  }
0x160: {  	[tilespmem:$0xCD80] =	vst v33;
	v46 =	vadd.s32 s9, v26;
	v45 =	vadd.s32 s9, v28;
	v43 =	vadd.s32 s9, v30  }
0x161: {  	[tilespmem:$0xCDB0] =	vst v1;
	v1 =	vsel vm4, v7, v3;
	vm4 =	vgt.s32 v42, v26;
	v3 =	vor.u32 $0x18D0, v0  }
0x162: {  	[tilespmem:$0xCDC0] =	vst v1;
	v1 =	vsel vm4, v9, v3;
	vm4 =	vgt.s32 v42, v28;
	v3 =	vor.u32 $0x18E0, v0  }
0x163: {  	[tilespmem:$0xCDD0] =	vst v1;
	v1 =	vsel vm4, v11, v3;
	vm4 =	vgt.s32 v42, v30;
	v3 =	vor.u32 $0x18F0, v0  }
0x164: {  	[tilespmem:$0xCDE0] =	vst v1;
	v1 =	vsel vm4, v13, v3;
	vm4 =	vgt.s32 v41, v0;
	v3 =	vor.u32 $0x2800, v0  }
0x165: {  	[tilespmem:$0xCDF0] =	vst v1;
	v1 =	vsel vm4, v56, v3;
	vm4 =	vgt.s32 v41, v2;
	v3 =	vor.u32 $0x2810, v0  }
0x166: {  	[tilespmem:$0xCE00] =	vst v1;
	v1 =	vsel vm4, v57, v3;
	vm4 =	vgt.s32 v41, v4;
	v3 =	vor.u32 $0x2820, v0  }
0x167: {  	[tilespmem:$0xCE10] =	vst v1;
	v1 =	vsel vm4, v58, v3;
	vm4 =	vgt.s32 v41, v6;
	v3 =	vor.u32 $0x2830, v0  }
0x168: {  	[tilespmem:$0xCE20] =	vst v1;
	v1 =	vsel vm4, v15, v3;
	vm4 =	vgt.s32 v41, v8;
	v3 =	vor.u32 $0x2840, v0  }
0x169: {  	[tilespmem:$0xCE30] =	vst v1;
	v1 =	vsel vm4, v59, v3;
	vm4 =	vgt.s32 v41, v10;
	v3 =	vor.u32 $0x2850, v0  }
0x16a: {  	[tilespmem:$0xCE40] =	vst v1;
	v1 =	vsel vm4, v17, v3;
	vm4 =	vgt.s32 v41, v12;
	v3 =	vor.u32 $0x2860, v0  }
0x16b: {  	[tilespmem:$0xCE50] =	vst v1;
	v1 =	vsel vm4, v19, v3;
	vm4 =	vgt.s32 v41, v14;
	v3 =	vor.u32 $0x2870, v0  }
0x16c: {  	[tilespmem:$0xCE60] =	vst v1;
	v1 =	vsel vm4, v60, v3;
	vm4 =	vgt.s32 v41, v16;
	v3 =	vor.u32 $0x2880, v0  }
0x16d: {  	[tilespmem:$0xCE70] =	vst v1;
	v1 =	vsel vm4, v21, v3;
	vm4 =	vgt.s32 v41, v18;
	v3 =	vor.u32 $0x2890, v0  }
0x16e: {  	[tilespmem:$0xCE80] =	vst v1;
	v1 =	vsel vm4, v23, v3;
	vm4 =	vgt.s32 v41, v20;
	v3 =	vor.u32 $0x28A0, v0  }
0x16f: {  	[tilespmem:$0xCE90] =	vst v1;
	v1 =	vsel vm4, v61, v3;
	vm4 =	vgt.s32 v41, v22;
	v3 =	vor.u32 $0x28B0, v0  }
0x170: {  	[tilespmem:$0xCEA0] =	vst v1;
	v1 =	vsel vm4, v25, v3;
	vm4 =	vgt.s32 v41, v24;
	v3 =	vor.u32 $0x28C0, v0  }
0x171: {  	[tilespmem:$0xCEB0] =	vst v1;
	v1 =	vsel vm4, v27, v3;
	vm4 =	vgt.s32 v41, v26;
	v3 =	vor.u32 $0x28D0, v0  }
0x172: {  	[tilespmem:$0xCEC0] =	vst v1;
	v1 =	vsel vm4, v29, v3;
	vm4 =	vgt.s32 v41, v28;
	v3 =	vor.u32 $0x28E0, v0  }
0x173: {  	[tilespmem:$0xCED0] =	vst v1;
	v1 =	vsel vm4, v31, v3;
	vm4 =	vgt.s32 v41, v30;
	v3 =	vor.u32 $0x28F0, v0  }
0x174: {  	[tilespmem:$0xCEE0] =	vst v1;
	v1 =	vsel vm4, v32, v3;
	vm4 =	vgt.s32 v44, v0;
	v3 =	vor.u32 $0x3800, v0  }
0x175: {  	[tilespmem:$0xCEF0] =	vst v1;
	v1 =	vsel vm4, v34, v3;
	vm4 =	vgt.s32 v44, v2;
	v3 =	vor.u32 $0x3810, v0  }
0x176: {  	[tilespmem:$0xCF00] =	vst v1;
	v1 =	vsel vm4, v35, v3;
	vm4 =	vgt.s32 v44, v4;
	v3 =	vor.u32 $0x3820, v0  }
0x177: {  	[tilespmem:$0xCF10] =	vst v1;
	v1 =	vsel vm4, v36, v3;
	vm4 =	vgt.s32 v44, v6;
	v3 =	vor.u32 $0x3830, v0  }
0x178: {  	[tilespmem:$0xCF20] =	vst v1;
	v1 =	vsel vm4, v37, v3;
	vm4 =	vgt.s32 v44, v8;
	v3 =	vor.u32 $0x3840, v0  }
0x179: {  	[tilespmem:$0xCF30] =	vst v1;
	v1 =	vsel vm4, v55, v3;
	vm4 =	vgt.s32 v44, v10;
	v3 =	vor.u32 $0x3850, v0  }
0x17a: {  	[tilespmem:$0xCF40] =	vst v1;
	v1 =	vsel vm4, v54, v3;
	vm4 =	vgt.s32 v44, v12;
	v3 =	vor.u32 $0x3860, v0  }
0x17b: {  	[tilespmem:$0xCF50] =	vst v1;
	v1 =	vsel vm4, v53, v3;
	vm4 =	vgt.s32 v44, v14;
	v3 =	vor.u32 $0x3870, v0  }
0x17c: {  	[tilespmem:$0xCF60] =	vst v1;
	v1 =	vsel vm4, v52, v3;
	vm4 =	vgt.s32 v44, v16;
	v3 =	vor.u32 $0x3880, v0  }
0x17d: {  	[tilespmem:$0xCF70] =	vst v1;
	v1 =	vsel vm4, v51, v3;
	vm4 =	vgt.s32 v44, v18;
	v3 =	vor.u32 $0x3890, v0  }
0x17e: {  	[tilespmem:$0xCF80] =	vst v1;
	v1 =	vsel vm4, v50, v3;
	vm4 =	vgt.s32 v44, v20;
	v3 =	vor.u32 $0x38A0, v0  }
0x17f: {  	[tilespmem:$0xCF90] =	vst v1;
	v1 =	vsel vm4, v49, v3;
	vm4 =	vgt.s32 v44, v22;
	v3 =	vor.u32 $0x38B0, v0  }
0x180: {  	[tilespmem:$0xCFA0] =	vst v1;
	v1 =	vsel vm4, v48, v3;
	vm4 =	vgt.s32 v44, v24;
	v3 =	vor.u32 $0x38C0, v0  }
0x181: {  	[tilespmem:$0xCFB0] =	vst v1;
	v1 =	vsel vm4, v47, v3;
	vm4 =	vgt.s32 v44, v26;
	v3 =	vor.u32 $0x38D0, v0  }
0x182: {  	[tilespmem:$0xCFC0] =	vst v1;
	v1 =	vsel vm4, v46, v3;
	vm4 =	vgt.s32 v44, v28;
	v3 =	vor.u32 $0x38E0, v0  }
0x183: {  	[tilespmem:$0xCFD0] =	vst v1;
	v1 =	vsel vm4, v45, v3;
	vm4 =	vgt.s32 v44, v30;
	v3 =	vor.u32 $0x38F0, v0  }
0x184: {  	[tilespmem:$0xCFE0] =	vst v1;
	v1 =	vsel vm4, v43, v3  }
0x185: {  	[tilespmem:$0xCFF0] =	vst v1  }
0x186: {  	[spmem:s2] =	stream.indirect.scatter [tilespmem:s17], [sflag:$0x2], $0x1, s25, s24, $0xb8;
	[tilespmem:$0xE490] =	vst v63  }
0x187: {  	_ = 	snop  }
0x188: {  	[spmem:s3] =	stream.indirect.scatter [tilespmem:s18], [sflag:$0x2], $0x1, s25, s24, $0xb8;
	[tilespmem:$0xE490] =	vst v63  }
0x189: {  	_ = 	snop  }
0x18a: {  	[spmem:s4] =	stream.indirect.scatter [tilespmem:s19], [sflag:$0x2], $0x1, s25, s24, $0xb8;
	[tilespmem:$0xE490] =	vst v63  }
0x18b: {  	s20 =	simm.s32 $0xC080  }
0x18c: {  	[spmem:s2] =	stream.indirect.scatter [tilespmem:s20], [sflag:$0x2], $0x1, s26, s24, $0xb8;
	[tilespmem:$0xE490] =	vst v63  }
0x18d: {  	s22 =	simm.s32 $0xC480  }
0x18e: {  	[spmem:s3] =	stream.indirect.scatter [tilespmem:s22], [sflag:$0x2], $0x1, s26, s24, $0xb8;
	[tilespmem:$0xE490] =	vst v63  }
0x18f: {  	s29 =	simm.s32 $0xC880  }
0x190: {  	[spmem:s4] =	stream.indirect.scatter [tilespmem:s29], [sflag:$0x2], $0x1, s26, s24, $0xb8;
	[tilespmem:$0xE490] =	vst v63  }
0x191: {  	s10 =	simm.s32 $0xC100  }
0x192: {  	[spmem:s2] =	stream.indirect.scatter [tilespmem:s10], [sflag:$0x2], $0x1, s31, s24, $0xb8;
	[tilespmem:$0xE490] =	vst v63  }
0x193: {  	s11 =	simm.s32 $0xC500  }
0x194: {  	[spmem:s3] =	stream.indirect.scatter [tilespmem:s11], [sflag:$0x2], $0x1, s31, s24, $0xb8;
	[tilespmem:$0xE490] =	vst v63  }
0x195: {  	s15 =	simm.s32 $0xC900  }
0x196: {  	[spmem:s4] =	stream.indirect.scatter [tilespmem:s15], [sflag:$0x2], $0x1, s31, s24, $0xb8;
	[tilespmem:$0xE490] =	vst v63  }
0x197: {  	s20 =	simm.s32 $0xC180  }
0x198: {  	[spmem:s2] =	stream.indirect.scatter [tilespmem:s20], [sflag:$0x2], $0x1, s14, s24, $0xb8;
	[tilespmem:$0xE490] =	vst v63  }
0x199: {  	s22 =	simm.s32 $0xC580  }
0x19a: {  	[spmem:s3] =	stream.indirect.scatter [tilespmem:s22], [sflag:$0x2], $0x1, s14, s24, $0xb8;
	[tilespmem:$0xE490] =	vst v63  }
0x19b: {  	s29 =	simm.s32 $0xC980  }
0x19c: {  	[spmem:s4] =	stream.indirect.scatter [tilespmem:s29], [sflag:$0x2], $0x1, s14, s24, $0xb8;
	[tilespmem:$0xE490] =	vst v63  }
0x19d: {  	s10 =	simm.s32 $0xC200  }
0x19e: {  	[spmem:s2] =	stream.indirect.scatter [tilespmem:s10], [sflag:$0x2], $0x1, s28, s24, $0xb8;
	[tilespmem:$0xE490] =	vst v63  }
0x19f: {  	s11 =	simm.s32 $0xC600  }
0x1a0: {  	[spmem:s3] =	stream.indirect.scatter [tilespmem:s11], [sflag:$0x2], $0x1, s28, s24, $0xb8;
	[tilespmem:$0xE490] =	vst v63  }
0x1a1: {  	s15 =	simm.s32 $0xCA00  }
0x1a2: {  	[spmem:s4] =	stream.indirect.scatter [tilespmem:s15], [sflag:$0x2], $0x1, s28, s24, $0xb8;
	[tilespmem:$0xE490] =	vst v63  }
0x1a3: {  	s20 =	simm.s32 $0xC280  }
0x1a4: {  	[spmem:s2] =	stream.indirect.scatter [tilespmem:s20], [sflag:$0x2], $0x1, s6, s24, $0xb8;
	[tilespmem:$0xE490] =	vst v63  }
0x1a5: {  	s22 =	simm.s32 $0xC680  }
0x1a6: {  	[spmem:s3] =	stream.indirect.scatter [tilespmem:s22], [sflag:$0x2], $0x1, s6, s24, $0xb8;
	[tilespmem:$0xE490] =	vst v63  }
0x1a7: {  	s29 =	simm.s32 $0xCA80  }
0x1a8: {  	[spmem:s4] =	stream.indirect.scatter [tilespmem:s29], [sflag:$0x2], $0x1, s6, s24, $0xb8;
	[tilespmem:$0xE490] =	vst v63  }
0x1a9: {  	s10 =	simm.s32 $0xC300  }
0x1aa: {  	[spmem:s2] =	stream.indirect.scatter [tilespmem:s10], [sflag:$0x2], $0x1, s23, s24, $0xb8;
	[tilespmem:$0xE490] =	vst v63  }
0x1ab: {  	s11 =	simm.s32 $0xC700  }
0x1ac: {  	[spmem:s3] =	stream.indirect.scatter [tilespmem:s11], [sflag:$0x2], $0x1, s23, s24, $0xb8;
	[tilespmem:$0xE490] =	vst v63  }
0x1ad: {  	s15 =	simm.s32 $0xCB00  }
0x1ae: {  	[spmem:s4] =	stream.indirect.scatter [tilespmem:s15], [sflag:$0x2], $0x1, s23, s24, $0xb8;
	[tilespmem:$0xE490] =	vst v63  }
0x1af: {  	s20 =	simm.s32 $0xC380  }
0x1b0: {  	[spmem:s2] =	stream.indirect.scatter [tilespmem:s20], [sflag:$0x2], $0x1, s1, s24, $0xb8;
	[tilespmem:$0xE490] =	vst v63  }
0x1b1: {  	s22 =	simm.s32 $0xC780  }
0x1b2: {  	[spmem:s3] =	stream.indirect.scatter [tilespmem:s22], [sflag:$0x2], $0x1, s1, s24, $0xb8;
	[tilespmem:$0xE490] =	vst v63  }
0x1b3: {  	s29 =	simm.s32 $0xCB80  }
0x1b4: {  	[spmem:s4] =	stream.indirect.scatter [tilespmem:s29], [sflag:$0x2], $0x1, s1, s24, $0xb8;
	[tilespmem:$0xE490] =	vst v63  }
0x1b5: {  	_ =	swait.ge [sflag:s30], $0x80  }
0x1b6: {  	[sflag:s30] =	ssyncset.done $0x0  }
0x1b7: {  	[sflag:s30] =	ssyncadd.s32 $0xFFFFFF80  }
0x1b8: {  	_ =	swait.ge [sflag:s30], $0x80  }
0x1b9: {  	[sflag:s30] =	ssyncset.done $0x0  }
0x1ba: {  	[sflag:s30] =	ssyncadd.s32 $0xFFFFFF80  }
0x1bb: {  	_ =	swait.ge [sflag:s30], $0x80  }
0x1bc: {  	[sflag:s30] =	ssyncset.done $0x0  }
0x1bd: {  	[sflag:s30] =	ssyncadd.s32 $0xFFFFFF80  }
0x1be: {  	_ =	swait.ge [sflag:s30], $0x80  }
0x1bf: {  	[sflag:s30] =	ssyncset.done $0x0  }
0x1c0: {  	[sflag:s30] =	ssyncadd.s32 $0xFFFFFF80  }
0x1c1: {  	_ =	swait.ge [sflag:s30], $0x80  }
0x1c2: {  	[sflag:s30] =	ssyncset.done $0x0  }
0x1c3: {  	[sflag:s30] =	ssyncadd.s32 $0xFFFFFF80  }
0x1c4: {  	_ =	swait.ge [sflag:s30], $0x80  }
0x1c5: {  	[sflag:s30] =	ssyncset.done $0x0  }
0x1c6: {  	[sflag:s30] =	ssyncadd.s32 $0xFFFFFF80  }
0x1c7: {  	_ =	swait.ge [sflag:s30], $0x80  }
0x1c8: {  	[sflag:s30] =	ssyncset.done $0x0  }
0x1c9: {  	[sflag:s30] =	ssyncadd.s32 $0xFFFFFF80  }
0x1ca: {  	_ =	swait.ge [sflag:s30], $0x80  }
0x1cb: {  	[sflag:s30] =	ssyncset.done $0x0  }
0x1cc: {  	[sflag:s30] =	ssyncadd.s32 $0xFFFFFF80  }
0x1cd: {  	_ =	swait.ge [sflag:s30], $0x80  }
0x1ce: {  	[sflag:s30] =	ssyncset.done $0x0  }
0x1cf: {  	[sflag:s30] =	ssyncadd.s32 $0xFFFFFF80  }
0x1d0: {  	_ =	swait.ge [sflag:s30], $0x80  }
0x1d1: {  	[sflag:s30] =	ssyncset.done $0x0  }
0x1d2: {  	[sflag:s30] =	ssyncadd.s32 $0xFFFFFF80  }
0x1d3: {  	_ =	swait.ge [sflag:s30], $0x80  }
0x1d4: {  	[sflag:s30] =	ssyncset.done $0x0  }
0x1d5: {  	[sflag:s30] =	ssyncadd.s32 $0xFFFFFF80  }
0x1d6: {  	_ =	swait.ge [sflag:s30], $0x80  }
0x1d7: {  	[sflag:s30] =	ssyncset.done $0x0  }
0x1d8: {  	[sflag:s30] =	ssyncadd.s32 $0xFFFFFF80  }
0x1d9: {  	_ =	swait.ge [sflag:s30], $0x80  }
0x1da: {  	[sflag:s30] =	ssyncset.done $0x0  }
0x1db: {  	[sflag:s30] =	ssyncadd.s32 $0xFFFFFF80  }
0x1dc: {  	_ =	swait.ge [sflag:s30], $0x80  }
0x1dd: {  	[sflag:s30] =	ssyncset.done $0x0  }
0x1de: {  	[sflag:s30] =	ssyncadd.s32 $0xFFFFFF80  }
0x1df: {  	_ =	swait.ge [sflag:s30], $0x80  }
0x1e0: {  	[sflag:s30] =	ssyncset.done $0x0  }
0x1e1: {  	[sflag:s30] =	ssyncadd.s32 $0xFFFFFF80  }
0x1e2: {  	_ =	swait.ge [sflag:s30], $0x80  }
0x1e3: {  	[sflag:s30] =	ssyncset.done $0x0  }
0x1e4: {  	[sflag:s30] =	ssyncadd.s32 $0xFFFFFF80  }
0x1e5: {  	_ =	swait.ge [sflag:s30], $0x80  }
0x1e6: {  	[sflag:s30] =	ssyncset.done $0x0  }
0x1e7: {  	[sflag:s30] =	ssyncadd.s32 $0xFFFFFF80  }
0x1e8: {  	_ =	swait.ge [sflag:s30], $0x80  }
0x1e9: {  	[sflag:s30] =	ssyncset.done $0x0  }
0x1ea: {  	[sflag:s30] =	ssyncadd.s32 $0xFFFFFF80  }
0x1eb: {  	_ =	swait.ge [sflag:s30], $0x80  }
0x1ec: {  	[sflag:s30] =	ssyncset.done $0x0  }
0x1ed: {  	[sflag:s30] =	ssyncadd.s32 $0xFFFFFF80  }
0x1ee: {  	_ =	swait.ge [sflag:s30], $0x80  }
0x1ef: {  	[sflag:s30] =	ssyncset.done $0x0  }
0x1f0: {  	[sflag:s30] =	ssyncadd.s32 $0xFFFFFF80  }
0x1f1: {  	_ =	swait.ge [sflag:s30], $0x80  }
0x1f2: {  	[sflag:s30] =	ssyncset.done $0x0  }
0x1f3: {  	[sflag:s30] =	ssyncadd.s32 $0xFFFFFF80  }
0x1f4: {  	_ =	swait.ge [sflag:s30], $0x80  }
0x1f5: {  	[sflag:s30] =	ssyncset.done $0x0  }
0x1f6: {  	[sflag:s30] =	ssyncadd.s32 $0xFFFFFF80  }
0x1f7: {  	_ =	swait.ge [sflag:s30], $0x80  }
0x1f8: {  	[sflag:s30] =	ssyncset.done $0x0  }
0x1f9: {  	[sflag:s30] =	ssyncadd.s32 $0xFFFFFF80  }
.Ltmp6:
0x1fa: {  	_ =	swait.ge [sflag:s30], $0x80;
	(pc) =	sbr.rel @p1 .LBB2_23-.Ltmp6, $3  }
0x1fb: {  	[sflag:s30] =	ssyncset.done $0x0  }
0x1fc: {  	[sflag:s30] =	ssyncadd.s32 $0xFFFFFF80  }
0x1fd: {  	[bflag:$0x0] =	sbarrier.arrive $0xFFFF;
	_ =	sdelay $0x1  }
0x1fe: {  	s9 =	sld [smem:$0x7F1];
	_ =	sdelay $0x2  }
0x1ff: {  	p2 =	seq.s32 s9, $0x1  }
.Ltmp7:
0x200: {  	_ = 	snop;
	(pc) =	sbr.rel @p2 .LBB2_19-.Ltmp7, $1  }
0x201: {  	_ =	sdelay $0x3  }
.Ltmp8:
0x202: {  	(pc) =	sbr.rel @p0 .LBB2_32-.Ltmp8, $1  }
0x203: {  	_ =	sdelay $0x3  }
0x204: {  	s9 =	sld [smem:$0x7F2];
	_ =	sdelay $0x2  }
0x205: {  	p2 =	seq.s32 s9, $0x1  }
.Ltmp9:
0x206: {  	_ = 	snop;
	(pc) =	sbr.rel @p2 .LBB2_33-.Ltmp9, $1  }
0x207: {  	_ =	sdelay $0x3  }
0x208: {  	s9 =	sld [smem:$0x7F3];
	_ =	sdelay $0x2  }
0x209: {  	p2 =	seq.s32 s9, $0x1  }
.Ltmp10:
0x20a: {  	_ = 	snop;
	(pc) =	sbr.rel @!p2 .LBB2_41-.Ltmp10, $1  }
0x20b: {  	_ =	sdelay $0x3  }
.Ltmp11:
0x20c: {  	(pc) =	sbr.rel .LBB2_40-.Ltmp11, $3  }
0x20d: {  	_ =	sdelay $0x1  }
0x20e: {  	s9 =	sshrl.u32 s4, $0x3;
	s10 =	rddreg [dreg:$0x10];
	s11 =	simm.s32 $0x1C83  }
0x20f: {  	[hbm:s10], [sflag:s11] =	dma.local [spmem:s9], $0x100  }
.LBB2_23:
0x210: {  	s9 =	sld [smem:$0x7F7];
	_ =	sdelay $0x2  }
0x211: {  	p2 =	seq.s32 s9, $0x1  }
.Ltmp12:
0x212: {  	_ = 	snop;
	(pc) =	sbr.rel @p2 .LBB2_28-.Ltmp12, $1  }
0x213: {  	_ =	sdelay $0x3  }
0x214: {  	s9 =	sld [smem:$0x7F8];
	_ =	sdelay $0x2  }
0x215: {  	p2 =	seq.s32 s9, $0x1  }
.Ltmp13:
0x216: {  	_ = 	snop;
	(pc) =	sbr.rel @p2 .LBB2_36-.Ltmp13, $1  }
0x217: {  	_ =	sdelay $0x3  }
0x218: {  	s9 =	sld [smem:$0x7F9];
	_ =	sdelay $0x2  }
0x219: {  	p2 =	seq.s32 s9, $0x1  }
.Ltmp14:
0x21a: {  	_ = 	snop;
	(pc) =	sbr.rel @p2 .LBB2_37-.Ltmp14, $1  }
0x21b: {  	_ =	sdelay $0x3  }
0x21c: {  	s9 =	sld [smem:$0x7FA];
	_ =	sdelay $0x2  }
0x21d: {  	p2 =	seq.s32 s9, $0x1  }
.Ltmp15:
0x21e: {  	_ = 	snop;
	(pc) =	sbr.rel @!p2 .LBB2_41-.Ltmp15, $1  }
0x21f: {  	_ =	sdelay $0x3  }
.Ltmp16:
0x220: {  	(pc) =	sbr.rel .LBB2_40-.Ltmp16, $4  }
0x221: {  	_ = 	snop  }
0x222: {  	s9 =	rddreg [dreg:$0xa]  }
0x223: {  	s10 =	rddreg [dreg:$0x19];
	s11 =	simm.s32 $0x1E03  }
0x224: {  	[hbm:s9], [sflag:s11] =	dma.local [spmem:s10], $0x100  }
.LBB2_19:
0x225: {  	s9 =	sld [smem:$0x7F4];
	_ =	sdelay $0x2  }
0x226: {  	p2 =	seq.s32 s9, $0x1  }
.Ltmp17:
0x227: {  	_ = 	snop;
	(pc) =	sbr.rel @p2 .LBB2_34-.Ltmp17, $1  }
0x228: {  	_ =	sdelay $0x3  }
0x229: {  	s9 =	sld [smem:$0x7F5];
	_ =	sdelay $0x2  }
0x22a: {  	p2 =	seq.s32 s9, $0x1  }
.Ltmp18:
0x22b: {  	_ = 	snop;
	(pc) =	sbr.rel @p2 .LBB2_35-.Ltmp18, $1  }
0x22c: {  	_ =	sdelay $0x3  }
0x22d: {  	s9 =	sld [smem:$0x7F6];
	_ =	sdelay $0x2  }
0x22e: {  	p2 =	seq.s32 s9, $0x1  }
.Ltmp19:
0x22f: {  	_ = 	snop;
	(pc) =	sbr.rel @!p2 .LBB2_41-.Ltmp19, $1  }
0x230: {  	_ =	sdelay $0x3  }
.Ltmp20:
0x231: {  	(pc) =	sbr.rel .LBB2_40-.Ltmp20, $4  }
0x232: {  	_ = 	snop  }
0x233: {  	s9 =	rddreg [dreg:$0xd]  }
0x234: {  	s10 =	rddreg [dreg:$0x16];
	s11 =	simm.s32 $0x1D43  }
0x235: {  	[hbm:s9], [sflag:s11] =	dma.local [spmem:s10], $0x100  }
.LBB2_28:
0x236: {  	s9 =	sld [smem:$0x7FB];
	_ =	sdelay $0x2  }
0x237: {  	p2 =	seq.s32 s9, $0x1  }
.Ltmp21:
0x238: {  	_ = 	snop;
	(pc) =	sbr.rel @p2 .LBB2_38-.Ltmp21, $1  }
0x239: {  	_ =	sdelay $0x3  }
0x23a: {  	s9 =	sld [smem:$0x7FC];
	_ =	sdelay $0x2  }
0x23b: {  	p2 =	seq.s32 s9, $0x1  }
.Ltmp22:
0x23c: {  	_ = 	snop;
	(pc) =	sbr.rel @p2 .LBB2_39-.Ltmp22, $1  }
0x23d: {  	_ =	sdelay $0x3  }
0x23e: {  	s9 =	sld [smem:$0x7FD];
	_ =	sdelay $0x2  }
0x23f: {  	p2 =	seq.s32 s9, $0x1  }
.Ltmp23:
0x240: {  	_ = 	snop;
	(pc) =	sbr.rel @!p2 .LBB2_41-.Ltmp23, $1  }
0x241: {  	_ =	sdelay $0x3  }
.Ltmp24:
0x242: {  	(pc) =	sbr.rel .LBB2_40-.Ltmp24, $4  }
0x243: {  	_ = 	snop  }
0x244: {  	s9 =	rddreg [dreg:$0x7]  }
0x245: {  	s10 =	rddreg [dreg:$0x1c];
	s11 =	simm.s32 $0x1EC3  }
0x246: {  	[hbm:s9], [sflag:s11] =	dma.local [spmem:s10], $0x100  }
.LBB2_32:
.Ltmp25:
0x247: {  	(pc) =	sbr.rel .LBB2_40-.Ltmp25, $3  }
0x248: {  	_ =	sdelay $0x1  }
0x249: {  	s9 =	sshrl.u32 s2, $0x3;
	s10 =	rddreg [dreg:$0x12];
	s11 =	simm.s32 $0x1C03  }
0x24a: {  	[hbm:s10], [sflag:s11] =	dma.local [spmem:s9], $0x100  }
.LBB2_36:
.Ltmp26:
0x24b: {  	(pc) =	sbr.rel .LBB2_40-.Ltmp26, $4  }
0x24c: {  	_ = 	snop  }
0x24d: {  	s9 =	rddreg [dreg:$0xc]  }
0x24e: {  	s10 =	rddreg [dreg:$0x17];
	s11 =	simm.s32 $0x1D83  }
0x24f: {  	[hbm:s9], [sflag:s11] =	dma.local [spmem:s10], $0x100  }
.LBB2_34:
.Ltmp27:
0x250: {  	(pc) =	sbr.rel .LBB2_40-.Ltmp27, $4  }
0x251: {  	_ = 	snop  }
0x252: {  	s9 =	rddreg [dreg:$0xf]  }
0x253: {  	s10 =	rddreg [dreg:$0x14];
	s11 =	simm.s32 $0x1CC3  }
0x254: {  	[hbm:s9], [sflag:s11] =	dma.local [spmem:s10], $0x100  }
.LBB2_38:
.Ltmp28:
0x255: {  	(pc) =	sbr.rel .LBB2_40-.Ltmp28, $4  }
0x256: {  	_ = 	snop  }
0x257: {  	s9 =	rddreg [dreg:$0x9]  }
0x258: {  	s10 =	rddreg [dreg:$0x1a];
	s11 =	simm.s32 $0x1E43  }
0x259: {  	[hbm:s9], [sflag:s11] =	dma.local [spmem:s10], $0x100  }
.LBB2_33:
.Ltmp29:
0x25a: {  	(pc) =	sbr.rel .LBB2_40-.Ltmp29, $3  }
0x25b: {  	_ =	sdelay $0x1  }
0x25c: {  	s9 =	sshrl.u32 s3, $0x3;
	s10 =	rddreg [dreg:$0x11];
	s11 =	simm.s32 $0x1C43  }
0x25d: {  	[hbm:s10], [sflag:s11] =	dma.local [spmem:s9], $0x100  }
.LBB2_37:
.Ltmp30:
0x25e: {  	(pc) =	sbr.rel .LBB2_40-.Ltmp30, $4  }
0x25f: {  	_ = 	snop  }
0x260: {  	s9 =	rddreg [dreg:$0xb]  }
0x261: {  	s10 =	rddreg [dreg:$0x18];
	s11 =	simm.s32 $0x1DC3  }
0x262: {  	[hbm:s9], [sflag:s11] =	dma.local [spmem:s10], $0x100  }
.LBB2_35:
.Ltmp31:
0x263: {  	(pc) =	sbr.rel .LBB2_40-.Ltmp31, $4  }
0x264: {  	_ = 	snop  }
0x265: {  	s9 =	rddreg [dreg:$0xe]  }
0x266: {  	s10 =	rddreg [dreg:$0x15];
	s11 =	simm.s32 $0x1D03  }
0x267: {  	[hbm:s9], [sflag:s11] =	dma.local [spmem:s10], $0x100  }
.LBB2_39:
0x268: {  	s9 =	rddreg [dreg:$0x8]  }
0x269: {  	s10 =	rddreg [dreg:$0x1b];
	s11 =	simm.s32 $0x1E83  }
0x26a: {  	[hbm:s9], [sflag:s11] =	dma.local [spmem:s10], $0x100  }
.LBB2_40:
0x26b: {  	_ =	swait.ge [sflag:s21], $0x100  }
0x26c: {  	[sflag:s21] =	ssyncset.done $0x0  }
0x26d: {  	[sflag:s21] =	ssyncadd.s32 $0xFFFFFF00  }
.LBB2_41:
0x26e: {  	s0 =	sadd.s32 $0x1, s0;
	s9 =	rddreg [dreg:$0x13]  }
0x26f: {  	p2 =	sne.s32 s0, s9  }
.Ltmp32:
0x270: {  	_ = 	snop;
	(pc) =	sbr.rel @p2 .LBB2_1-.Ltmp32, $4  }
.Ltmp33:
0x271: {  	_ = 	snop;
	(pc) =	sbr.rel @!p2 .LBB2_42-.Ltmp33, $4  }
0x272: {  	_ = 	snop  }
0x273: {  	_ = 	snop  }
0x274: {  	_ = 	snop  }
0x275: {  	_ = 	snop  }
.LBB2_4:
.Ltmp34:
0x276: {  	(pc) =	sbr.rel .LBB2_9-.Ltmp34, $2  }
0x277: {  	_ =	sdelay $0x2  }
0x278: {  	v42 =	vimm.s32 $0x0;
	s20 =	simm.s32 $0x0  }
.LBB2_6:
.Ltmp35:
0x279: {  	(pc) =	sbr.rel .LBB2_9-.Ltmp35, $2  }
0x27a: {  	_ =	sdelay $0x2  }
0x27b: {  	v41 =	vmov v44;
	v42 =	vmov v44  }
.LBB2_42:
0x27c: {  	_ =	sfence.sel $0x180000  }
0x27d: {  	[bflag:$0x0] =	sbarrier.arrive $0xFFFF  }
0x27e: {  	_ =	strace $0x90000047  }
0x27f: {  	s0 =	stileid.u32;
	[bflag:$0x2] =	sbarrier.arrive $0xFFFF  }
0x280: {  	p0 =	sne.s32 s0, $0x0;
	s0 =	rddreg [dreg:$0x5]  }
0x281: {  	s0 =	sadd.s32 @!p0 $0x100000, s0  }
0x282: {  	[sflag:s0] =	ssyncadd.tile.s32 @!p0 $0x1;
	_ =	shalt  }
.Lfunc_end2:
_tile_overlayer_lowered:
.L_overlay_start_2:
0x283: {  	(tag) =	ssettag $0x2  }
0x284: {  	s0 =	rddreg [dreg:$0x0];
	s2 =	stileid.u32  }
0x285: {  	s1 =	rddreg [dreg:$0x1];
	p0 =	sne.s32 s2, $0x0  }
0x286: {  	s3 =	rddreg [dreg:$0x2];
	[bflag:$0x3] =	sbarrier.arrive $0xFFFF;
	s2 =	simm.s32 @!p0 $0x1C03  }
0x287: {  	[timem:s3], [sflag:s2] =	dma.local @!p0 [hbm:s0], s1  }
0x288: {  	s0 =	simm.s32 @!p0 $0x3  }
0x289: {  	_ =	swait.ge @!p0 [sflag:s0], s1  }
0x28a: {  	s1 =	ssub.s32 @!p0 $0x0, s1;
	[sflag:s0] =	ssyncset.done @!p0 $0x0  }
0x28b: {  	[sflag:s0] =	ssyncadd.s32 @!p0 s1  }
0x28c: {  	[bflag:$0x3] =	sbarrier.arrive $0xFFFF  }
0x28d: {  	_ =	shalt  }

</sc_bundles>
